<compile_context>
chip_gen: v7x
topology: tpu7x:2x2x1
jax: 0.10.2.dev20260603
libtpu: 0.0.44.dev20260713+nightly
codegen_flags: <defaults>
</compile_context>

<pallas_src>
import functools

import jax
import jax.numpy as jnp
from jax import lax
from jax.experimental import pallas as pl
from jax.experimental.pallas import tpu as pltpu
from jax.experimental.pallas import tpu_sc as plsc

B, O, T, D, H, PO, P = 2, 10000, 160000, 128, 128, 128, 64
BT = B * T
W1B_OUT = 2 * H + PO
NC, NS = 2, 16
NW = NC * NS
EPW = T // NW
CH = 80
NCH = EPW // CH
TAIL = EPW - NCH * CH
OPAD = 10240
ZR = OPAD // NS
CROWS = OPAD // D

_sc_mesh = plsc.VectorSubcoreMesh(core_axis_name="c", subcore_axis_name="s")


@functools.partial(
    pl.kernel,
    out_type=(jax.ShapeDtypeStruct((T, D), jnp.float32),
              jax.ShapeDtypeStruct((T, D), jnp.float32)),
    mesh=_sc_mesh,
    scratch_types=[
        pltpu.VMEM((CH,), jnp.int32),
        pltpu.VMEM((CH, D), jnp.float32),
        pltpu.VMEM((CH,), jnp.int32),
        pltpu.VMEM((CH, D), jnp.float32),
        pltpu.VMEM((TAIL,), jnp.int32),
        pltpu.VMEM((TAIL, D), jnp.float32),
        pltpu.VMEM((TAIL,), jnp.int32),
        pltpu.VMEM((TAIL, D), jnp.float32),
        pltpu.SemaphoreType.DMA,
        pltpu.SemaphoreType.DMA,
    ],
)
def _gather_k(obj_hbm, sidx_hbm, oidx_hbm, outs_hbm, outo_hbm,
              sidx_v, srows_v, oidx_v, orows_v,
              sidx_t, srows_t, oidx_t, orows_t, ssem, osem):
    wid = lax.axis_index("s") * NC + lax.axis_index("c")
    base = wid * EPW

    def chunk(i, carry):
        off = base + i * CH
        pltpu.sync_copy(sidx_hbm.at[pl.ds(off, CH)], sidx_v)
        pltpu.sync_copy(oidx_hbm.at[pl.ds(off, CH)], oidx_v)
        s_dma = pltpu.async_copy(obj_hbm.at[sidx_v], srows_v, ssem)
        o_dma = pltpu.async_copy(obj_hbm.at[oidx_v], orows_v, osem)
        s_dma.wait()
        o_dma.wait()
        pltpu.sync_copy(srows_v, outs_hbm.at[pl.ds(off, CH)])
        pltpu.sync_copy(orows_v, outo_hbm.at[pl.ds(off, CH)])
        return carry

    lax.fori_loop(0, NCH, chunk, 0)
    off = base + NCH * CH
    pltpu.sync_copy(sidx_hbm.at[pl.ds(off, TAIL)], sidx_t)
    pltpu.sync_copy(oidx_hbm.at[pl.ds(off, TAIL)], oidx_t)
    s_dma = pltpu.async_copy(obj_hbm.at[sidx_t], srows_t, ssem)
    o_dma = pltpu.async_copy(obj_hbm.at[oidx_t], orows_t, osem)
    s_dma.wait()
    o_dma.wait()
    pltpu.sync_copy(srows_t, outs_hbm.at[pl.ds(off, TAIL)])
    pltpu.sync_copy(orows_t, outo_hbm.at[pl.ds(off, TAIL)])


@functools.partial(
    pl.kernel,
    out_type=jax.ShapeDtypeStruct((NC * OPAD, D), jnp.float32),
    mesh=_sc_mesh,
    scratch_types=[
        pltpu.VMEM_SHARED((OPAD, D), jnp.float32),
        pltpu.VMEM((CH,), jnp.int32),
        pltpu.VMEM((CH, D), jnp.float32),
        pltpu.VMEM((CH,), jnp.int32),
        pltpu.VMEM((CH, D), jnp.float32),
        pltpu.VMEM((TAIL,), jnp.int32),
        pltpu.VMEM((TAIL, D), jnp.float32),
        pltpu.VMEM((TAIL,), jnp.int32),
        pltpu.VMEM((TAIL, D), jnp.float32),
    ],
)
def _scatter_k(sidx_hbm, oidx_hbm, cs_hbm, co_hbm, zeros_hbm, outv_hbm,
               acc, sidx_v, srows_v, oidx_v, orows_v,
               sidx_t, srows_t, oidx_t, orows_t):
    c = lax.axis_index("c")
    sid = lax.axis_index("s")
    pltpu.sync_copy(zeros_hbm.at[pl.ds(0, ZR)], acc.at[pl.ds(sid * ZR, ZR)])
    plsc.subcore_barrier()

    base = (c * NS + sid) * EPW

    def chunk(i, carry):
        off = base + i * CH
        pltpu.sync_copy(sidx_hbm.at[pl.ds(off, CH)], sidx_v)
        pltpu.sync_copy(cs_hbm.at[pl.ds(off, CH)], srows_v)
        pltpu.sync_copy(srows_v, acc.at[sidx_v], add=True)
        pltpu.sync_copy(oidx_hbm.at[pl.ds(off, CH)], oidx_v)
        pltpu.sync_copy(co_hbm.at[pl.ds(off, CH)], orows_v)
        pltpu.sync_copy(orows_v, acc.at[oidx_v], add=True)
        return carry

    lax.fori_loop(0, NCH, chunk, 0)
    off = base + NCH * CH
    pltpu.sync_copy(sidx_hbm.at[pl.ds(off, TAIL)], sidx_t)
    pltpu.sync_copy(cs_hbm.at[pl.ds(off, TAIL)], srows_t)
    pltpu.sync_copy(srows_t, acc.at[sidx_t], add=True)
    pltpu.sync_copy(oidx_hbm.at[pl.ds(off, TAIL)], oidx_t)
    pltpu.sync_copy(co_hbm.at[pl.ds(off, TAIL)], orows_t)
    pltpu.sync_copy(orows_t, acc.at[oidx_t], add=True)

    plsc.subcore_barrier()
    pltpu.sync_copy(acc.at[pl.ds(sid * ZR, ZR)],
                    outv_hbm.at[pl.ds(c * OPAD + sid * ZR, ZR)])


PREP_TILE = 640
MLP_TILE = 640


def _prep_body(scal_ref, ptw_ref, ccf_ref, cnt_ref):
    i = pl.program_id(0)
    tt = scal_ref[0:1, :]
    pid = scal_ref[1:2, :]
    w = scal_ref[2:3, :]
    sif = scal_ref[3:4, :]
    oif = scal_ref[4:5, :]

    ptp = jax.nn.sigmoid(ptw_ref[...])
    sub64 = lax.broadcasted_iota(jnp.int32, (P, PREP_TILE), 0).astype(jnp.float32)
    onehot = (sub64 == pid).astype(jnp.float32)
    conf_t = jnp.dot(ptp, onehot, preferred_element_type=jnp.float32)
    conf = jnp.where(tt == 0.0, 1.0, conf_t)
    cfw = conf * w
    ccf_ref[0:1, :] = conf
    ccf_ref[1:2, :] = cfw

    sub128 = lax.broadcasted_iota(jnp.int32, (D, PREP_TILE), 0).astype(jnp.float32)
    sub80 = lax.broadcasted_iota(jnp.int32, (CROWS, PREP_TILE), 0).astype(jnp.float32)

    def hist(node_f):
        hi = jnp.floor(node_f * (1.0 / 128.0))
        lo = node_f - hi * 128.0
        a = jnp.where(sub128 == lo, cfw, 0.0)
        bm = (sub80 == hi).astype(jnp.float32)
        return lax.dot_general(bm, a, (((1,), (1,)), ((), ())),
                               preferred_element_type=jnp.float32)

    contrib = hist(sif) + hist(oif)

    @pl.when(i == 0)
    def _():
        cnt_ref[...] = jnp.zeros_like(cnt_ref)

    cnt_ref[...] += contrib


def _make_prep_call(b):
    base = b * (T // PREP_TILE)
    return pl.pallas_call(
        _prep_body,
        grid=(T // PREP_TILE,),
        in_specs=[
            pl.BlockSpec((5, PREP_TILE), lambda i: (0, base + i)),
            pl.BlockSpec((1, P), lambda i: (0, 0)),
        ],
        out_specs=[
            pl.BlockSpec((2, PREP_TILE), lambda i: (0, i)),
            pl.BlockSpec((CROWS, D), lambda i: (0, 0)),
        ],
        out_shape=[
            jax.ShapeDtypeStruct((2, T), jnp.float32),
            jax.ShapeDtypeStruct((CROWS, D), jnp.float32),
        ],
        compiler_params=pltpu.CompilerParams(dimension_semantics=("arbitrary",)),
    )


_prep_calls = [_make_prep_call(0), _make_prep_call(1)]


def _mlp_body(s_ref, p_ref, o_ref, ccf_ref,
              w1s_ref, w1p_ref, w1o_ref, b1a_ref, w1b_ref, b1b_ref,
              newp_ref, cs_ref, co_ref):
    s = s_ref[...]
    pv = p_ref[...]
    o = o_ref[...]
    eye2 = (lax.broadcasted_iota(jnp.int32, (2, 2), 0)
            == lax.broadcasted_iota(jnp.int32, (2, 2), 1)).astype(jnp.float32)
    ccf_t = lax.dot_general(ccf_ref[...], eye2, (((0,), (0,)), ((), ())),
                            precision=lax.Precision.HIGHEST,
                            preferred_element_type=jnp.float32)
    conf = ccf_t[:, 0:1]
    cfw = ccf_t[:, 1:2]

    h = (jnp.dot(s, w1s_ref[...], preferred_element_type=jnp.float32)
         + jnp.dot(pv, w1p_ref[...], preferred_element_type=jnp.float32)
         + jnp.dot(o, w1o_ref[...], preferred_element_type=jnp.float32)
         + b1a_ref[...])
    h = jnp.maximum(h, 0.0)
    new_t = jnp.dot(h, w1b_ref[...], preferred_element_type=jnp.float32) + b1b_ref[...]
    new_t = jnp.maximum(new_t, 0.0)

    newp_ref[...] = new_t[:, D:2 * D] * conf
    cs_ref[...] = new_t[:, :D] * cfw
    co_ref[...] = new_t[:, 2 * D:] * cfw


def _make_mlp_call(b):
    base = b * (T // MLP_TILE)
    return pl.pallas_call(
        _mlp_body,
        grid=(T // MLP_TILE,),
        in_specs=[
            pl.BlockSpec((MLP_TILE, D), lambda i: (i, 0)),
            pl.BlockSpec((MLP_TILE, D), lambda i: (base + i, 0)),
            pl.BlockSpec((MLP_TILE, D), lambda i: (i, 0)),
            pl.BlockSpec((2, MLP_TILE), lambda i: (0, i)),
            pl.BlockSpec((D, H), lambda i: (0, 0)),
            pl.BlockSpec((D, H), lambda i: (0, 0)),
            pl.BlockSpec((D, H), lambda i: (0, 0)),
            pl.BlockSpec((1, H), lambda i: (0, 0)),
            pl.BlockSpec((H, W1B_OUT), lambda i: (0, 0)),
            pl.BlockSpec((1, W1B_OUT), lambda i: (0, 0)),
        ],
        out_specs=[
            pl.BlockSpec((MLP_TILE, D), lambda i: (i, 0)),
            pl.BlockSpec((MLP_TILE, D), lambda i: (i, 0)),
            pl.BlockSpec((MLP_TILE, D), lambda i: (i, 0)),
        ],
        out_shape=[
            jax.ShapeDtypeStruct((T, D), jnp.float32),
            jax.ShapeDtypeStruct((T, D), jnp.float32),
            jax.ShapeDtypeStruct((T, D), jnp.float32),
        ],
        compiler_params=pltpu.CompilerParams(dimension_semantics=("arbitrary",)),
    )


_mlp_calls = [_make_mlp_call(0), _make_mlp_call(1)]


OUT_TILE = 2048
OBLK = OPAD // OUT_TILE


def _out_body(pa0_ref, pa1_ref, pb0_ref, pb1_ref, cnt_ref,
              w2a_ref, b2a_ref, w2b_ref, b2b_ref, out_ref):
    i = pl.program_id(0)
    is_b0 = jnp.where(i < OBLK, 1.0, 0.0)
    pooled = ((pa0_ref[...] + pa1_ref[...]) * is_b0
              + (pb0_ref[...] + pb1_ref[...]) * (1.0 - is_b0))
    cnt = cnt_ref[...]
    denom = jnp.where(cnt > 0.0, cnt, 1.0)
    pn = pooled / denom
    h2 = jnp.maximum(
        jnp.dot(pn, w2a_ref[...], preferred_element_type=jnp.float32)
        + b2a_ref[...], 0.0)
    out_ref[...] = jnp.maximum(
        jnp.dot(h2, w2b_ref[...], preferred_element_type=jnp.float32)
        + b2b_ref[...], 0.0)


_out_call = pl.pallas_call(
    _out_body,
    grid=(B * OPAD // OUT_TILE,),
    in_specs=[
        pl.BlockSpec((OUT_TILE, D), lambda i: (i % OBLK, 0)),
        pl.BlockSpec((OUT_TILE, D), lambda i: (OBLK + i % OBLK, 0)),
        pl.BlockSpec((OUT_TILE, D), lambda i: (i % OBLK, 0)),
        pl.BlockSpec((OUT_TILE, D), lambda i: (OBLK + i % OBLK, 0)),
        pl.BlockSpec((OUT_TILE, 1), lambda i: (i, 0)),
        pl.BlockSpec((H, H), lambda i: (0, 0)),
        pl.BlockSpec((1, H), lambda i: (0, 0)),
        pl.BlockSpec((H, D), lambda i: (0, 0)),
        pl.BlockSpec((1, D), lambda i: (0, 0)),
    ],
    out_specs=pl.BlockSpec((OUT_TILE, D), lambda i: (i, 0)),
    out_shape=jax.ShapeDtypeStruct((B * OPAD, D), jnp.float32),
    compiler_params=pltpu.CompilerParams(dimension_semantics=("arbitrary",)),
)


def kernel(obj_vecs, pred_vecs, edges, pred_indicators, triplet_type,
           predicate_ids, W1a, b1a, W1b, b1b, W2a, b2a, W2b, b2b, ptw):
    s_idx = edges[:, :, 0]
    o_idx = edges[:, :, 1]
    boff = (jnp.arange(B, dtype=jnp.int32) * O)[:, None]
    sflat_g = s_idx + boff
    oflat_g = o_idx + boff
    obj_flat = obj_vecs.reshape(B * O, D)

    scal = jnp.stack([
        triplet_type.astype(jnp.float32).reshape(BT),
        predicate_ids.astype(jnp.float32).reshape(BT),
        pred_indicators.astype(jnp.float32).reshape(BT),
        s_idx.astype(jnp.float32).reshape(BT),
        o_idx.astype(jnp.float32).reshape(BT),
    ])
    pred_flat = pred_vecs.reshape(BT, D)
    ptw2 = ptw.reshape(1, P)

    zeros = jnp.zeros((ZR, D), jnp.float32)
    w1s, w1p, w1o = W1a[:D], W1a[D:2 * D], W1a[2 * D:]
    b1a2 = b1a.reshape(1, H)
    b1b2 = b1b.reshape(1, W1B_OUT)

    new_ps, pvs, cnts = [], [], []
    for b in range(B):
        ccf_b, cnt_b = _prep_calls[b](scal, ptw2)
        cur_s, cur_o = _gather_k(obj_flat, sflat_g[b], oflat_g[b])
        new_p_b, cs_b, co_b = _mlp_calls[b](
            cur_s, pred_flat, cur_o, ccf_b,
            w1s, w1p, w1o, b1a2, W1b, b1b2)
        pv_b = _scatter_k(s_idx[b], o_idx[b], cs_b, co_b, zeros)
        new_ps.append(new_p_b)
        pvs.append(pv_b)
        cnts.append(cnt_b)

    cnt_col = jnp.concatenate(cnts).reshape(B * OPAD, 1)
    new_obj = _out_call(pvs[0], pvs[0], pvs[1], pvs[1], cnt_col,
                        W2a, b2a.reshape(1, H), W2b, b2b.reshape(1, D))
    new_p = jnp.stack(new_ps)
    return new_obj.reshape(B, OPAD, D)[:, :O], new_p

# --- scband reference (transcript-rebuilt; emitter-appended) ---
"""Pipeline reference for scband-graph-triple-conv-50740743635079 (READ-ONLY COPY).

The authoritative reference and input builder live on the scoring server;
editing this copy changes nothing except your own understanding.
"""

import jax, jax.numpy as jnp
import numpy as np

B, O, T, D, H, PO, P = 2, 10000, 160000, 128, 128, 128, 64
ORIGINAL_EDGE, TRANSITIVE_EDGE = 0, 1


def setup_inputs(seed: int = 0) -> dict:
    key = jax.random.key(seed)
    ks = jax.random.split(key, 12)
    def lin(k, fin, fout):
        return jax.random.normal(k, (fin, fout), jnp.float32) * np.sqrt(2.0 / fin)
    inp = {}
    inp["obj_vecs"] = jax.random.normal(ks[0], (B, O, D), jnp.float32)
    inp["pred_vecs"] = jax.random.normal(ks[1], (B, T, D), jnp.float32)
    inp["edges"] = jax.random.randint(ks[2], (B, T, 2), 0, O, jnp.int32)
    inp["pred_indicators"] = jax.random.randint(ks[3], (B, T), 0, 2, jnp.int32).astype(bool)
    inp["triplet_type"] = jax.random.randint(ks[4], (B, T), 0, 2, jnp.int32)
    inp["predicate_ids"] = jax.random.randint(ks[5], (B, T), 0, P, jnp.int32)
    # net1: [2*D + D, H, 2*H + PO], net2: [H, H, object_output_dim]
    inp["W1a"] = lin(ks[6], 2 * D + D, H)
    inp["b1a"] = jnp.zeros((H,), jnp.float32)
    inp["W1b"] = lin(ks[7], H, 2 * H + PO)
    inp["b1b"] = jnp.zeros((2 * H + PO,), jnp.float32)
    inp["W2a"] = lin(ks[8], H, H)
    inp["b2a"] = jnp.zeros((H,), jnp.float32)
    inp["W2b"] = lin(ks[9], H, D)
    inp["b2b"] = jnp.zeros((D,), jnp.float32)
    inp["ptw"] = jax.random.normal(ks[10], (P,), jnp.float32)  # predicates_transitive_weights
    return inp


def reference(obj_vecs, pred_vecs, edges, pred_indicators, triplet_type, predicate_ids,
              W1a, b1a, W1b, b1b, W2a, b2a, W2b, b2b, ptw):
    Bq, Oq, Dq = obj_vecs.shape
    s_idx = edges[:, :, 0]
    o_idx = edges[:, :, 1]
    def gather(idx):
        return jnp.take_along_axis(obj_vecs, jnp.broadcast_to(idx[:, :, None], (Bq, idx.shape[1], Dq)), axis=1)
    cur_s = gather(s_idx)
    cur_o = gather(o_idx)
    cur_t = jnp.concatenate([cur_s, pred_vecs, cur_o], axis=-1)
    h = jax.nn.relu(cur_t @ W1a + b1a)
    new_t = jax.nn.relu(h @ W1b + b1b)
    ptp = jax.nn.sigmoid(ptw)
    tt = triplet_type.astype(jnp.float32)
    conf = (tt == ORIGINAL_EDGE).astype(jnp.float32) + (tt == TRANSITIVE_EDGE).astype(jnp.float32) * ptp[predicate_ids]
    new_t = new_t * conf[:, :, None]
    Hd = W1a.shape[1]
    POd = W1b.shape[1] - 2 * Hd
    new_s = new_t[:, :, :Hd]
    new_p = new_t[:, :, Hd:Hd + POd]
    new_o = new_t[:, :, Hd + POd:]
    ind = pred_indicators.astype(jnp.float32)
    def pool_one(si, oi, ns, no, cf, w):
        pooled = jnp.zeros((Oq, Hd), jnp.float32)
        pooled = pooled.at[si].add(ns * w[:, None])
        pooled = pooled.at[oi].add(no * w[:, None])
        counts = jnp.zeros((Oq,), jnp.float32)
        counts = counts.at[si].add(cf * w)
        counts = counts.at[oi].add(cf * w)
        mask = counts > 0
        denom = jnp.where(mask, counts, 1.0)
        return jnp.where(mask[:, None], pooled / denom[:, None], pooled)
    pooled = jax.vmap(pool_one)(s_idx, o_idx, new_s, new_o, conf, ind)
    h2 = jax.nn.relu(pooled @ W2a + b2a)
    new_obj_vecs = jax.nn.relu(h2 @ W2b + b2b)
    return (new_obj_vecs, new_p)

if __name__ == "__main__":
    import jax
    _d = setup_inputs()
    print(jax.jit(kernel)(*tuple(_d.values())))

</pallas_src>

<mosaic_0001>
#map = affine_map<(d0, d1) -> (0)>
#map1 = affine_map<(d0, d1) -> (0, 0)>
module attributes {stable_mosaic.version = 14 : i64} {
  func.func @_scatter_k(%arg0: i32, %arg1: i32, %arg2: memref<160000xi32, #tpu.memory_space<hbm>>, %arg3: memref<160000xi32, #tpu.memory_space<hbm>>, %arg4: memref<160000x128xf32, #tpu.memory_space<hbm>>, %arg5: memref<160000x128xf32, #tpu.memory_space<hbm>>, %arg6: memref<640x128xf32, #tpu.memory_space<hbm>>, %arg7: memref<20480x128xf32, #tpu.memory_space<hbm>>, %arg8: memref<10240x128xf32, #tpu.memory_space<vmem_shared>>, %arg9: memref<80xi32, #tpu.memory_space<vmem>>, %arg10: memref<80x128xf32, #tpu.memory_space<vmem>>, %arg11: memref<80xi32, #tpu.memory_space<vmem>>, %arg12: memref<80x128xf32, #tpu.memory_space<vmem>>, %arg13: memref<40xi32, #tpu.memory_space<vmem>>, %arg14: memref<40x128xf32, #tpu.memory_space<vmem>>, %arg15: memref<40xi32, #tpu.memory_space<vmem>>, %arg16: memref<40x128xf32, #tpu.memory_space<vmem>>) attributes {dimension_semantics = [#tpu.dimension_semantics<core_parallel>, #tpu.dimension_semantics<subcore_parallel>], iteration_bounds = array<i64: 2, 16>, scalar_prefetch = 0 : i64, scratch_operands = 9 : i64, tpu.core_type = #tpu.core_type<sc_vector_subcore>, window_params = [{transform_indices = #map}, {transform_indices = #map}, {transform_indices = #map1}, {transform_indices = #map1}, {transform_indices = #map1}, {transform_indices = #map1}]} {
    %mul3A = arith.constant 640 : i32
    %mul3A_0 = arith.muli %arg1, %mul3A : i32
    "tpu.region"() ({
      %run_scoped3A = tpu.sem_alloc : memref<!tpu.dma_semaphore, #tpu.memory_space<semaphore_mem>>
      %dma_start3A = arith.constant 0 : i32
      %dma_start3A_20 = tpu.memref_slice %arg8[%mul3A_0, %dma_start3A] : memref<10240x128xf32, #tpu.memory_space<vmem_shared>> -> memref<640x128xf32, #tpu.memory_space<vmem_shared>>
      %dma_start3A_21 = arith.constant 0 : i32
      %dma_start3A_22 = arith.constant 0 : i32
      %dma_start3A_23 = tpu.memref_slice %arg6[%dma_start3A_21, %dma_start3A_22] : memref<640x128xf32, #tpu.memory_space<hbm>> -> memref<640x128xf32, #tpu.memory_space<hbm>>
      tpu.enqueue_dma source(%dma_start3A_23 : memref<640x128xf32, #tpu.memory_space<hbm>>) target(%dma_start3A_20 : memref<640x128xf32, #tpu.memory_space<vmem_shared>>) target_semaphore(%run_scoped3A : memref<!tpu.dma_semaphore, #tpu.memory_space<semaphore_mem>>)
      %dma_wait3A = arith.constant 0 : i32
      %dma_wait3A_24 = tpu.memref_slice %arg8[%mul3A_0, %dma_wait3A] : memref<10240x128xf32, #tpu.memory_space<vmem_shared>> -> memref<640x128xf32, #tpu.memory_space<vmem_shared>>
      %dma_wait3A_25 = arith.constant 0 : i32
      %dma_wait3A_26 = arith.constant 0 : i32
      %dma_wait3A_27 = tpu.memref_slice %arg6[%dma_wait3A_25, %dma_wait3A_26] : memref<640x128xf32, #tpu.memory_space<hbm>> -> memref<640x128xf32, #tpu.memory_space<hbm>>
      tpu.wait_dma2 semaphore(%run_scoped3A : memref<!tpu.dma_semaphore, #tpu.memory_space<semaphore_mem>>) src(%dma_wait3A_27 : memref<640x128xf32, #tpu.memory_space<hbm>>) dst(%dma_wait3A_24 : memref<640x128xf32, #tpu.memory_space<vmem_shared>>)
      tpu.yield
    }) : () -> ()
    %barrier3A = arith.constant 0 : index
    tpu.barrier barrier_id(%barrier3A)
    %mul3A_1 = arith.constant 16 : i32
    %mul3A_2 = arith.muli %arg0, %mul3A_1 : i32
    %add3A = arith.addi %mul3A_2, %arg1 : i32
    %mul3A_3 = arith.constant 5000 : i32
    %mul3A_4 = arith.muli %add3A, %mul3A_3 : i32
    %scan3A = arith.constant 0 : i32
    %scan3A_5 = arith.constant 0 : i32
    %scan3A_6 = arith.constant 62 : i32
    %scan3A_7 = arith.addi %scan3A_5, %scan3A_6 : i32
    %scan3A_8 = arith.constant 1 : i32
    scf.for %scan3A_20 = %scan3A_5 to %scan3A_7 step %scan3A_8  : i32 {
      %mul3A_21 = arith.constant 80 : i32
      %mul3A_22 = arith.muli %scan3A_20, %mul3A_21 : i32
      %add3A_23 = arith.addi %mul3A_4, %mul3A_22 : i32
      "tpu.region"() ({
        %run_scoped3A = tpu.sem_alloc : memref<!tpu.dma_semaphore, #tpu.memory_space<semaphore_mem>>
        %dma_start3A = tpu.memref_slice %arg2[%add3A_23] : memref<160000xi32, #tpu.memory_space<hbm>> -> memref<80xi32, #tpu.memory_space<hbm>>
        %dma_start3A_24 = tpu.memref_slice %arg2[%add3A_23] : memref<160000xi32, #tpu.memory_space<hbm>> -> memref<80xi32, #tpu.memory_space<hbm>>
        tpu.enqueue_dma source(%dma_start3A_24 : memref<80xi32, #tpu.memory_space<hbm>>) target(%arg9 : memref<80xi32, #tpu.memory_space<vmem>>) target_semaphore(%run_scoped3A : memref<!tpu.dma_semaphore, #tpu.memory_space<semaphore_mem>>)
        %dma_wait3A = tpu.memref_slice %arg2[%add3A_23] : memref<160000xi32, #tpu.memory_space<hbm>> -> memref<80xi32, #tpu.memory_space<hbm>>
        %dma_wait3A_25 = tpu.memref_slice %arg2[%add3A_23] : memref<160000xi32, #tpu.memory_space<hbm>> -> memref<80xi32, #tpu.memory_space<hbm>>
        tpu.wait_dma2 semaphore(%run_scoped3A : memref<!tpu.dma_semaphore, #tpu.memory_space<semaphore_mem>>) src(%dma_wait3A_25 : memref<80xi32, #tpu.memory_space<hbm>>) dst(%arg9 : memref<80xi32, #tpu.memory_space<vmem>>)
        tpu.yield
      }) : () -> ()
      "tpu.region"() ({
        %run_scoped3A = tpu.sem_alloc : memref<!tpu.dma_semaphore, #tpu.memory_space<semaphore_mem>>
        %dma_start3A = arith.constant 0 : i32
        %dma_start3A_24 = tpu.memref_slice %arg4[%add3A_23, %dma_start3A] : memref<160000x128xf32, #tpu.memory_space<hbm>> -> memref<80x128xf32, #tpu.memory_space<hbm>>
        %dma_start3A_25 = arith.constant 0 : i32
        %dma_start3A_26 = tpu.memref_slice %arg4[%add3A_23, %dma_start3A_25] : memref<160000x128xf32, #tpu.memory_space<hbm>> -> memref<80x128xf32, #tpu.memory_space<hbm>>
        tpu.enqueue_dma source(%dma_start3A_26 : memref<80x128xf32, #tpu.memory_space<hbm>>) target(%arg10 : memref<80x128xf32, #tpu.memory_space<vmem>>) target_semaphore(%run_scoped3A : memref<!tpu.dma_semaphore, #tpu.memory_space<semaphore_mem>>)
        %dma_wait3A = arith.constant 0 : i32
        %dma_wait3A_27 = tpu.memref_slice %arg4[%add3A_23, %dma_wait3A] : memref<160000x128xf32, #tpu.memory_space<hbm>> -> memref<80x128xf32, #tpu.memory_space<hbm>>
        %dma_wait3A_28 = arith.constant 0 : i32
        %dma_wait3A_29 = tpu.memref_slice %arg4[%add3A_23, %dma_wait3A_28] : memref<160000x128xf32, #tpu.memory_space<hbm>> -> memref<80x128xf32, #tpu.memory_space<hbm>>
        tpu.wait_dma2 semaphore(%run_scoped3A : memref<!tpu.dma_semaphore, #tpu.memory_space<semaphore_mem>>) src(%dma_wait3A_29 : memref<80x128xf32, #tpu.memory_space<hbm>>) dst(%arg10 : memref<80x128xf32, #tpu.memory_space<vmem>>)
        tpu.yield
      }) : () -> ()
      "tpu.region"() ({
        %run_scoped3A = tpu.sem_alloc : memref<!tpu.dma_semaphore, #tpu.memory_space<semaphore_mem>>
        %dma_start3A = arith.constant 0 : i32
        %dma_start3A_24 = arith.constant 0 : i32
        %dma_start3A_25 = tpu.memref_slice %arg8[%dma_start3A, %dma_start3A_24] : memref<10240x128xf32, #tpu.memory_space<vmem_shared>> -> memref<10240x128xf32, #tpu.memory_space<vmem_shared>>
        tpu.enqueue_indirect_dma source(%arg10 : memref<80x128xf32, #tpu.memory_space<vmem>>) target(%dma_start3A_25 : memref<10240x128xf32, #tpu.memory_space<vmem_shared>>) offsets(%arg9 : memref<80xi32, #tpu.memory_space<vmem>>) semaphore(%run_scoped3A : memref<!tpu.dma_semaphore, #tpu.memory_space<semaphore_mem>>) {add = true}
        %dma_wait3A = arith.constant 0 : i32
        %dma_wait3A_26 = arith.constant 0 : i32
        %dma_wait3A_27 = tpu.memref_slice %arg8[%dma_wait3A, %dma_wait3A_26] : memref<10240x128xf32, #tpu.memory_space<vmem_shared>> -> memref<10240x128xf32, #tpu.memory_space<vmem_shared>>
        tpu.wait_indirect_dma semaphore(%run_scoped3A : memref<!tpu.dma_semaphore, #tpu.memory_space<semaphore_mem>>) src(%arg10 : memref<80x128xf32, #tpu.memory_space<vmem>>) dst(%dma_wait3A_27 : memref<10240x128xf32, #tpu.memory_space<vmem_shared>>)
        tpu.yield
      }) : () -> ()
      "tpu.region"() ({
        %run_scoped3A = tpu.sem_alloc : memref<!tpu.dma_semaphore, #tpu.memory_space<semaphore_mem>>
        %dma_start3A = tpu.memref_slice %arg3[%add3A_23] : memref<160000xi32, #tpu.memory_space<hbm>> -> memref<80xi32, #tpu.memory_space<hbm>>
        %dma_start3A_24 = tpu.memref_slice %arg3[%add3A_23] : memref<160000xi32, #tpu.memory_space<hbm>> -> memref<80xi32, #tpu.memory_space<hbm>>
        tpu.enqueue_dma source(%dma_start3A_24 : memref<80xi32, #tpu.memory_space<hbm>>) target(%arg11 : memref<80xi32, #tpu.memory_space<vmem>>) target_semaphore(%run_scoped3A : memref<!tpu.dma_semaphore, #tpu.memory_space<semaphore_mem>>)
        %dma_wait3A = tpu.memref_slice %arg3[%add3A_23] : memref<160000xi32, #tpu.memory_space<hbm>> -> memref<80xi32, #tpu.memory_space<hbm>>
        %dma_wait3A_25 = tpu.memref_slice %arg3[%add3A_23] : memref<160000xi32, #tpu.memory_space<hbm>> -> memref<80xi32, #tpu.memory_space<hbm>>
        tpu.wait_dma2 semaphore(%run_scoped3A : memref<!tpu.dma_semaphore, #tpu.memory_space<semaphore_mem>>) src(%dma_wait3A_25 : memref<80xi32, #tpu.memory_space<hbm>>) dst(%arg11 : memref<80xi32, #tpu.memory_space<vmem>>)
        tpu.yield
      }) : () -> ()
      "tpu.region"() ({
        %run_scoped3A = tpu.sem_alloc : memref<!tpu.dma_semaphore, #tpu.memory_space<semaphore_mem>>
        %dma_start3A = arith.constant 0 : i32
        %dma_start3A_24 = tpu.memref_slice %arg5[%add3A_23, %dma_start3A] : memref<160000x128xf32, #tpu.memory_space<hbm>> -> memref<80x128xf32, #tpu.memory_space<hbm>>
        %dma_start3A_25 = arith.constant 0 : i32
        %dma_start3A_26 = tpu.memref_slice %arg5[%add3A_23, %dma_start3A_25] : memref<160000x128xf32, #tpu.memory_space<hbm>> -> memref<80x128xf32, #tpu.memory_space<hbm>>
        tpu.enqueue_dma source(%dma_start3A_26 : memref<80x128xf32, #tpu.memory_space<hbm>>) target(%arg12 : memref<80x128xf32, #tpu.memory_space<vmem>>) target_semaphore(%run_scoped3A : memref<!tpu.dma_semaphore, #tpu.memory_space<semaphore_mem>>)
        %dma_wait3A = arith.constant 0 : i32
        %dma_wait3A_27 = tpu.memref_slice %arg5[%add3A_23, %dma_wait3A] : memref<160000x128xf32, #tpu.memory_space<hbm>> -> memref<80x128xf32, #tpu.memory_space<hbm>>
        %dma_wait3A_28 = arith.constant 0 : i32
        %dma_wait3A_29 = tpu.memref_slice %arg5[%add3A_23, %dma_wait3A_28] : memref<160000x128xf32, #tpu.memory_space<hbm>> -> memref<80x128xf32, #tpu.memory_space<hbm>>
        tpu.wait_dma2 semaphore(%run_scoped3A : memref<!tpu.dma_semaphore, #tpu.memory_space<semaphore_mem>>) src(%dma_wait3A_29 : memref<80x128xf32, #tpu.memory_space<hbm>>) dst(%arg12 : memref<80x128xf32, #tpu.memory_space<vmem>>)
        tpu.yield
      }) : () -> ()
      "tpu.region"() ({
        %run_scoped3A = tpu.sem_alloc : memref<!tpu.dma_semaphore, #tpu.memory_space<semaphore_mem>>
        %dma_start3A = arith.constant 0 : i32
        %dma_start3A_24 = arith.constant 0 : i32
        %dma_start3A_25 = tpu.memref_slice %arg8[%dma_start3A, %dma_start3A_24] : memref<10240x128xf32, #tpu.memory_space<vmem_shared>> -> memref<10240x128xf32, #tpu.memory_space<vmem_shared>>
        tpu.enqueue_indirect_dma source(%arg12 : memref<80x128xf32, #tpu.memory_space<vmem>>) target(%dma_start3A_25 : memref<10240x128xf32, #tpu.memory_space<vmem_shared>>) offsets(%arg11 : memref<80xi32, #tpu.memory_space<vmem>>) semaphore(%run_scoped3A : memref<!tpu.dma_semaphore, #tpu.memory_space<semaphore_mem>>) {add = true}
        %dma_wait3A = arith.constant 0 : i32
        %dma_wait3A_26 = arith.constant 0 : i32
        %dma_wait3A_27 = tpu.memref_slice %arg8[%dma_wait3A, %dma_wait3A_26] : memref<10240x128xf32, #tpu.memory_space<vmem_shared>> -> memref<10240x128xf32, #tpu.memory_space<vmem_shared>>
        tpu.wait_indirect_dma semaphore(%run_scoped3A : memref<!tpu.dma_semaphore, #tpu.memory_space<semaphore_mem>>) src(%arg12 : memref<80x128xf32, #tpu.memory_space<vmem>>) dst(%dma_wait3A_27 : memref<10240x128xf32, #tpu.memory_space<vmem_shared>>)
        tpu.yield
      }) : () -> ()
    }
    %scan3A_9 = arith.constant 62 : i32
    %add3A_10 = arith.constant 4960 : i32
    %add3A_11 = arith.addi %mul3A_4, %add3A_10 : i32
    "tpu.region"() ({
      %run_scoped3A = tpu.sem_alloc : memref<!tpu.dma_semaphore, #tpu.memory_space<semaphore_mem>>
      %dma_start3A = tpu.memref_slice %arg2[%add3A_11] : memref<160000xi32, #tpu.memory_space<hbm>> -> memref<40xi32, #tpu.memory_space<hbm>>
      %dma_start3A_20 = tpu.memref_slice %arg2[%add3A_11] : memref<160000xi32, #tpu.memory_space<hbm>> -> memref<40xi32, #tpu.memory_space<hbm>>
      tpu.enqueue_dma source(%dma_start3A_20 : memref<40xi32, #tpu.memory_space<hbm>>) target(%arg13 : memref<40xi32, #tpu.memory_space<vmem>>) target_semaphore(%run_scoped3A : memref<!tpu.dma_semaphore, #tpu.memory_space<semaphore_mem>>)
      %dma_wait3A = tpu.memref_slice %arg2[%add3A_11] : memref<160000xi32, #tpu.memory_space<hbm>> -> memref<40xi32, #tpu.memory_space<hbm>>
      %dma_wait3A_21 = tpu.memref_slice %arg2[%add3A_11] : memref<160000xi32, #tpu.memory_space<hbm>> -> memref<40xi32, #tpu.memory_space<hbm>>
      tpu.wait_dma2 semaphore(%run_scoped3A : memref<!tpu.dma_semaphore, #tpu.memory_space<semaphore_mem>>) src(%dma_wait3A_21 : memref<40xi32, #tpu.memory_space<hbm>>) dst(%arg13 : memref<40xi32, #tpu.memory_space<vmem>>)
      tpu.yield
    }) : () -> ()
    "tpu.region"() ({
      %run_scoped3A = tpu.sem_alloc : memref<!tpu.dma_semaphore, #tpu.memory_space<semaphore_mem>>
      %dma_start3A = arith.constant 0 : i32
      %dma_start3A_20 = tpu.memref_slice %arg4[%add3A_11, %dma_start3A] : memref<160000x128xf32, #tpu.memory_space<hbm>> -> memref<40x128xf32, #tpu.memory_space<hbm>>
      %dma_start3A_21 = arith.constant 0 : i32
      %dma_start3A_22 = tpu.memref_slice %arg4[%add3A_11, %dma_start3A_21] : memref<160000x128xf32, #tpu.memory_space<hbm>> -> memref<40x128xf32, #tpu.memory_space<hbm>>
      tpu.enqueue_dma source(%dma_start3A_22 : memref<40x128xf32, #tpu.memory_space<hbm>>) target(%arg14 : memref<40x128xf32, #tpu.memory_space<vmem>>) target_semaphore(%run_scoped3A : memref<!tpu.dma_semaphore, #tpu.memory_space<semaphore_mem>>)
      %dma_wait3A = arith.constant 0 : i32
      %dma_wait3A_23 = tpu.memref_slice %arg4[%add3A_11, %dma_wait3A] : memref<160000x128xf32, #tpu.memory_space<hbm>> -> memref<40x128xf32, #tpu.memory_space<hbm>>
      %dma_wait3A_24 = arith.constant 0 : i32
      %dma_wait3A_25 = tpu.memref_slice %arg4[%add3A_11, %dma_wait3A_24] : memref<160000x128xf32, #tpu.memory_space<hbm>> -> memref<40x128xf32, #tpu.memory_space<hbm>>
      tpu.wait_dma2 semaphore(%run_scoped3A : memref<!tpu.dma_semaphore, #tpu.memory_space<semaphore_mem>>) src(%dma_wait3A_25 : memref<40x128xf32, #tpu.memory_space<hbm>>) dst(%arg14 : memref<40x128xf32, #tpu.memory_space<vmem>>)
      tpu.yield
    }) : () -> ()
    "tpu.region"() ({
      %run_scoped3A = tpu.sem_alloc : memref<!tpu.dma_semaphore, #tpu.memory_space<semaphore_mem>>
      %dma_start3A = arith.constant 0 : i32
      %dma_start3A_20 = arith.constant 0 : i32
      %dma_start3A_21 = tpu.memref_slice %arg8[%dma_start3A, %dma_start3A_20] : memref<10240x128xf32, #tpu.memory_space<vmem_shared>> -> memref<10240x128xf32, #tpu.memory_space<vmem_shared>>
      tpu.enqueue_indirect_dma source(%arg14 : memref<40x128xf32, #tpu.memory_space<vmem>>) target(%dma_start3A_21 : memref<10240x128xf32, #tpu.memory_space<vmem_shared>>) offsets(%arg13 : memref<40xi32, #tpu.memory_space<vmem>>) semaphore(%run_scoped3A : memref<!tpu.dma_semaphore, #tpu.memory_space<semaphore_mem>>) {add = true}
      %dma_wait3A = arith.constant 0 : i32
      %dma_wait3A_22 = arith.constant 0 : i32
      %dma_wait3A_23 = tpu.memref_slice %arg8[%dma_wait3A, %dma_wait3A_22] : memref<10240x128xf32, #tpu.memory_space<vmem_shared>> -> memref<10240x128xf32, #tpu.memory_space<vmem_shared>>
      tpu.wait_indirect_dma semaphore(%run_scoped3A : memref<!tpu.dma_semaphore, #tpu.memory_space<semaphore_mem>>) src(%arg14 : memref<40x128xf32, #tpu.memory_space<vmem>>) dst(%dma_wait3A_23 : memref<10240x128xf32, #tpu.memory_space<vmem_shared>>)
      tpu.yield
    }) : () -> ()
    "tpu.region"() ({
      %run_scoped3A = tpu.sem_alloc : memref<!tpu.dma_semaphore, #tpu.memory_space<semaphore_mem>>
      %dma_start3A = tpu.memref_slice %arg3[%add3A_11] : memref<160000xi32, #tpu.memory_space<hbm>> -> memref<40xi32, #tpu.memory_space<hbm>>
      %dma_start3A_20 = tpu.memref_slice %arg3[%add3A_11] : memref<160000xi32, #tpu.memory_space<hbm>> -> memref<40xi32, #tpu.memory_space<hbm>>
      tpu.enqueue_dma source(%dma_start3A_20 : memref<40xi32, #tpu.memory_space<hbm>>) target(%arg15 : memref<40xi32, #tpu.memory_space<vmem>>) target_semaphore(%run_scoped3A : memref<!tpu.dma_semaphore, #tpu.memory_space<semaphore_mem>>)
      %dma_wait3A = tpu.memref_slice %arg3[%add3A_11] : memref<160000xi32, #tpu.memory_space<hbm>> -> memref<40xi32, #tpu.memory_space<hbm>>
      %dma_wait3A_21 = tpu.memref_slice %arg3[%add3A_11] : memref<160000xi32, #tpu.memory_space<hbm>> -> memref<40xi32, #tpu.memory_space<hbm>>
      tpu.wait_dma2 semaphore(%run_scoped3A : memref<!tpu.dma_semaphore, #tpu.memory_space<semaphore_mem>>) src(%dma_wait3A_21 : memref<40xi32, #tpu.memory_space<hbm>>) dst(%arg15 : memref<40xi32, #tpu.memory_space<vmem>>)
      tpu.yield
    }) : () -> ()
    "tpu.region"() ({
      %run_scoped3A = tpu.sem_alloc : memref<!tpu.dma_semaphore, #tpu.memory_space<semaphore_mem>>
      %dma_start3A = arith.constant 0 : i32
      %dma_start3A_20 = tpu.memref_slice %arg5[%add3A_11, %dma_start3A] : memref<160000x128xf32, #tpu.memory_space<hbm>> -> memref<40x128xf32, #tpu.memory_space<hbm>>
      %dma_start3A_21 = arith.constant 0 : i32
      %dma_start3A_22 = tpu.memref_slice %arg5[%add3A_11, %dma_start3A_21] : memref<160000x128xf32, #tpu.memory_space<hbm>> -> memref<40x128xf32, #tpu.memory_space<hbm>>
      tpu.enqueue_dma source(%dma_start3A_22 : memref<40x128xf32, #tpu.memory_space<hbm>>) target(%arg16 : memref<40x128xf32, #tpu.memory_space<vmem>>) target_semaphore(%run_scoped3A : memref<!tpu.dma_semaphore, #tpu.memory_space<semaphore_mem>>)
      %dma_wait3A = arith.constant 0 : i32
      %dma_wait3A_23 = tpu.memref_slice %arg5[%add3A_11, %dma_wait3A] : memref<160000x128xf32, #tpu.memory_space<hbm>> -> memref<40x128xf32, #tpu.memory_space<hbm>>
      %dma_wait3A_24 = arith.constant 0 : i32
      %dma_wait3A_25 = tpu.memref_slice %arg5[%add3A_11, %dma_wait3A_24] : memref<160000x128xf32, #tpu.memory_space<hbm>> -> memref<40x128xf32, #tpu.memory_space<hbm>>
      tpu.wait_dma2 semaphore(%run_scoped3A : memref<!tpu.dma_semaphore, #tpu.memory_space<semaphore_mem>>) src(%dma_wait3A_25 : memref<40x128xf32, #tpu.memory_space<hbm>>) dst(%arg16 : memref<40x128xf32, #tpu.memory_space<vmem>>)
      tpu.yield
    }) : () -> ()
    "tpu.region"() ({
      %run_scoped3A = tpu.sem_alloc : memref<!tpu.dma_semaphore, #tpu.memory_space<semaphore_mem>>
      %dma_start3A = arith.constant 0 : i32
      %dma_start3A_20 = arith.constant 0 : i32
      %dma_start3A_21 = tpu.memref_slice %arg8[%dma_start3A, %dma_start3A_20] : memref<10240x128xf32, #tpu.memory_space<vmem_shared>> -> memref<10240x128xf32, #tpu.memory_space<vmem_shared>>
      tpu.enqueue_indirect_dma source(%arg16 : memref<40x128xf32, #tpu.memory_space<vmem>>) target(%dma_start3A_21 : memref<10240x128xf32, #tpu.memory_space<vmem_shared>>) offsets(%arg15 : memref<40xi32, #tpu.memory_space<vmem>>) semaphore(%run_scoped3A : memref<!tpu.dma_semaphore, #tpu.memory_space<semaphore_mem>>) {add = true}
      %dma_wait3A = arith.constant 0 : i32
      %dma_wait3A_22 = arith.constant 0 : i32
      %dma_wait3A_23 = tpu.memref_slice %arg8[%dma_wait3A, %dma_wait3A_22] : memref<10240x128xf32, #tpu.memory_space<vmem_shared>> -> memref<10240x128xf32, #tpu.memory_space<vmem_shared>>
      tpu.wait_indirect_dma semaphore(%run_scoped3A : memref<!tpu.dma_semaphore, #tpu.memory_space<semaphore_mem>>) src(%arg16 : memref<40x128xf32, #tpu.memory_space<vmem>>) dst(%dma_wait3A_23 : memref<10240x128xf32, #tpu.memory_space<vmem_shared>>)
      tpu.yield
    }) : () -> ()
    %barrier3A_12 = arith.constant 0 : index
    tpu.barrier barrier_id(%barrier3A_12)
    %mul3A_13 = arith.constant 640 : i32
    %mul3A_14 = arith.muli %arg1, %mul3A_13 : i32
    %mul3A_15 = arith.constant 10240 : i32
    %mul3A_16 = arith.muli %arg0, %mul3A_15 : i32
    %mul3A_17 = arith.constant 640 : i32
    %mul3A_18 = arith.muli %arg1, %mul3A_17 : i32
    %add3A_19 = arith.addi %mul3A_16, %mul3A_18 : i32
    "tpu.region"() ({
      %run_scoped3A = tpu.sem_alloc : memref<!tpu.dma_semaphore, #tpu.memory_space<semaphore_mem>>
      %dma_start3A = arith.constant 0 : i32
      %dma_start3A_20 = tpu.memref_slice %arg7[%add3A_19, %dma_start3A] : memref<20480x128xf32, #tpu.memory_space<hbm>> -> memref<640x128xf32, #tpu.memory_space<hbm>>
      %dma_start3A_21 = arith.constant 0 : i32
      %dma_start3A_22 = tpu.memref_slice %arg8[%mul3A_14, %dma_start3A_21] : memref<10240x128xf32, #tpu.memory_space<vmem_shared>> -> memref<640x128xf32, #tpu.memory_space<vmem_shared>>
      tpu.enqueue_dma source(%dma_start3A_22 : memref<640x128xf32, #tpu.memory_space<vmem_shared>>) target(%dma_start3A_20 : memref<640x128xf32, #tpu.memory_space<hbm>>) target_semaphore(%run_scoped3A : memref<!tpu.dma_semaphore, #tpu.memory_space<semaphore_mem>>)
      %dma_wait3A = arith.constant 0 : i32
      %dma_wait3A_23 = tpu.memref_slice %arg7[%add3A_19, %dma_wait3A] : memref<20480x128xf32, #tpu.memory_space<hbm>> -> memref<640x128xf32, #tpu.memory_space<hbm>>
      %dma_wait3A_24 = arith.constant 0 : i32
      %dma_wait3A_25 = tpu.memref_slice %arg8[%mul3A_14, %dma_wait3A_24] : memref<10240x128xf32, #tpu.memory_space<vmem_shared>> -> memref<640x128xf32, #tpu.memory_space<vmem_shared>>
      tpu.wait_dma2 semaphore(%run_scoped3A : memref<!tpu.dma_semaphore, #tpu.memory_space<semaphore_mem>>) src(%dma_wait3A_25 : memref<640x128xf32, #tpu.memory_space<vmem_shared>>) dst(%dma_wait3A_23 : memref<640x128xf32, #tpu.memory_space<hbm>>)
      tpu.yield
    }) : () -> ()
    return
  }
}

#map = affine_map<(d0, d1) -> (0, 0)>
#map1 = affine_map<(d0, d1) -> (0)>
module attributes {stable_mosaic.version = 14 : i64} {
  func.func @_gather_k(%arg0: i32, %arg1: i32, %arg2: memref<20000x128xf32, #tpu.memory_space<hbm>>, %arg3: memref<160000xi32, #tpu.memory_space<hbm>>, %arg4: memref<160000xi32, #tpu.memory_space<hbm>>, %arg5: memref<160000x128xf32, #tpu.memory_space<hbm>>, %arg6: memref<160000x128xf32, #tpu.memory_space<hbm>>, %arg7: memref<80xi32, #tpu.memory_space<vmem>>, %arg8: memref<80x128xf32, #tpu.memory_space<vmem>>, %arg9: memref<80xi32, #tpu.memory_space<vmem>>, %arg10: memref<80x128xf32, #tpu.memory_space<vmem>>, %arg11: memref<40xi32, #tpu.memory_space<vmem>>, %arg12: memref<40x128xf32, #tpu.memory_space<vmem>>, %arg13: memref<40xi32, #tpu.memory_space<vmem>>, %arg14: memref<40x128xf32, #tpu.memory_space<vmem>>, %arg15: memref<!tpu.dma_semaphore, #tpu.memory_space<semaphore_mem>>, %arg16: memref<!tpu.dma_semaphore, #tpu.memory_space<semaphore_mem>>) attributes {dimension_semantics = [#tpu.dimension_semantics<core_parallel>, #tpu.dimension_semantics<subcore_parallel>], iteration_bounds = array<i64: 2, 16>, scalar_prefetch = 0 : i64, scratch_operands = 10 : i64, tpu.core_type = #tpu.core_type<sc_vector_subcore>, window_params = [{transform_indices = #map}, {transform_indices = #map1}, {transform_indices = #map1}, {transform_indices = #map}, {transform_indices = #map}]} {
    %mul3A = arith.constant 2 : i32
    %mul3A_0 = arith.muli %arg1, %mul3A : i32
    %add3A = arith.addi %mul3A_0, %arg0 : i32
    %mul3A_1 = arith.constant 5000 : i32
    %mul3A_2 = arith.muli %add3A, %mul3A_1 : i32
    %scan3A = arith.constant 0 : i32
    %scan3A_3 = arith.constant 0 : i32
    %scan3A_4 = arith.constant 62 : i32
    %scan3A_5 = arith.addi %scan3A_3, %scan3A_4 : i32
    %scan3A_6 = arith.constant 1 : i32
    scf.for %scan3A_20 = %scan3A_3 to %scan3A_5 step %scan3A_6  : i32 {
      %mul3A_21 = arith.constant 80 : i32
      %mul3A_22 = arith.muli %scan3A_20, %mul3A_21 : i32
      %add3A_23 = arith.addi %mul3A_2, %mul3A_22 : i32
      "tpu.region"() ({
        %run_scoped3A = tpu.sem_alloc : memref<!tpu.dma_semaphore, #tpu.memory_space<semaphore_mem>>
        %dma_start3A_36 = tpu.memref_slice %arg3[%add3A_23] : memref<160000xi32, #tpu.memory_space<hbm>> -> memref<80xi32, #tpu.memory_space<hbm>>
        %dma_start3A_37 = tpu.memref_slice %arg3[%add3A_23] : memref<160000xi32, #tpu.memory_space<hbm>> -> memref<80xi32, #tpu.memory_space<hbm>>
        tpu.enqueue_dma source(%dma_start3A_37 : memref<80xi32, #tpu.memory_space<hbm>>) target(%arg7 : memref<80xi32, #tpu.memory_space<vmem>>) target_semaphore(%run_scoped3A : memref<!tpu.dma_semaphore, #tpu.memory_space<semaphore_mem>>)
        %dma_wait3A_38 = tpu.memref_slice %arg3[%add3A_23] : memref<160000xi32, #tpu.memory_space<hbm>> -> memref<80xi32, #tpu.memory_space<hbm>>
        %dma_wait3A_39 = tpu.memref_slice %arg3[%add3A_23] : memref<160000xi32, #tpu.memory_space<hbm>> -> memref<80xi32, #tpu.memory_space<hbm>>
        tpu.wait_dma2 semaphore(%run_scoped3A : memref<!tpu.dma_semaphore, #tpu.memory_space<semaphore_mem>>) src(%dma_wait3A_39 : memref<80xi32, #tpu.memory_space<hbm>>) dst(%arg7 : memref<80xi32, #tpu.memory_space<vmem>>)
        tpu.yield
      }) : () -> ()
      "tpu.region"() ({
        %run_scoped3A = tpu.sem_alloc : memref<!tpu.dma_semaphore, #tpu.memory_space<semaphore_mem>>
        %dma_start3A_36 = tpu.memref_slice %arg4[%add3A_23] : memref<160000xi32, #tpu.memory_space<hbm>> -> memref<80xi32, #tpu.memory_space<hbm>>
        %dma_start3A_37 = tpu.memref_slice %arg4[%add3A_23] : memref<160000xi32, #tpu.memory_space<hbm>> -> memref<80xi32, #tpu.memory_space<hbm>>
        tpu.enqueue_dma source(%dma_start3A_37 : memref<80xi32, #tpu.memory_space<hbm>>) target(%arg9 : memref<80xi32, #tpu.memory_space<vmem>>) target_semaphore(%run_scoped3A : memref<!tpu.dma_semaphore, #tpu.memory_space<semaphore_mem>>)
        %dma_wait3A_38 = tpu.memref_slice %arg4[%add3A_23] : memref<160000xi32, #tpu.memory_space<hbm>> -> memref<80xi32, #tpu.memory_space<hbm>>
        %dma_wait3A_39 = tpu.memref_slice %arg4[%add3A_23] : memref<160000xi32, #tpu.memory_space<hbm>> -> memref<80xi32, #tpu.memory_space<hbm>>
        tpu.wait_dma2 semaphore(%run_scoped3A : memref<!tpu.dma_semaphore, #tpu.memory_space<semaphore_mem>>) src(%dma_wait3A_39 : memref<80xi32, #tpu.memory_space<hbm>>) dst(%arg9 : memref<80xi32, #tpu.memory_space<vmem>>)
        tpu.yield
      }) : () -> ()
      %dma_start3A_24 = arith.constant 0 : i32
      %dma_start3A_25 = arith.constant 0 : i32
      %dma_start3A_26 = tpu.memref_slice %arg2[%dma_start3A_24, %dma_start3A_25] : memref<20000x128xf32, #tpu.memory_space<hbm>> -> memref<20000x128xf32, #tpu.memory_space<hbm>>
      tpu.enqueue_indirect_dma source(%dma_start3A_26 : memref<20000x128xf32, #tpu.memory_space<hbm>>) target(%arg8 : memref<80x128xf32, #tpu.memory_space<vmem>>) offsets(%arg7 : memref<80xi32, #tpu.memory_space<vmem>>) semaphore(%arg15 : memref<!tpu.dma_semaphore, #tpu.memory_space<semaphore_mem>>)
      %dma_start3A_27 = arith.constant 0 : i32
      %dma_start3A_28 = arith.constant 0 : i32
      %dma_start3A_29 = tpu.memref_slice %arg2[%dma_start3A_27, %dma_start3A_28] : memref<20000x128xf32, #tpu.memory_space<hbm>> -> memref<20000x128xf32, #tpu.memory_space<hbm>>
      tpu.enqueue_indirect_dma source(%dma_start3A_29 : memref<20000x128xf32, #tpu.memory_space<hbm>>) target(%arg10 : memref<80x128xf32, #tpu.memory_space<vmem>>) offsets(%arg9 : memref<80xi32, #tpu.memory_space<vmem>>) semaphore(%arg16 : memref<!tpu.dma_semaphore, #tpu.memory_space<semaphore_mem>>)
      %dma_wait3A_30 = arith.constant 0 : i32
      %dma_wait3A_31 = arith.constant 0 : i32
      %dma_wait3A_32 = tpu.memref_slice %arg2[%dma_wait3A_30, %dma_wait3A_31] : memref<20000x128xf32, #tpu.memory_space<hbm>> -> memref<20000x128xf32, #tpu.memory_space<hbm>>
      tpu.wait_indirect_dma semaphore(%arg15 : memref<!tpu.dma_semaphore, #tpu.memory_space<semaphore_mem>>) src(%dma_wait3A_32 : memref<20000x128xf32, #tpu.memory_space<hbm>>) dst(%arg8 : memref<80x128xf32, #tpu.memory_space<vmem>>)
      %dma_wait3A_33 = arith.constant 0 : i32
      %dma_wait3A_34 = arith.constant 0 : i32
      %dma_wait3A_35 = tpu.memref_slice %arg2[%dma_wait3A_33, %dma_wait3A_34] : memref<20000x128xf32, #tpu.memory_space<hbm>> -> memref<20000x128xf32, #tpu.memory_space<hbm>>
      tpu.wait_indirect_dma semaphore(%arg16 : memref<!tpu.dma_semaphore, #tpu.memory_space<semaphore_mem>>) src(%dma_wait3A_35 : memref<20000x128xf32, #tpu.memory_space<hbm>>) dst(%arg10 : memref<80x128xf32, #tpu.memory_space<vmem>>)
      "tpu.region"() ({
        %run_scoped3A = tpu.sem_alloc : memref<!tpu.dma_semaphore, #tpu.memory_space<semaphore_mem>>
        %dma_start3A_36 = arith.constant 0 : i32
        %dma_start3A_37 = tpu.memref_slice %arg5[%add3A_23, %dma_start3A_36] : memref<160000x128xf32, #tpu.memory_space<hbm>> -> memref<80x128xf32, #tpu.memory_space<hbm>>
        %dma_start3A_38 = arith.constant 0 : i32
        %dma_start3A_39 = tpu.memref_slice %arg5[%add3A_23, %dma_start3A_38] : memref<160000x128xf32, #tpu.memory_space<hbm>> -> memref<80x128xf32, #tpu.memory_space<hbm>>
        tpu.enqueue_dma source(%arg8 : memref<80x128xf32, #tpu.memory_space<vmem>>) target(%dma_start3A_39 : memref<80x128xf32, #tpu.memory_space<hbm>>) target_semaphore(%run_scoped3A : memref<!tpu.dma_semaphore, #tpu.memory_space<semaphore_mem>>)
        %dma_wait3A_40 = arith.constant 0 : i32
        %dma_wait3A_41 = tpu.memref_slice %arg5[%add3A_23, %dma_wait3A_40] : memref<160000x128xf32, #tpu.memory_space<hbm>> -> memref<80x128xf32, #tpu.memory_space<hbm>>
        %dma_wait3A_42 = arith.constant 0 : i32
        %dma_wait3A_43 = tpu.memref_slice %arg5[%add3A_23, %dma_wait3A_42] : memref<160000x128xf32, #tpu.memory_space<hbm>> -> memref<80x128xf32, #tpu.memory_space<hbm>>
        tpu.wait_dma2 semaphore(%run_scoped3A : memref<!tpu.dma_semaphore, #tpu.memory_space<semaphore_mem>>) src(%arg8 : memref<80x128xf32, #tpu.memory_space<vmem>>) dst(%dma_wait3A_43 : memref<80x128xf32, #tpu.memory_space<hbm>>)
        tpu.yield
      }) : () -> ()
      "tpu.region"() ({
        %run_scoped3A = tpu.sem_alloc : memref<!tpu.dma_semaphore, #tpu.memory_space<semaphore_mem>>
        %dma_start3A_36 = arith.constant 0 : i32
        %dma_start3A_37 = tpu.memref_slice %arg6[%add3A_23, %dma_start3A_36] : memref<160000x128xf32, #tpu.memory_space<hbm>> -> memref<80x128xf32, #tpu.memory_space<hbm>>
        %dma_start3A_38 = arith.constant 0 : i32
        %dma_start3A_39 = tpu.memref_slice %arg6[%add3A_23, %dma_start3A_38] : memref<160000x128xf32, #tpu.memory_space<hbm>> -> memref<80x128xf32, #tpu.memory_space<hbm>>
        tpu.enqueue_dma source(%arg10 : memref<80x128xf32, #tpu.memory_space<vmem>>) target(%dma_start3A_39 : memref<80x128xf32, #tpu.memory_space<hbm>>) target_semaphore(%run_scoped3A : memref<!tpu.dma_semaphore, #tpu.memory_space<semaphore_mem>>)
        %dma_wait3A_40 = arith.constant 0 : i32
        %dma_wait3A_41 = tpu.memref_slice %arg6[%add3A_23, %dma_wait3A_40] : memref<160000x128xf32, #tpu.memory_space<hbm>> -> memref<80x128xf32, #tpu.memory_space<hbm>>
        %dma_wait3A_42 = arith.constant 0 : i32
        %dma_wait3A_43 = tpu.memref_slice %arg6[%add3A_23, %dma_wait3A_42] : memref<160000x128xf32, #tpu.memory_space<hbm>> -> memref<80x128xf32, #tpu.memory_space<hbm>>
        tpu.wait_dma2 semaphore(%run_scoped3A : memref<!tpu.dma_semaphore, #tpu.memory_space<semaphore_mem>>) src(%arg10 : memref<80x128xf32, #tpu.memory_space<vmem>>) dst(%dma_wait3A_43 : memref<80x128xf32, #tpu.memory_space<hbm>>)
        tpu.yield
      }) : () -> ()
    }
    %scan3A_7 = arith.constant 62 : i32
    %add3A_8 = arith.constant 4960 : i32
    %add3A_9 = arith.addi %mul3A_2, %add3A_8 : i32
    "tpu.region"() ({
      %run_scoped3A = tpu.sem_alloc : memref<!tpu.dma_semaphore, #tpu.memory_space<semaphore_mem>>
      %dma_start3A_20 = tpu.memref_slice %arg3[%add3A_9] : memref<160000xi32, #tpu.memory_space<hbm>> -> memref<40xi32, #tpu.memory_space<hbm>>
      %dma_start3A_21 = tpu.memref_slice %arg3[%add3A_9] : memref<160000xi32, #tpu.memory_space<hbm>> -> memref<40xi32, #tpu.memory_space<hbm>>
      tpu.enqueue_dma source(%dma_start3A_21 : memref<40xi32, #tpu.memory_space<hbm>>) target(%arg11 : memref<40xi32, #tpu.memory_space<vmem>>) target_semaphore(%run_scoped3A : memref<!tpu.dma_semaphore, #tpu.memory_space<semaphore_mem>>)
      %dma_wait3A_22 = tpu.memref_slice %arg3[%add3A_9] : memref<160000xi32, #tpu.memory_space<hbm>> -> memref<40xi32, #tpu.memory_space<hbm>>
      %dma_wait3A_23 = tpu.memref_slice %arg3[%add3A_9] : memref<160000xi32, #tpu.memory_space<hbm>> -> memref<40xi32, #tpu.memory_space<hbm>>
      tpu.wait_dma2 semaphore(%run_scoped3A : memref<!tpu.dma_semaphore, #tpu.memory_space<semaphore_mem>>) src(%dma_wait3A_23 : memref<40xi32, #tpu.memory_space<hbm>>) dst(%arg11 : memref<40xi32, #tpu.memory_space<vmem>>)
      tpu.yield
    }) : () -> ()
    "tpu.region"() ({
      %run_scoped3A = tpu.sem_alloc : memref<!tpu.dma_semaphore, #tpu.memory_space<semaphore_mem>>
      %dma_start3A_20 = tpu.memref_slice %arg4[%add3A_9] : memref<160000xi32, #tpu.memory_space<hbm>> -> memref<40xi32, #tpu.memory_space<hbm>>
      %dma_start3A_21 = tpu.memref_slice %arg4[%add3A_9] : memref<160000xi32, #tpu.memory_space<hbm>> -> memref<40xi32, #tpu.memory_space<hbm>>
      tpu.enqueue_dma source(%dma_start3A_21 : memref<40xi32, #tpu.memory_space<hbm>>) target(%arg13 : memref<40xi32, #tpu.memory_space<vmem>>) target_semaphore(%run_scoped3A : memref<!tpu.dma_semaphore, #tpu.memory_space<semaphore_mem>>)
      %dma_wait3A_22 = tpu.memref_slice %arg4[%add3A_9] : memref<160000xi32, #tpu.memory_space<hbm>> -> memref<40xi32, #tpu.memory_space<hbm>>
      %dma_wait3A_23 = tpu.memref_slice %arg4[%add3A_9] : memref<160000xi32, #tpu.memory_space<hbm>> -> memref<40xi32, #tpu.memory_space<hbm>>
      tpu.wait_dma2 semaphore(%run_scoped3A : memref<!tpu.dma_semaphore, #tpu.memory_space<semaphore_mem>>) src(%dma_wait3A_23 : memref<40xi32, #tpu.memory_space<hbm>>) dst(%arg13 : memref<40xi32, #tpu.memory_space<vmem>>)
      tpu.yield
    }) : () -> ()
    %dma_start3A = arith.constant 0 : i32
    %dma_start3A_10 = arith.constant 0 : i32
    %dma_start3A_11 = tpu.memref_slice %arg2[%dma_start3A, %dma_start3A_10] : memref<20000x128xf32, #tpu.memory_space<hbm>> -> memref<20000x128xf32, #tpu.memory_space<hbm>>
    tpu.enqueue_indirect_dma source(%dma_start3A_11 : memref<20000x128xf32, #tpu.memory_space<hbm>>) target(%arg12 : memref<40x128xf32, #tpu.memory_space<vmem>>) offsets(%arg11 : memref<40xi32, #tpu.memory_space<vmem>>) semaphore(%arg15 : memref<!tpu.dma_semaphore, #tpu.memory_space<semaphore_mem>>)
    %dma_start3A_12 = arith.constant 0 : i32
    %dma_start3A_13 = arith.constant 0 : i32
    %dma_start3A_14 = tpu.memref_slice %arg2[%dma_start3A_12, %dma_start3A_13] : memref<20000x128xf32, #tpu.memory_space<hbm>> -> memref<20000x128xf32, #tpu.memory_space<hbm>>
    tpu.enqueue_indirect_dma source(%dma_start3A_14 : memref<20000x128xf32, #tpu.memory_space<hbm>>) target(%arg14 : memref<40x128xf32, #tpu.memory_space<vmem>>) offsets(%arg13 : memref<40xi32, #tpu.memory_space<vmem>>) semaphore(%arg16 : memref<!tpu.dma_semaphore, #tpu.memory_space<semaphore_mem>>)
    %dma_wait3A = arith.constant 0 : i32
    %dma_wait3A_15 = arith.constant 0 : i32
    %dma_wait3A_16 = tpu.memref_slice %arg2[%dma_wait3A, %dma_wait3A_15] : memref<20000x128xf32, #tpu.memory_space<hbm>> -> memref<20000x128xf32, #tpu.memory_space<hbm>>
    tpu.wait_indirect_dma semaphore(%arg15 : memref<!tpu.dma_semaphore, #tpu.memory_space<semaphore_mem>>) src(%dma_wait3A_16 : memref<20000x128xf32, #tpu.memory_space<hbm>>) dst(%arg12 : memref<40x128xf32, #tpu.memory_space<vmem>>)
    %dma_wait3A_17 = arith.constant 0 : i32
    %dma_wait3A_18 = arith.constant 0 : i32
    %dma_wait3A_19 = tpu.memref_slice %arg2[%dma_wait3A_17, %dma_wait3A_18] : memref<20000x128xf32, #tpu.memory_space<hbm>> -> memref<20000x128xf32, #tpu.memory_space<hbm>>
    tpu.wait_indirect_dma semaphore(%arg16 : memref<!tpu.dma_semaphore, #tpu.memory_space<semaphore_mem>>) src(%dma_wait3A_19 : memref<20000x128xf32, #tpu.memory_space<hbm>>) dst(%arg14 : memref<40x128xf32, #tpu.memory_space<vmem>>)
    "tpu.region"() ({
      %run_scoped3A = tpu.sem_alloc : memref<!tpu.dma_semaphore, #tpu.memory_space<semaphore_mem>>
      %dma_start3A_20 = arith.constant 0 : i32
      %dma_start3A_21 = tpu.memref_slice %arg5[%add3A_9, %dma_start3A_20] : memref<160000x128xf32, #tpu.memory_space<hbm>> -> memref<40x128xf32, #tpu.memory_space<hbm>>
      %dma_start3A_22 = arith.constant 0 : i32
      %dma_start3A_23 = tpu.memref_slice %arg5[%add3A_9, %dma_start3A_22] : memref<160000x128xf32, #tpu.memory_space<hbm>> -> memref<40x128xf32, #tpu.memory_space<hbm>>
      tpu.enqueue_dma source(%arg12 : memref<40x128xf32, #tpu.memory_space<vmem>>) target(%dma_start3A_23 : memref<40x128xf32, #tpu.memory_space<hbm>>) target_semaphore(%run_scoped3A : memref<!tpu.dma_semaphore, #tpu.memory_space<semaphore_mem>>)
      %dma_wait3A_24 = arith.constant 0 : i32
      %dma_wait3A_25 = tpu.memref_slice %arg5[%add3A_9, %dma_wait3A_24] : memref<160000x128xf32, #tpu.memory_space<hbm>> -> memref<40x128xf32, #tpu.memory_space<hbm>>
      %dma_wait3A_26 = arith.constant 0 : i32
      %dma_wait3A_27 = tpu.memref_slice %arg5[%add3A_9, %dma_wait3A_26] : memref<160000x128xf32, #tpu.memory_space<hbm>> -> memref<40x128xf32, #tpu.memory_space<hbm>>
      tpu.wait_dma2 semaphore(%run_scoped3A : memref<!tpu.dma_semaphore, #tpu.memory_space<semaphore_mem>>) src(%arg12 : memref<40x128xf32, #tpu.memory_space<vmem>>) dst(%dma_wait3A_27 : memref<40x128xf32, #tpu.memory_space<hbm>>)
      tpu.yield
    }) : () -> ()
    "tpu.region"() ({
      %run_scoped3A = tpu.sem_alloc : memref<!tpu.dma_semaphore, #tpu.memory_space<semaphore_mem>>
      %dma_start3A_20 = arith.constant 0 : i32
      %dma_start3A_21 = tpu.memref_slice %arg6[%add3A_9, %dma_start3A_20] : memref<160000x128xf32, #tpu.memory_space<hbm>> -> memref<40x128xf32, #tpu.memory_space<hbm>>
      %dma_start3A_22 = arith.constant 0 : i32
      %dma_start3A_23 = tpu.memref_slice %arg6[%add3A_9, %dma_start3A_22] : memref<160000x128xf32, #tpu.memory_space<hbm>> -> memref<40x128xf32, #tpu.memory_space<hbm>>
      tpu.enqueue_dma source(%arg14 : memref<40x128xf32, #tpu.memory_space<vmem>>) target(%dma_start3A_23 : memref<40x128xf32, #tpu.memory_space<hbm>>) target_semaphore(%run_scoped3A : memref<!tpu.dma_semaphore, #tpu.memory_space<semaphore_mem>>)
      %dma_wait3A_24 = arith.constant 0 : i32
      %dma_wait3A_25 = tpu.memref_slice %arg6[%add3A_9, %dma_wait3A_24] : memref<160000x128xf32, #tpu.memory_space<hbm>> -> memref<40x128xf32, #tpu.memory_space<hbm>>
      %dma_wait3A_26 = arith.constant 0 : i32
      %dma_wait3A_27 = tpu.memref_slice %arg6[%add3A_9, %dma_wait3A_26] : memref<160000x128xf32, #tpu.memory_space<hbm>> -> memref<40x128xf32, #tpu.memory_space<hbm>>
      tpu.wait_dma2 semaphore(%run_scoped3A : memref<!tpu.dma_semaphore, #tpu.memory_space<semaphore_mem>>) src(%arg14 : memref<40x128xf32, #tpu.memory_space<vmem>>) dst(%dma_wait3A_27 : memref<40x128xf32, #tpu.memory_space<hbm>>)
      tpu.yield
    }) : () -> ()
    return
  }
}

#map = affine_map<(d0, d1) -> (0, 0)>
#map1 = affine_map<(d0, d1) -> (0)>
module attributes {stable_mosaic.version = 14 : i64} {
  func.func @_gather_k(%arg0: i32, %arg1: i32, %arg2: memref<20000x128xf32, #tpu.memory_space<hbm>>, %arg3: memref<160000xi32, #tpu.memory_space<hbm>>, %arg4: memref<160000xi32, #tpu.memory_space<hbm>>, %arg5: memref<160000x128xf32, #tpu.memory_space<hbm>>, %arg6: memref<160000x128xf32, #tpu.memory_space<hbm>>, %arg7: memref<80xi32, #tpu.memory_space<vmem>>, %arg8: memref<80x128xf32, #tpu.memory_space<vmem>>, %arg9: memref<80xi32, #tpu.memory_space<vmem>>, %arg10: memref<80x128xf32, #tpu.memory_space<vmem>>, %arg11: memref<40xi32, #tpu.memory_space<vmem>>, %arg12: memref<40x128xf32, #tpu.memory_space<vmem>>, %arg13: memref<40xi32, #tpu.memory_space<vmem>>, %arg14: memref<40x128xf32, #tpu.memory_space<vmem>>, %arg15: memref<!tpu.dma_semaphore, #tpu.memory_space<semaphore_mem>>, %arg16: memref<!tpu.dma_semaphore, #tpu.memory_space<semaphore_mem>>) attributes {dimension_semantics = [#tpu.dimension_semantics<core_parallel>, #tpu.dimension_semantics<subcore_parallel>], iteration_bounds = array<i64: 2, 16>, scalar_prefetch = 0 : i64, scratch_operands = 10 : i64, tpu.core_type = #tpu.core_type<sc_vector_subcore>, window_params = [{transform_indices = #map}, {transform_indices = #map1}, {transform_indices = #map1}, {transform_indices = #map}, {transform_indices = #map}]} {
    %mul3A = arith.constant 2 : i32
    %mul3A_0 = arith.muli %arg1, %mul3A : i32
    %add3A = arith.addi %mul3A_0, %arg0 : i32
    %mul3A_1 = arith.constant 5000 : i32
    %mul3A_2 = arith.muli %add3A, %mul3A_1 : i32
    %scan3A = arith.constant 0 : i32
    %scan3A_3 = arith.constant 0 : i32
    %scan3A_4 = arith.constant 62 : i32
    %scan3A_5 = arith.addi %scan3A_3, %scan3A_4 : i32
    %scan3A_6 = arith.constant 1 : i32
    scf.for %scan3A_20 = %scan3A_3 to %scan3A_5 step %scan3A_6  : i32 {
      %mul3A_21 = arith.constant 80 : i32
      %mul3A_22 = arith.muli %scan3A_20, %mul3A_21 : i32
      %add3A_23 = arith.addi %mul3A_2, %mul3A_22 : i32
      "tpu.region"() ({
        %run_scoped3A = tpu.sem_alloc : memref<!tpu.dma_semaphore, #tpu.memory_space<semaphore_mem>>
        %dma_start3A_36 = tpu.memref_slice %arg3[%add3A_23] : memref<160000xi32, #tpu.memory_space<hbm>> -> memref<80xi32, #tpu.memory_space<hbm>>
        %dma_start3A_37 = tpu.memref_slice %arg3[%add3A_23] : memref<160000xi32, #tpu.memory_space<hbm>> -> memref<80xi32, #tpu.memory_space<hbm>>
        tpu.enqueue_dma source(%dma_start3A_37 : memref<80xi32, #tpu.memory_space<hbm>>) target(%arg7 : memref<80xi32, #tpu.memory_space<vmem>>) target_semaphore(%run_scoped3A : memref<!tpu.dma_semaphore, #tpu.memory_space<semaphore_mem>>)
        %dma_wait3A_38 = tpu.memref_slice %arg3[%add3A_23] : memref<160000xi32, #tpu.memory_space<hbm>> -> memref<80xi32, #tpu.memory_space<hbm>>
        %dma_wait3A_39 = tpu.memref_slice %arg3[%add3A_23] : memref<160000xi32, #tpu.memory_space<hbm>> -> memref<80xi32, #tpu.memory_space<hbm>>
        tpu.wait_dma2 semaphore(%run_scoped3A : memref<!tpu.dma_semaphore, #tpu.memory_space<semaphore_mem>>) src(%dma_wait3A_39 : memref<80xi32, #tpu.memory_space<hbm>>) dst(%arg7 : memref<80xi32, #tpu.memory_space<vmem>>)
        tpu.yield
      }) : () -> ()
      "tpu.region"() ({
        %run_scoped3A = tpu.sem_alloc : memref<!tpu.dma_semaphore, #tpu.memory_space<semaphore_mem>>
        %dma_start3A_36 = tpu.memref_slice %arg4[%add3A_23] : memref<160000xi32, #tpu.memory_space<hbm>> -> memref<80xi32, #tpu.memory_space<hbm>>
        %dma_start3A_37 = tpu.memref_slice %arg4[%add3A_23] : memref<160000xi32, #tpu.memory_space<hbm>> -> memref<80xi32, #tpu.memory_space<hbm>>
        tpu.enqueue_dma source(%dma_start3A_37 : memref<80xi32, #tpu.memory_space<hbm>>) target(%arg9 : memref<80xi32, #tpu.memory_space<vmem>>) target_semaphore(%run_scoped3A : memref<!tpu.dma_semaphore, #tpu.memory_space<semaphore_mem>>)
        %dma_wait3A_38 = tpu.memref_slice %arg4[%add3A_23] : memref<160000xi32, #tpu.memory_space<hbm>> -> memref<80xi32, #tpu.memory_space<hbm>>
        %dma_wait3A_39 = tpu.memref_slice %arg4[%add3A_23] : memref<160000xi32, #tpu.memory_space<hbm>> -> memref<80xi32, #tpu.memory_space<hbm>>
        tpu.wait_dma2 semaphore(%run_scoped3A : memref<!tpu.dma_semaphore, #tpu.memory_space<semaphore_mem>>) src(%dma_wait3A_39 : memref<80xi32, #tpu.memory_space<hbm>>) dst(%arg9 : memref<80xi32, #tpu.memory_space<vmem>>)
        tpu.yield
      }) : () -> ()
      %dma_start3A_24 = arith.constant 0 : i32
      %dma_start3A_25 = arith.constant 0 : i32
      %dma_start3A_26 = tpu.memref_slice %arg2[%dma_start3A_24, %dma_start3A_25] : memref<20000x128xf32, #tpu.memory_space<hbm>> -> memref<20000x128xf32, #tpu.memory_space<hbm>>
      tpu.enqueue_indirect_dma source(%dma_start3A_26 : memref<20000x128xf32, #tpu.memory_space<hbm>>) target(%arg8 : memref<80x128xf32, #tpu.memory_space<vmem>>) offsets(%arg7 : memref<80xi32, #tpu.memory_space<vmem>>) semaphore(%arg15 : memref<!tpu.dma_semaphore, #tpu.memory_space<semaphore_mem>>)
      %dma_start3A_27 = arith.constant 0 : i32
      %dma_start3A_28 = arith.constant 0 : i32
      %dma_start3A_29 = tpu.memref_slice %arg2[%dma_start3A_27, %dma_start3A_28] : memref<20000x128xf32, #tpu.memory_space<hbm>> -> memref<20000x128xf32, #tpu.memory_space<hbm>>
      tpu.enqueue_indirect_dma source(%dma_start3A_29 : memref<20000x128xf32, #tpu.memory_space<hbm>>) target(%arg10 : memref<80x128xf32, #tpu.memory_space<vmem>>) offsets(%arg9 : memref<80xi32, #tpu.memory_space<vmem>>) semaphore(%arg16 : memref<!tpu.dma_semaphore, #tpu.memory_space<semaphore_mem>>)
      %dma_wait3A_30 = arith.constant 0 : i32
      %dma_wait3A_31 = arith.constant 0 : i32
      %dma_wait3A_32 = tpu.memref_slice %arg2[%dma_wait3A_30, %dma_wait3A_31] : memref<20000x128xf32, #tpu.memory_space<hbm>> -> memref<20000x128xf32, #tpu.memory_space<hbm>>
      tpu.wait_indirect_dma semaphore(%arg15 : memref<!tpu.dma_semaphore, #tpu.memory_space<semaphore_mem>>) src(%dma_wait3A_32 : memref<20000x128xf32, #tpu.memory_space<hbm>>) dst(%arg8 : memref<80x128xf32, #tpu.memory_space<vmem>>)
      %dma_wait3A_33 = arith.constant 0 : i32
      %dma_wait3A_34 = arith.constant 0 : i32
      %dma_wait3A_35 = tpu.memref_slice %arg2[%dma_wait3A_33, %dma_wait3A_34] : memref<20000x128xf32, #tpu.memory_space<hbm>> -> memref<20000x128xf32, #tpu.memory_space<hbm>>
      tpu.wait_indirect_dma semaphore(%arg16 : memref<!tpu.dma_semaphore, #tpu.memory_space<semaphore_mem>>) src(%dma_wait3A_35 : memref<20000x128xf32, #tpu.memory_space<hbm>>) dst(%arg10 : memref<80x128xf32, #tpu.memory_space<vmem>>)
      "tpu.region"() ({
        %run_scoped3A = tpu.sem_alloc : memref<!tpu.dma_semaphore, #tpu.memory_space<semaphore_mem>>
        %dma_start3A_36 = arith.constant 0 : i32
        %dma_start3A_37 = tpu.memref_slice %arg5[%add3A_23, %dma_start3A_36] : memref<160000x128xf32, #tpu.memory_space<hbm>> -> memref<80x128xf32, #tpu.memory_space<hbm>>
        %dma_start3A_38 = arith.constant 0 : i32
        %dma_start3A_39 = tpu.memref_slice %arg5[%add3A_23, %dma_start3A_38] : memref<160000x128xf32, #tpu.memory_space<hbm>> -> memref<80x128xf32, #tpu.memory_space<hbm>>
        tpu.enqueue_dma source(%arg8 : memref<80x128xf32, #tpu.memory_space<vmem>>) target(%dma_start3A_39 : memref<80x128xf32, #tpu.memory_space<hbm>>) target_semaphore(%run_scoped3A : memref<!tpu.dma_semaphore, #tpu.memory_space<semaphore_mem>>)
        %dma_wait3A_40 = arith.constant 0 : i32
        %dma_wait3A_41 = tpu.memref_slice %arg5[%add3A_23, %dma_wait3A_40] : memref<160000x128xf32, #tpu.memory_space<hbm>> -> memref<80x128xf32, #tpu.memory_space<hbm>>
        %dma_wait3A_42 = arith.constant 0 : i32
        %dma_wait3A_43 = tpu.memref_slice %arg5[%add3A_23, %dma_wait3A_42] : memref<160000x128xf32, #tpu.memory_space<hbm>> -> memref<80x128xf32, #tpu.memory_space<hbm>>
        tpu.wait_dma2 semaphore(%run_scoped3A : memref<!tpu.dma_semaphore, #tpu.memory_space<semaphore_mem>>) src(%arg8 : memref<80x128xf32, #tpu.memory_space<vmem>>) dst(%dma_wait3A_43 : memref<80x128xf32, #tpu.memory_space<hbm>>)
        tpu.yield
      }) : () -> ()
      "tpu.region"() ({
        %run_scoped3A = tpu.sem_alloc : memref<!tpu.dma_semaphore, #tpu.memory_space<semaphore_mem>>
        %dma_start3A_36 = arith.constant 0 : i32
        %dma_start3A_37 = tpu.memref_slice %arg6[%add3A_23, %dma_start3A_36] : memref<160000x128xf32, #tpu.memory_space<hbm>> -> memref<80x128xf32, #tpu.memory_space<hbm>>
        %dma_start3A_38 = arith.constant 0 : i32
        %dma_start3A_39 = tpu.memref_slice %arg6[%add3A_23, %dma_start3A_38] : memref<160000x128xf32, #tpu.memory_space<hbm>> -> memref<80x128xf32, #tpu.memory_space<hbm>>
        tpu.enqueue_dma source(%arg10 : memref<80x128xf32, #tpu.memory_space<vmem>>) target(%dma_start3A_39 : memref<80x128xf32, #tpu.memory_space<hbm>>) target_semaphore(%run_scoped3A : memref<!tpu.dma_semaphore, #tpu.memory_space<semaphore_mem>>)
        %dma_wait3A_40 = arith.constant 0 : i32
        %dma_wait3A_41 = tpu.memref_slice %arg6[%add3A_23, %dma_wait3A_40] : memref<160000x128xf32, #tpu.memory_space<hbm>> -> memref<80x128xf32, #tpu.memory_space<hbm>>
        %dma_wait3A_42 = arith.constant 0 : i32
        %dma_wait3A_43 = tpu.memref_slice %arg6[%add3A_23, %dma_wait3A_42] : memref<160000x128xf32, #tpu.memory_space<hbm>> -> memref<80x128xf32, #tpu.memory_space<hbm>>
        tpu.wait_dma2 semaphore(%run_scoped3A : memref<!tpu.dma_semaphore, #tpu.memory_space<semaphore_mem>>) src(%arg10 : memref<80x128xf32, #tpu.memory_space<vmem>>) dst(%dma_wait3A_43 : memref<80x128xf32, #tpu.memory_space<hbm>>)
        tpu.yield
      }) : () -> ()
    }
    %scan3A_7 = arith.constant 62 : i32
    %add3A_8 = arith.constant 4960 : i32
    %add3A_9 = arith.addi %mul3A_2, %add3A_8 : i32
    "tpu.region"() ({
      %run_scoped3A = tpu.sem_alloc : memref<!tpu.dma_semaphore, #tpu.memory_space<semaphore_mem>>
      %dma_start3A_20 = tpu.memref_slice %arg3[%add3A_9] : memref<160000xi32, #tpu.memory_space<hbm>> -> memref<40xi32, #tpu.memory_space<hbm>>
      %dma_start3A_21 = tpu.memref_slice %arg3[%add3A_9] : memref<160000xi32, #tpu.memory_space<hbm>> -> memref<40xi32, #tpu.memory_space<hbm>>
      tpu.enqueue_dma source(%dma_start3A_21 : memref<40xi32, #tpu.memory_space<hbm>>) target(%arg11 : memref<40xi32, #tpu.memory_space<vmem>>) target_semaphore(%run_scoped3A : memref<!tpu.dma_semaphore, #tpu.memory_space<semaphore_mem>>)
      %dma_wait3A_22 = tpu.memref_slice %arg3[%add3A_9] : memref<160000xi32, #tpu.memory_space<hbm>> -> memref<40xi32, #tpu.memory_space<hbm>>
      %dma_wait3A_23 = tpu.memref_slice %arg3[%add3A_9] : memref<160000xi32, #tpu.memory_space<hbm>> -> memref<40xi32, #tpu.memory_space<hbm>>
      tpu.wait_dma2 semaphore(%run_scoped3A : memref<!tpu.dma_semaphore, #tpu.memory_space<semaphore_mem>>) src(%dma_wait3A_23 : memref<40xi32, #tpu.memory_space<hbm>>) dst(%arg11 : memref<40xi32, #tpu.memory_space<vmem>>)
      tpu.yield
    }) : () -> ()
    "tpu.region"() ({
      %run_scoped3A = tpu.sem_alloc : memref<!tpu.dma_semaphore, #tpu.memory_space<semaphore_mem>>
      %dma_start3A_20 = tpu.memref_slice %arg4[%add3A_9] : memref<160000xi32, #tpu.memory_space<hbm>> -> memref<40xi32, #tpu.memory_space<hbm>>
      %dma_start3A_21 = tpu.memref_slice %arg4[%add3A_9] : memref<160000xi32, #tpu.memory_space<hbm>> -> memref<40xi32, #tpu.memory_space<hbm>>
      tpu.enqueue_dma source(%dma_start3A_21 : memref<40xi32, #tpu.memory_space<hbm>>) target(%arg13 : memref<40xi32, #tpu.memory_space<vmem>>) target_semaphore(%run_scoped3A : memref<!tpu.dma_semaphore, #tpu.memory_space<semaphore_mem>>)
      %dma_wait3A_22 = tpu.memref_slice %arg4[%add3A_9] : memref<160000xi32, #tpu.memory_space<hbm>> -> memref<40xi32, #tpu.memory_space<hbm>>
      %dma_wait3A_23 = tpu.memref_slice %arg4[%add3A_9] : memref<160000xi32, #tpu.memory_space<hbm>> -> memref<40xi32, #tpu.memory_space<hbm>>
      tpu.wait_dma2 semaphore(%run_scoped3A : memref<!tpu.dma_semaphore, #tpu.memory_space<semaphore_mem>>) src(%dma_wait3A_23 : memref<40xi32, #tpu.memory_space<hbm>>) dst(%arg13 : memref<40xi32, #tpu.memory_space<vmem>>)
      tpu.yield
    }) : () -> ()
    %dma_start3A = arith.constant 0 : i32
    %dma_start3A_10 = arith.constant 0 : i32
    %dma_start3A_11 = tpu.memref_slice %arg2[%dma_start3A, %dma_start3A_10] : memref<20000x128xf32, #tpu.memory_space<hbm>> -> memref<20000x128xf32, #tpu.memory_space<hbm>>
    tpu.enqueue_indirect_dma source(%dma_start3A_11 : memref<20000x128xf32, #tpu.memory_space<hbm>>) target(%arg12 : memref<40x128xf32, #tpu.memory_space<vmem>>) offsets(%arg11 : memref<40xi32, #tpu.memory_space<vmem>>) semaphore(%arg15 : memref<!tpu.dma_semaphore, #tpu.memory_space<semaphore_mem>>)
    %dma_start3A_12 = arith.constant 0 : i32
    %dma_start3A_13 = arith.constant 0 : i32
    %dma_start3A_14 = tpu.memref_slice %arg2[%dma_start3A_12, %dma_start3A_13] : memref<20000x128xf32, #tpu.memory_space<hbm>> -> memref<20000x128xf32, #tpu.memory_space<hbm>>
    tpu.enqueue_indirect_dma source(%dma_start3A_14 : memref<20000x128xf32, #tpu.memory_space<hbm>>) target(%arg14 : memref<40x128xf32, #tpu.memory_space<vmem>>) offsets(%arg13 : memref<40xi32, #tpu.memory_space<vmem>>) semaphore(%arg16 : memref<!tpu.dma_semaphore, #tpu.memory_space<semaphore_mem>>)
    %dma_wait3A = arith.constant 0 : i32
    %dma_wait3A_15 = arith.constant 0 : i32
    %dma_wait3A_16 = tpu.memref_slice %arg2[%dma_wait3A, %dma_wait3A_15] : memref<20000x128xf32, #tpu.memory_space<hbm>> -> memref<20000x128xf32, #tpu.memory_space<hbm>>
    tpu.wait_indirect_dma semaphore(%arg15 : memref<!tpu.dma_semaphore, #tpu.memory_space<semaphore_mem>>) src(%dma_wait3A_16 : memref<20000x128xf32, #tpu.memory_space<hbm>>) dst(%arg12 : memref<40x128xf32, #tpu.memory_space<vmem>>)
    %dma_wait3A_17 = arith.constant 0 : i32
    %dma_wait3A_18 = arith.constant 0 : i32
    %dma_wait3A_19 = tpu.memref_slice %arg2[%dma_wait3A_17, %dma_wait3A_18] : memref<20000x128xf32, #tpu.memory_space<hbm>> -> memref<20000x128xf32, #tpu.memory_space<hbm>>
    tpu.wait_indirect_dma semaphore(%arg16 : memref<!tpu.dma_semaphore, #tpu.memory_space<semaphore_mem>>) src(%dma_wait3A_19 : memref<20000x128xf32, #tpu.memory_space<hbm>>) dst(%arg14 : memref<40x128xf32, #tpu.memory_space<vmem>>)
    "tpu.region"() ({
      %run_scoped3A = tpu.sem_alloc : memref<!tpu.dma_semaphore, #tpu.memory_space<semaphore_mem>>
      %dma_start3A_20 = arith.constant 0 : i32
      %dma_start3A_21 = tpu.memref_slice %arg5[%add3A_9, %dma_start3A_20] : memref<160000x128xf32, #tpu.memory_space<hbm>> -> memref<40x128xf32, #tpu.memory_space<hbm>>
      %dma_start3A_22 = arith.constant 0 : i32
      %dma_start3A_23 = tpu.memref_slice %arg5[%add3A_9, %dma_start3A_22] : memref<160000x128xf32, #tpu.memory_space<hbm>> -> memref<40x128xf32, #tpu.memory_space<hbm>>
      tpu.enqueue_dma source(%arg12 : memref<40x128xf32, #tpu.memory_space<vmem>>) target(%dma_start3A_23 : memref<40x128xf32, #tpu.memory_space<hbm>>) target_semaphore(%run_scoped3A : memref<!tpu.dma_semaphore, #tpu.memory_space<semaphore_mem>>)
      %dma_wait3A_24 = arith.constant 0 : i32
      %dma_wait3A_25 = tpu.memref_slice %arg5[%add3A_9, %dma_wait3A_24] : memref<160000x128xf32, #tpu.memory_space<hbm>> -> memref<40x128xf32, #tpu.memory_space<hbm>>
      %dma_wait3A_26 = arith.constant 0 : i32
      %dma_wait3A_27 = tpu.memref_slice %arg5[%add3A_9, %dma_wait3A_26] : memref<160000x128xf32, #tpu.memory_space<hbm>> -> memref<40x128xf32, #tpu.memory_space<hbm>>
      tpu.wait_dma2 semaphore(%run_scoped3A : memref<!tpu.dma_semaphore, #tpu.memory_space<semaphore_mem>>) src(%arg12 : memref<40x128xf32, #tpu.memory_space<vmem>>) dst(%dma_wait3A_27 : memref<40x128xf32, #tpu.memory_space<hbm>>)
      tpu.yield
    }) : () -> ()
    "tpu.region"() ({
      %run_scoped3A = tpu.sem_alloc : memref<!tpu.dma_semaphore, #tpu.memory_space<semaphore_mem>>
      %dma_start3A_20 = arith.constant 0 : i32
      %dma_start3A_21 = tpu.memref_slice %arg6[%add3A_9, %dma_start3A_20] : memref<160000x128xf32, #tpu.memory_space<hbm>> -> memref<40x128xf32, #tpu.memory_space<hbm>>
      %dma_start3A_22 = arith.constant 0 : i32
      %dma_start3A_23 = tpu.memref_slice %arg6[%add3A_9, %dma_start3A_22] : memref<160000x128xf32, #tpu.memory_space<hbm>> -> memref<40x128xf32, #tpu.memory_space<hbm>>
      tpu.enqueue_dma source(%arg14 : memref<40x128xf32, #tpu.memory_space<vmem>>) target(%dma_start3A_23 : memref<40x128xf32, #tpu.memory_space<hbm>>) target_semaphore(%run_scoped3A : memref<!tpu.dma_semaphore, #tpu.memory_space<semaphore_mem>>)
      %dma_wait3A_24 = arith.constant 0 : i32
      %dma_wait3A_25 = tpu.memref_slice %arg6[%add3A_9, %dma_wait3A_24] : memref<160000x128xf32, #tpu.memory_space<hbm>> -> memref<40x128xf32, #tpu.memory_space<hbm>>
      %dma_wait3A_26 = arith.constant 0 : i32
      %dma_wait3A_27 = tpu.memref_slice %arg6[%add3A_9, %dma_wait3A_26] : memref<160000x128xf32, #tpu.memory_space<hbm>> -> memref<40x128xf32, #tpu.memory_space<hbm>>
      tpu.wait_dma2 semaphore(%run_scoped3A : memref<!tpu.dma_semaphore, #tpu.memory_space<semaphore_mem>>) src(%arg14 : memref<40x128xf32, #tpu.memory_space<vmem>>) dst(%dma_wait3A_27 : memref<40x128xf32, #tpu.memory_space<hbm>>)
      tpu.yield
    }) : () -> ()
    return
  }
}

#map = affine_map<(d0, d1) -> (0)>
#map1 = affine_map<(d0, d1) -> (0, 0)>
module attributes {stable_mosaic.version = 14 : i64} {
  func.func @_scatter_k(%arg0: i32, %arg1: i32, %arg2: memref<160000xi32, #tpu.memory_space<hbm>>, %arg3: memref<160000xi32, #tpu.memory_space<hbm>>, %arg4: memref<160000x128xf32, #tpu.memory_space<hbm>>, %arg5: memref<160000x128xf32, #tpu.memory_space<hbm>>, %arg6: memref<640x128xf32, #tpu.memory_space<hbm>>, %arg7: memref<20480x128xf32, #tpu.memory_space<hbm>>, %arg8: memref<10240x128xf32, #tpu.memory_space<vmem_shared>>, %arg9: memref<80xi32, #tpu.memory_space<vmem>>, %arg10: memref<80x128xf32, #tpu.memory_space<vmem>>, %arg11: memref<80xi32, #tpu.memory_space<vmem>>, %arg12: memref<80x128xf32, #tpu.memory_space<vmem>>, %arg13: memref<40xi32, #tpu.memory_space<vmem>>, %arg14: memref<40x128xf32, #tpu.memory_space<vmem>>, %arg15: memref<40xi32, #tpu.memory_space<vmem>>, %arg16: memref<40x128xf32, #tpu.memory_space<vmem>>) attributes {dimension_semantics = [#tpu.dimension_semantics<core_parallel>, #tpu.dimension_semantics<subcore_parallel>], iteration_bounds = array<i64: 2, 16>, scalar_prefetch = 0 : i64, scratch_operands = 9 : i64, tpu.core_type = #tpu.core_type<sc_vector_subcore>, window_params = [{transform_indices = #map}, {transform_indices = #map}, {transform_indices = #map1}, {transform_indices = #map1}, {transform_indices = #map1}, {transform_indices = #map1}]} {
    %mul3A = arith.constant 640 : i32
    %mul3A_0 = arith.muli %arg1, %mul3A : i32
    "tpu.region"() ({
      %run_scoped3A = tpu.sem_alloc : memref<!tpu.dma_semaphore, #tpu.memory_space<semaphore_mem>>
      %dma_start3A = arith.constant 0 : i32
      %dma_start3A_20 = tpu.memref_slice %arg8[%mul3A_0, %dma_start3A] : memref<10240x128xf32, #tpu.memory_space<vmem_shared>> -> memref<640x128xf32, #tpu.memory_space<vmem_shared>>
      %dma_start3A_21 = arith.constant 0 : i32
      %dma_start3A_22 = arith.constant 0 : i32
      %dma_start3A_23 = tpu.memref_slice %arg6[%dma_start3A_21, %dma_start3A_22] : memref<640x128xf32, #tpu.memory_space<hbm>> -> memref<640x128xf32, #tpu.memory_space<hbm>>
      tpu.enqueue_dma source(%dma_start3A_23 : memref<640x128xf32, #tpu.memory_space<hbm>>) target(%dma_start3A_20 : memref<640x128xf32, #tpu.memory_space<vmem_shared>>) target_semaphore(%run_scoped3A : memref<!tpu.dma_semaphore, #tpu.memory_space<semaphore_mem>>)
      %dma_wait3A = arith.constant 0 : i32
      %dma_wait3A_24 = tpu.memref_slice %arg8[%mul3A_0, %dma_wait3A] : memref<10240x128xf32, #tpu.memory_space<vmem_shared>> -> memref<640x128xf32, #tpu.memory_space<vmem_shared>>
      %dma_wait3A_25 = arith.constant 0 : i32
      %dma_wait3A_26 = arith.constant 0 : i32
      %dma_wait3A_27 = tpu.memref_slice %arg6[%dma_wait3A_25, %dma_wait3A_26] : memref<640x128xf32, #tpu.memory_space<hbm>> -> memref<640x128xf32, #tpu.memory_space<hbm>>
      tpu.wait_dma2 semaphore(%run_scoped3A : memref<!tpu.dma_semaphore, #tpu.memory_space<semaphore_mem>>) src(%dma_wait3A_27 : memref<640x128xf32, #tpu.memory_space<hbm>>) dst(%dma_wait3A_24 : memref<640x128xf32, #tpu.memory_space<vmem_shared>>)
      tpu.yield
    }) : () -> ()
    %barrier3A = arith.constant 0 : index
    tpu.barrier barrier_id(%barrier3A)
    %mul3A_1 = arith.constant 16 : i32
    %mul3A_2 = arith.muli %arg0, %mul3A_1 : i32
    %add3A = arith.addi %mul3A_2, %arg1 : i32
    %mul3A_3 = arith.constant 5000 : i32
    %mul3A_4 = arith.muli %add3A, %mul3A_3 : i32
    %scan3A = arith.constant 0 : i32
    %scan3A_5 = arith.constant 0 : i32
    %scan3A_6 = arith.constant 62 : i32
    %scan3A_7 = arith.addi %scan3A_5, %scan3A_6 : i32
    %scan3A_8 = arith.constant 1 : i32
    scf.for %scan3A_20 = %scan3A_5 to %scan3A_7 step %scan3A_8  : i32 {
      %mul3A_21 = arith.constant 80 : i32
      %mul3A_22 = arith.muli %scan3A_20, %mul3A_21 : i32
      %add3A_23 = arith.addi %mul3A_4, %mul3A_22 : i32
      "tpu.region"() ({
        %run_scoped3A = tpu.sem_alloc : memref<!tpu.dma_semaphore, #tpu.memory_space<semaphore_mem>>
        %dma_start3A = tpu.memref_slice %arg2[%add3A_23] : memref<160000xi32, #tpu.memory_space<hbm>> -> memref<80xi32, #tpu.memory_space<hbm>>
        %dma_start3A_24 = tpu.memref_slice %arg2[%add3A_23] : memref<160000xi32, #tpu.memory_space<hbm>> -> memref<80xi32, #tpu.memory_space<hbm>>
        tpu.enqueue_dma source(%dma_start3A_24 : memref<80xi32, #tpu.memory_space<hbm>>) target(%arg9 : memref<80xi32, #tpu.memory_space<vmem>>) target_semaphore(%run_scoped3A : memref<!tpu.dma_semaphore, #tpu.memory_space<semaphore_mem>>)
        %dma_wait3A = tpu.memref_slice %arg2[%add3A_23] : memref<160000xi32, #tpu.memory_space<hbm>> -> memref<80xi32, #tpu.memory_space<hbm>>
        %dma_wait3A_25 = tpu.memref_slice %arg2[%add3A_23] : memref<160000xi32, #tpu.memory_space<hbm>> -> memref<80xi32, #tpu.memory_space<hbm>>
        tpu.wait_dma2 semaphore(%run_scoped3A : memref<!tpu.dma_semaphore, #tpu.memory_space<semaphore_mem>>) src(%dma_wait3A_25 : memref<80xi32, #tpu.memory_space<hbm>>) dst(%arg9 : memref<80xi32, #tpu.memory_space<vmem>>)
        tpu.yield
      }) : () -> ()
      "tpu.region"() ({
        %run_scoped3A = tpu.sem_alloc : memref<!tpu.dma_semaphore, #tpu.memory_space<semaphore_mem>>
        %dma_start3A = arith.constant 0 : i32
        %dma_start3A_24 = tpu.memref_slice %arg4[%add3A_23, %dma_start3A] : memref<160000x128xf32, #tpu.memory_space<hbm>> -> memref<80x128xf32, #tpu.memory_space<hbm>>
        %dma_start3A_25 = arith.constant 0 : i32
        %dma_start3A_26 = tpu.memref_slice %arg4[%add3A_23, %dma_start3A_25] : memref<160000x128xf32, #tpu.memory_space<hbm>> -> memref<80x128xf32, #tpu.memory_space<hbm>>
        tpu.enqueue_dma source(%dma_start3A_26 : memref<80x128xf32, #tpu.memory_space<hbm>>) target(%arg10 : memref<80x128xf32, #tpu.memory_space<vmem>>) target_semaphore(%run_scoped3A : memref<!tpu.dma_semaphore, #tpu.memory_space<semaphore_mem>>)
        %dma_wait3A = arith.constant 0 : i32
        %dma_wait3A_27 = tpu.memref_slice %arg4[%add3A_23, %dma_wait3A] : memref<160000x128xf32, #tpu.memory_space<hbm>> -> memref<80x128xf32, #tpu.memory_space<hbm>>
        %dma_wait3A_28 = arith.constant 0 : i32
        %dma_wait3A_29 = tpu.memref_slice %arg4[%add3A_23, %dma_wait3A_28] : memref<160000x128xf32, #tpu.memory_space<hbm>> -> memref<80x128xf32, #tpu.memory_space<hbm>>
        tpu.wait_dma2 semaphore(%run_scoped3A : memref<!tpu.dma_semaphore, #tpu.memory_space<semaphore_mem>>) src(%dma_wait3A_29 : memref<80x128xf32, #tpu.memory_space<hbm>>) dst(%arg10 : memref<80x128xf32, #tpu.memory_space<vmem>>)
        tpu.yield
      }) : () -> ()
      "tpu.region"() ({
        %run_scoped3A = tpu.sem_alloc : memref<!tpu.dma_semaphore, #tpu.memory_space<semaphore_mem>>
        %dma_start3A = arith.constant 0 : i32
        %dma_start3A_24 = arith.constant 0 : i32
        %dma_start3A_25 = tpu.memref_slice %arg8[%dma_start3A, %dma_start3A_24] : memref<10240x128xf32, #tpu.memory_space<vmem_shared>> -> memref<10240x128xf32, #tpu.memory_space<vmem_shared>>
        tpu.enqueue_indirect_dma source(%arg10 : memref<80x128xf32, #tpu.memory_space<vmem>>) target(%dma_start3A_25 : memref<10240x128xf32, #tpu.memory_space<vmem_shared>>) offsets(%arg9 : memref<80xi32, #tpu.memory_space<vmem>>) semaphore(%run_scoped3A : memref<!tpu.dma_semaphore, #tpu.memory_space<semaphore_mem>>) {add = true}
        %dma_wait3A = arith.constant 0 : i32
        %dma_wait3A_26 = arith.constant 0 : i32
        %dma_wait3A_27 = tpu.memref_slice %arg8[%dma_wait3A, %dma_wait3A_26] : memref<10240x128xf32, #tpu.memory_space<vmem_shared>> -> memref<10240x128xf32, #tpu.memory_space<vmem_shared>>
        tpu.wait_indirect_dma semaphore(%run_scoped3A : memref<!tpu.dma_semaphore, #tpu.memory_space<semaphore_mem>>) src(%arg10 : memref<80x128xf32, #tpu.memory_space<vmem>>) dst(%dma_wait3A_27 : memref<10240x128xf32, #tpu.memory_space<vmem_shared>>)
        tpu.yield
      }) : () -> ()
      "tpu.region"() ({
        %run_scoped3A = tpu.sem_alloc : memref<!tpu.dma_semaphore, #tpu.memory_space<semaphore_mem>>
        %dma_start3A = tpu.memref_slice %arg3[%add3A_23] : memref<160000xi32, #tpu.memory_space<hbm>> -> memref<80xi32, #tpu.memory_space<hbm>>
        %dma_start3A_24 = tpu.memref_slice %arg3[%add3A_23] : memref<160000xi32, #tpu.memory_space<hbm>> -> memref<80xi32, #tpu.memory_space<hbm>>
        tpu.enqueue_dma source(%dma_start3A_24 : memref<80xi32, #tpu.memory_space<hbm>>) target(%arg11 : memref<80xi32, #tpu.memory_space<vmem>>) target_semaphore(%run_scoped3A : memref<!tpu.dma_semaphore, #tpu.memory_space<semaphore_mem>>)
        %dma_wait3A = tpu.memref_slice %arg3[%add3A_23] : memref<160000xi32, #tpu.memory_space<hbm>> -> memref<80xi32, #tpu.memory_space<hbm>>
        %dma_wait3A_25 = tpu.memref_slice %arg3[%add3A_23] : memref<160000xi32, #tpu.memory_space<hbm>> -> memref<80xi32, #tpu.memory_space<hbm>>
        tpu.wait_dma2 semaphore(%run_scoped3A : memref<!tpu.dma_semaphore, #tpu.memory_space<semaphore_mem>>) src(%dma_wait3A_25 : memref<80xi32, #tpu.memory_space<hbm>>) dst(%arg11 : memref<80xi32, #tpu.memory_space<vmem>>)
        tpu.yield
      }) : () -> ()
      "tpu.region"() ({
        %run_scoped3A = tpu.sem_alloc : memref<!tpu.dma_semaphore, #tpu.memory_space<semaphore_mem>>
        %dma_start3A = arith.constant 0 : i32
        %dma_start3A_24 = tpu.memref_slice %arg5[%add3A_23, %dma_start3A] : memref<160000x128xf32, #tpu.memory_space<hbm>> -> memref<80x128xf32, #tpu.memory_space<hbm>>
        %dma_start3A_25 = arith.constant 0 : i32
        %dma_start3A_26 = tpu.memref_slice %arg5[%add3A_23, %dma_start3A_25] : memref<160000x128xf32, #tpu.memory_space<hbm>> -> memref<80x128xf32, #tpu.memory_space<hbm>>
        tpu.enqueue_dma source(%dma_start3A_26 : memref<80x128xf32, #tpu.memory_space<hbm>>) target(%arg12 : memref<80x128xf32, #tpu.memory_space<vmem>>) target_semaphore(%run_scoped3A : memref<!tpu.dma_semaphore, #tpu.memory_space<semaphore_mem>>)
        %dma_wait3A = arith.constant 0 : i32
        %dma_wait3A_27 = tpu.memref_slice %arg5[%add3A_23, %dma_wait3A] : memref<160000x128xf32, #tpu.memory_space<hbm>> -> memref<80x128xf32, #tpu.memory_space<hbm>>
        %dma_wait3A_28 = arith.constant 0 : i32
        %dma_wait3A_29 = tpu.memref_slice %arg5[%add3A_23, %dma_wait3A_28] : memref<160000x128xf32, #tpu.memory_space<hbm>> -> memref<80x128xf32, #tpu.memory_space<hbm>>
        tpu.wait_dma2 semaphore(%run_scoped3A : memref<!tpu.dma_semaphore, #tpu.memory_space<semaphore_mem>>) src(%dma_wait3A_29 : memref<80x128xf32, #tpu.memory_space<hbm>>) dst(%arg12 : memref<80x128xf32, #tpu.memory_space<vmem>>)
        tpu.yield
      }) : () -> ()
      "tpu.region"() ({
        %run_scoped3A = tpu.sem_alloc : memref<!tpu.dma_semaphore, #tpu.memory_space<semaphore_mem>>
        %dma_start3A = arith.constant 0 : i32
        %dma_start3A_24 = arith.constant 0 : i32
        %dma_start3A_25 = tpu.memref_slice %arg8[%dma_start3A, %dma_start3A_24] : memref<10240x128xf32, #tpu.memory_space<vmem_shared>> -> memref<10240x128xf32, #tpu.memory_space<vmem_shared>>
        tpu.enqueue_indirect_dma source(%arg12 : memref<80x128xf32, #tpu.memory_space<vmem>>) target(%dma_start3A_25 : memref<10240x128xf32, #tpu.memory_space<vmem_shared>>) offsets(%arg11 : memref<80xi32, #tpu.memory_space<vmem>>) semaphore(%run_scoped3A : memref<!tpu.dma_semaphore, #tpu.memory_space<semaphore_mem>>) {add = true}
        %dma_wait3A = arith.constant 0 : i32
        %dma_wait3A_26 = arith.constant 0 : i32
        %dma_wait3A_27 = tpu.memref_slice %arg8[%dma_wait3A, %dma_wait3A_26] : memref<10240x128xf32, #tpu.memory_space<vmem_shared>> -> memref<10240x128xf32, #tpu.memory_space<vmem_shared>>
        tpu.wait_indirect_dma semaphore(%run_scoped3A : memref<!tpu.dma_semaphore, #tpu.memory_space<semaphore_mem>>) src(%arg12 : memref<80x128xf32, #tpu.memory_space<vmem>>) dst(%dma_wait3A_27 : memref<10240x128xf32, #tpu.memory_space<vmem_shared>>)
        tpu.yield
      }) : () -> ()
    }
    %scan3A_9 = arith.constant 62 : i32
    %add3A_10 = arith.constant 4960 : i32
    %add3A_11 = arith.addi %mul3A_4, %add3A_10 : i32
    "tpu.region"() ({
      %run_scoped3A = tpu.sem_alloc : memref<!tpu.dma_semaphore, #tpu.memory_space<semaphore_mem>>
      %dma_start3A = tpu.memref_slice %arg2[%add3A_11] : memref<160000xi32, #tpu.memory_space<hbm>> -> memref<40xi32, #tpu.memory_space<hbm>>
      %dma_start3A_20 = tpu.memref_slice %arg2[%add3A_11] : memref<160000xi32, #tpu.memory_space<hbm>> -> memref<40xi32, #tpu.memory_space<hbm>>
      tpu.enqueue_dma source(%dma_start3A_20 : memref<40xi32, #tpu.memory_space<hbm>>) target(%arg13 : memref<40xi32, #tpu.memory_space<vmem>>) target_semaphore(%run_scoped3A : memref<!tpu.dma_semaphore, #tpu.memory_space<semaphore_mem>>)
      %dma_wait3A = tpu.memref_slice %arg2[%add3A_11] : memref<160000xi32, #tpu.memory_space<hbm>> -> memref<40xi32, #tpu.memory_space<hbm>>
      %dma_wait3A_21 = tpu.memref_slice %arg2[%add3A_11] : memref<160000xi32, #tpu.memory_space<hbm>> -> memref<40xi32, #tpu.memory_space<hbm>>
      tpu.wait_dma2 semaphore(%run_scoped3A : memref<!tpu.dma_semaphore, #tpu.memory_space<semaphore_mem>>) src(%dma_wait3A_21 : memref<40xi32, #tpu.memory_space<hbm>>) dst(%arg13 : memref<40xi32, #tpu.memory_space<vmem>>)
      tpu.yield
    }) : () -> ()
    "tpu.region"() ({
      %run_scoped3A = tpu.sem_alloc : memref<!tpu.dma_semaphore, #tpu.memory_space<semaphore_mem>>
      %dma_start3A = arith.constant 0 : i32
      %dma_start3A_20 = tpu.memref_slice %arg4[%add3A_11, %dma_start3A] : memref<160000x128xf32, #tpu.memory_space<hbm>> -> memref<40x128xf32, #tpu.memory_space<hbm>>
      %dma_start3A_21 = arith.constant 0 : i32
      %dma_start3A_22 = tpu.memref_slice %arg4[%add3A_11, %dma_start3A_21] : memref<160000x128xf32, #tpu.memory_space<hbm>> -> memref<40x128xf32, #tpu.memory_space<hbm>>
      tpu.enqueue_dma source(%dma_start3A_22 : memref<40x128xf32, #tpu.memory_space<hbm>>) target(%arg14 : memref<40x128xf32, #tpu.memory_space<vmem>>) target_semaphore(%run_scoped3A : memref<!tpu.dma_semaphore, #tpu.memory_space<semaphore_mem>>)
      %dma_wait3A = arith.constant 0 : i32
      %dma_wait3A_23 = tpu.memref_slice %arg4[%add3A_11, %dma_wait3A] : memref<160000x128xf32, #tpu.memory_space<hbm>> -> memref<40x128xf32, #tpu.memory_space<hbm>>
      %dma_wait3A_24 = arith.constant 0 : i32
      %dma_wait3A_25 = tpu.memref_slice %arg4[%add3A_11, %dma_wait3A_24] : memref<160000x128xf32, #tpu.memory_space<hbm>> -> memref<40x128xf32, #tpu.memory_space<hbm>>
      tpu.wait_dma2 semaphore(%run_scoped3A : memref<!tpu.dma_semaphore, #tpu.memory_space<semaphore_mem>>) src(%dma_wait3A_25 : memref<40x128xf32, #tpu.memory_space<hbm>>) dst(%arg14 : memref<40x128xf32, #tpu.memory_space<vmem>>)
      tpu.yield
    }) : () -> ()
    "tpu.region"() ({
      %run_scoped3A = tpu.sem_alloc : memref<!tpu.dma_semaphore, #tpu.memory_space<semaphore_mem>>
      %dma_start3A = arith.constant 0 : i32
      %dma_start3A_20 = arith.constant 0 : i32
      %dma_start3A_21 = tpu.memref_slice %arg8[%dma_start3A, %dma_start3A_20] : memref<10240x128xf32, #tpu.memory_space<vmem_shared>> -> memref<10240x128xf32, #tpu.memory_space<vmem_shared>>
      tpu.enqueue_indirect_dma source(%arg14 : memref<40x128xf32, #tpu.memory_space<vmem>>) target(%dma_start3A_21 : memref<10240x128xf32, #tpu.memory_space<vmem_shared>>) offsets(%arg13 : memref<40xi32, #tpu.memory_space<vmem>>) semaphore(%run_scoped3A : memref<!tpu.dma_semaphore, #tpu.memory_space<semaphore_mem>>) {add = true}
      %dma_wait3A = arith.constant 0 : i32
      %dma_wait3A_22 = arith.constant 0 : i32
      %dma_wait3A_23 = tpu.memref_slice %arg8[%dma_wait3A, %dma_wait3A_22] : memref<10240x128xf32, #tpu.memory_space<vmem_shared>> -> memref<10240x128xf32, #tpu.memory_space<vmem_shared>>
      tpu.wait_indirect_dma semaphore(%run_scoped3A : memref<!tpu.dma_semaphore, #tpu.memory_space<semaphore_mem>>) src(%arg14 : memref<40x128xf32, #tpu.memory_space<vmem>>) dst(%dma_wait3A_23 : memref<10240x128xf32, #tpu.memory_space<vmem_shared>>)
      tpu.yield
    }) : () -> ()
    "tpu.region"() ({
      %run_scoped3A = tpu.sem_alloc : memref<!tpu.dma_semaphore, #tpu.memory_space<semaphore_mem>>
      %dma_start3A = tpu.memref_slice %arg3[%add3A_11] : memref<160000xi32, #tpu.memory_space<hbm>> -> memref<40xi32, #tpu.memory_space<hbm>>
      %dma_start3A_20 = tpu.memref_slice %arg3[%add3A_11] : memref<160000xi32, #tpu.memory_space<hbm>> -> memref<40xi32, #tpu.memory_space<hbm>>
      tpu.enqueue_dma source(%dma_start3A_20 : memref<40xi32, #tpu.memory_space<hbm>>) target(%arg15 : memref<40xi32, #tpu.memory_space<vmem>>) target_semaphore(%run_scoped3A : memref<!tpu.dma_semaphore, #tpu.memory_space<semaphore_mem>>)
      %dma_wait3A = tpu.memref_slice %arg3[%add3A_11] : memref<160000xi32, #tpu.memory_space<hbm>> -> memref<40xi32, #tpu.memory_space<hbm>>
      %dma_wait3A_21 = tpu.memref_slice %arg3[%add3A_11] : memref<160000xi32, #tpu.memory_space<hbm>> -> memref<40xi32, #tpu.memory_space<hbm>>
      tpu.wait_dma2 semaphore(%run_scoped3A : memref<!tpu.dma_semaphore, #tpu.memory_space<semaphore_mem>>) src(%dma_wait3A_21 : memref<40xi32, #tpu.memory_space<hbm>>) dst(%arg15 : memref<40xi32, #tpu.memory_space<vmem>>)
      tpu.yield
    }) : () -> ()
    "tpu.region"() ({
      %run_scoped3A = tpu.sem_alloc : memref<!tpu.dma_semaphore, #tpu.memory_space<semaphore_mem>>
      %dma_start3A = arith.constant 0 : i32
      %dma_start3A_20 = tpu.memref_slice %arg5[%add3A_11, %dma_start3A] : memref<160000x128xf32, #tpu.memory_space<hbm>> -> memref<40x128xf32, #tpu.memory_space<hbm>>
      %dma_start3A_21 = arith.constant 0 : i32
      %dma_start3A_22 = tpu.memref_slice %arg5[%add3A_11, %dma_start3A_21] : memref<160000x128xf32, #tpu.memory_space<hbm>> -> memref<40x128xf32, #tpu.memory_space<hbm>>
      tpu.enqueue_dma source(%dma_start3A_22 : memref<40x128xf32, #tpu.memory_space<hbm>>) target(%arg16 : memref<40x128xf32, #tpu.memory_space<vmem>>) target_semaphore(%run_scoped3A : memref<!tpu.dma_semaphore, #tpu.memory_space<semaphore_mem>>)
      %dma_wait3A = arith.constant 0 : i32
      %dma_wait3A_23 = tpu.memref_slice %arg5[%add3A_11, %dma_wait3A] : memref<160000x128xf32, #tpu.memory_space<hbm>> -> memref<40x128xf32, #tpu.memory_space<hbm>>
      %dma_wait3A_24 = arith.constant 0 : i32
      %dma_wait3A_25 = tpu.memref_slice %arg5[%add3A_11, %dma_wait3A_24] : memref<160000x128xf32, #tpu.memory_space<hbm>> -> memref<40x128xf32, #tpu.memory_space<hbm>>
      tpu.wait_dma2 semaphore(%run_scoped3A : memref<!tpu.dma_semaphore, #tpu.memory_space<semaphore_mem>>) src(%dma_wait3A_25 : memref<40x128xf32, #tpu.memory_space<hbm>>) dst(%arg16 : memref<40x128xf32, #tpu.memory_space<vmem>>)
      tpu.yield
    }) : () -> ()
    "tpu.region"() ({
      %run_scoped3A = tpu.sem_alloc : memref<!tpu.dma_semaphore, #tpu.memory_space<semaphore_mem>>
      %dma_start3A = arith.constant 0 : i32
      %dma_start3A_20 = arith.constant 0 : i32
      %dma_start3A_21 = tpu.memref_slice %arg8[%dma_start3A, %dma_start3A_20] : memref<10240x128xf32, #tpu.memory_space<vmem_shared>> -> memref<10240x128xf32, #tpu.memory_space<vmem_shared>>
      tpu.enqueue_indirect_dma source(%arg16 : memref<40x128xf32, #tpu.memory_space<vmem>>) target(%dma_start3A_21 : memref<10240x128xf32, #tpu.memory_space<vmem_shared>>) offsets(%arg15 : memref<40xi32, #tpu.memory_space<vmem>>) semaphore(%run_scoped3A : memref<!tpu.dma_semaphore, #tpu.memory_space<semaphore_mem>>) {add = true}
      %dma_wait3A = arith.constant 0 : i32
      %dma_wait3A_22 = arith.constant 0 : i32
      %dma_wait3A_23 = tpu.memref_slice %arg8[%dma_wait3A, %dma_wait3A_22] : memref<10240x128xf32, #tpu.memory_space<vmem_shared>> -> memref<10240x128xf32, #tpu.memory_space<vmem_shared>>
      tpu.wait_indirect_dma semaphore(%run_scoped3A : memref<!tpu.dma_semaphore, #tpu.memory_space<semaphore_mem>>) src(%arg16 : memref<40x128xf32, #tpu.memory_space<vmem>>) dst(%dma_wait3A_23 : memref<10240x128xf32, #tpu.memory_space<vmem_shared>>)
      tpu.yield
    }) : () -> ()
    %barrier3A_12 = arith.constant 0 : index
    tpu.barrier barrier_id(%barrier3A_12)
    %mul3A_13 = arith.constant 640 : i32
    %mul3A_14 = arith.muli %arg1, %mul3A_13 : i32
    %mul3A_15 = arith.constant 10240 : i32
    %mul3A_16 = arith.muli %arg0, %mul3A_15 : i32
    %mul3A_17 = arith.constant 640 : i32
    %mul3A_18 = arith.muli %arg1, %mul3A_17 : i32
    %add3A_19 = arith.addi %mul3A_16, %mul3A_18 : i32
    "tpu.region"() ({
      %run_scoped3A = tpu.sem_alloc : memref<!tpu.dma_semaphore, #tpu.memory_space<semaphore_mem>>
      %dma_start3A = arith.constant 0 : i32
      %dma_start3A_20 = tpu.memref_slice %arg7[%add3A_19, %dma_start3A] : memref<20480x128xf32, #tpu.memory_space<hbm>> -> memref<640x128xf32, #tpu.memory_space<hbm>>
      %dma_start3A_21 = arith.constant 0 : i32
      %dma_start3A_22 = tpu.memref_slice %arg8[%mul3A_14, %dma_start3A_21] : memref<10240x128xf32, #tpu.memory_space<vmem_shared>> -> memref<640x128xf32, #tpu.memory_space<vmem_shared>>
      tpu.enqueue_dma source(%dma_start3A_22 : memref<640x128xf32, #tpu.memory_space<vmem_shared>>) target(%dma_start3A_20 : memref<640x128xf32, #tpu.memory_space<hbm>>) target_semaphore(%run_scoped3A : memref<!tpu.dma_semaphore, #tpu.memory_space<semaphore_mem>>)
      %dma_wait3A = arith.constant 0 : i32
      %dma_wait3A_23 = tpu.memref_slice %arg7[%add3A_19, %dma_wait3A] : memref<20480x128xf32, #tpu.memory_space<hbm>> -> memref<640x128xf32, #tpu.memory_space<hbm>>
      %dma_wait3A_24 = arith.constant 0 : i32
      %dma_wait3A_25 = tpu.memref_slice %arg8[%mul3A_14, %dma_wait3A_24] : memref<10240x128xf32, #tpu.memory_space<vmem_shared>> -> memref<640x128xf32, #tpu.memory_space<vmem_shared>>
      tpu.wait_dma2 semaphore(%run_scoped3A : memref<!tpu.dma_semaphore, #tpu.memory_space<semaphore_mem>>) src(%dma_wait3A_25 : memref<640x128xf32, #tpu.memory_space<vmem_shared>>) dst(%dma_wait3A_23 : memref<640x128xf32, #tpu.memory_space<hbm>>)
      tpu.yield
    }) : () -> ()
    return
  }
}

module attributes {stable_mosaic.version = 14 : i64} {
  func.func @_prep_body(%arg0: i32, %arg1: memref<5x640xf32, #tpu.memory_space<vmem>>, %arg2: memref<1x64xf32, #tpu.memory_space<vmem>>, %arg3: memref<2x640xf32, #tpu.memory_space<vmem>>, %arg4: memref<80x128xf32, #tpu.memory_space<vmem>>) attributes {dimension_semantics = [#tpu.dimension_semantics<arbitrary>], iteration_bounds = array<i64: 250>, scalar_prefetch = 0 : i64, scratch_operands = 0 : i64, tpu.core_type = #tpu.core_type<tc>, window_params = [{transform_indices = @transform_0, window_bounds = array<i64: 5, 640>}, {pipeline_mode = #tpu.pipeline_mode<synchronous>, transform_indices = @transform_1, window_bounds = array<i64: 1, 64>}, {transform_indices = @transform_2, window_bounds = array<i64: 2, 640>}, {pipeline_mode = #tpu.pipeline_mode<synchronous>, transform_indices = @transform_3, window_bounds = array<i64: 80, 128>}]} {
    %get3A = arith.constant 0 : index
    %get3A_0 = arith.constant 0 : index
    %get3A_1 = vector.load %arg1[%get3A, %get3A_0] : memref<5x640xf32, #tpu.memory_space<vmem>>, vector<1x640xf32>
    %get3A_2 = arith.constant 1 : index
    %get3A_3 = arith.constant 0 : index
    %get3A_4 = vector.load %arg1[%get3A_2, %get3A_3] : memref<5x640xf32, #tpu.memory_space<vmem>>, vector<1x640xf32>
    %get3A_5 = arith.constant 2 : index
    %get3A_6 = arith.constant 0 : index
    %get3A_7 = vector.load %arg1[%get3A_5, %get3A_6] : memref<5x640xf32, #tpu.memory_space<vmem>>, vector<1x640xf32>
    %get3A_8 = arith.constant 3 : index
    %get3A_9 = arith.constant 0 : index
    %get3A_10 = vector.load %arg1[%get3A_8, %get3A_9] : memref<5x640xf32, #tpu.memory_space<vmem>>, vector<1x640xf32>
    %get3A_11 = arith.constant 4 : index
    %get3A_12 = arith.constant 0 : index
    %get3A_13 = vector.load %arg1[%get3A_11, %get3A_12] : memref<5x640xf32, #tpu.memory_space<vmem>>, vector<1x640xf32>
    %get3A_14 = arith.constant 0 : index
    %get3A_15 = arith.constant 0 : index
    %get3A_16 = vector.load %arg2[%get3A_14, %get3A_15] : memref<1x64xf32, #tpu.memory_space<vmem>>, vector<1x64xf32>
    %logistic3A = arith.negf %get3A_16 : vector<1x64xf32>
    %logistic3A_17 = math.exp %logistic3A : vector<1x64xf32>
    %logistic3A_18 = arith.constant 1.000000e+00 : f32
    %logistic3A_19 = vector.broadcast %logistic3A_18 : f32 to vector<1x64xf32>
    %logistic3A_20 = arith.addf %logistic3A_19, %logistic3A_17 : vector<1x64xf32>
    %logistic3A_21 = arith.divf %logistic3A_19, %logistic3A_20 : vector<1x64xf32>
    %iota3A = tpu.iota {dimensions = array<i32: 0>} : vector<64x640xi32>
    %convert_element_type3A = arith.sitofp %iota3A : vector<64x640xi32> to vector<64x640xf32>
    %eq3A = vector.broadcast %get3A_4 : vector<1x640xf32> to vector<64x640xf32>
    %eq3A_22 = arith.cmpf oeq, %convert_element_type3A, %eq3A : vector<64x640xf32>
    %convert_element_type3A_23 = arith.extui %eq3A_22 : vector<64x640xi1> to vector<64x640xi32>
    %convert_element_type3A_24 = arith.sitofp %convert_element_type3A_23 : vector<64x640xi32> to vector<64x640xf32>
    %dot_general3A = arith.constant dense<0.000000e+00> : vector<1x640xf32>
    %dot_general3A_25 = tpu.matmul %logistic3A_21, %convert_element_type3A_24, %dot_general3A {dimension_numbers = #tpu.dot_dimension_numbers<[1], [0], [0], [1], [0, 0, 1, 1], [], []>, transpose_lhs_hint = false} : vector<1x64xf32>, vector<64x640xf32>, vector<1x640xf32> -> vector<1x640xf32>
    %eq3A_26 = arith.constant 0.000000e+00 : f32
    %eq3A_27 = vector.broadcast %eq3A_26 : f32 to vector<1x640xf32>
    %eq3A_28 = arith.cmpf oeq, %get3A_1, %eq3A_27 : vector<1x640xf32>
    %jit3A = arith.constant 1.000000e+00 : f32
    %broadcast_in_dim3A = vector.broadcast %jit3A : f32 to vector<1x640xf32>
    %select_n3A = arith.select %eq3A_28, %broadcast_in_dim3A, %dot_general3A_25 : vector<1x640xi1>, vector<1x640xf32>
    %mul3A = arith.mulf %select_n3A, %get3A_7 : vector<1x640xf32>
    %swap3A = arith.constant 0 : index
    %swap3A_29 = arith.constant 0 : index
    %swap3A_30 = vector.load %arg3[%swap3A, %swap3A_29] : memref<2x640xf32, #tpu.memory_space<vmem>>, vector<1x640xf32>
    tpu.vector_store %arg3[%swap3A, %swap3A_29], %select_n3A {strides = array<i32>} : memref<2x640xf32, #tpu.memory_space<vmem>>, vector<1x640xf32>,
    %swap3A_31 = arith.constant 1 : index
    %swap3A_32 = arith.constant 0 : index
    %swap3A_33 = vector.load %arg3[%swap3A_31, %swap3A_32] : memref<2x640xf32, #tpu.memory_space<vmem>>, vector<1x640xf32>
    tpu.vector_store %arg3[%swap3A_31, %swap3A_32], %mul3A {strides = array<i32>} : memref<2x640xf32, #tpu.memory_space<vmem>>, vector<1x640xf32>,
    %iota3A_34 = tpu.iota {dimensions = array<i32: 0>} : vector<128x640xi32>
    %convert_element_type3A_35 = arith.sitofp %iota3A_34 : vector<128x640xi32> to vector<128x640xf32>
    %iota3A_36 = tpu.iota {dimensions = array<i32: 0>} : vector<80x640xi32>
    %convert_element_type3A_37 = arith.sitofp %iota3A_36 : vector<80x640xi32> to vector<80x640xf32>
    %mul3A_38 = arith.constant 7.812500e-03 : f32
    %mul3A_39 = vector.broadcast %mul3A_38 : f32 to vector<1x640xf32>
    %mul3A_40 = arith.mulf %get3A_10, %mul3A_39 : vector<1x640xf32>
    %floor3A = math.floor %mul3A_40 : vector<1x640xf32>
    %mul3A_41 = arith.constant 1.280000e+02 : f32
    %mul3A_42 = vector.broadcast %mul3A_41 : f32 to vector<1x640xf32>
    %mul3A_43 = arith.mulf %floor3A, %mul3A_42 : vector<1x640xf32>
    %sub3A = arith.subf %get3A_10, %mul3A_43 : vector<1x640xf32>
    %eq3A_44 = vector.broadcast %sub3A : vector<1x640xf32> to vector<128x640xf32>
    %eq3A_45 = arith.cmpf oeq, %convert_element_type3A_35, %eq3A_44 : vector<128x640xf32>
    %jit3A_46 = arith.constant 0.000000e+00 : f32
    %broadcast_in_dim3A_47 = vector.shape_cast %mul3A : vector<1x640xf32> to vector<1x640xf32>
    %broadcast_in_dim3A_48 = vector.broadcast %broadcast_in_dim3A_47 : vector<1x640xf32> to vector<128x640xf32>
    %broadcast_in_dim3A_49 = vector.broadcast %jit3A_46 : f32 to vector<128x640xf32>
    %select_n3A_50 = arith.select %eq3A_45, %broadcast_in_dim3A_48, %broadcast_in_dim3A_49 : vector<128x640xi1>, vector<128x640xf32>
    %eq3A_51 = vector.broadcast %floor3A : vector<1x640xf32> to vector<80x640xf32>
    %eq3A_52 = arith.cmpf oeq, %convert_element_type3A_37, %eq3A_51 : vector<80x640xf32>
    %convert_element_type3A_53 = arith.extui %eq3A_52 : vector<80x640xi1> to vector<80x640xi32>
    %convert_element_type3A_54 = arith.sitofp %convert_element_type3A_53 : vector<80x640xi32> to vector<80x640xf32>
    %dot_general3A_55 = arith.constant dense<0.000000e+00> : vector<80x128xf32>
    %dot_general3A_56 = tpu.matmul %convert_element_type3A_54, %select_n3A_50, %dot_general3A_55 {dimension_numbers = #tpu.dot_dimension_numbers<[1], [1], [0], [0], [0, 0, 1, 0], [], []>, transpose_lhs_hint = false} : vector<80x640xf32>, vector<128x640xf32>, vector<80x128xf32> -> vector<80x128xf32>
    %mul3A_57 = arith.constant 7.812500e-03 : f32
    %mul3A_58 = vector.broadcast %mul3A_57 : f32 to vector<1x640xf32>
    %mul3A_59 = arith.mulf %get3A_13, %mul3A_58 : vector<1x640xf32>
    %floor3A_60 = math.floor %mul3A_59 : vector<1x640xf32>
    %mul3A_61 = arith.constant 1.280000e+02 : f32
    %mul3A_62 = vector.broadcast %mul3A_61 : f32 to vector<1x640xf32>
    %mul3A_63 = arith.mulf %floor3A_60, %mul3A_62 : vector<1x640xf32>
    %sub3A_64 = arith.subf %get3A_13, %mul3A_63 : vector<1x640xf32>
    %eq3A_65 = vector.broadcast %sub3A_64 : vector<1x640xf32> to vector<128x640xf32>
    %eq3A_66 = arith.cmpf oeq, %convert_element_type3A_35, %eq3A_65 : vector<128x640xf32>
    %jit3A_67 = arith.constant 0.000000e+00 : f32
    %broadcast_in_dim3A_68 = vector.shape_cast %mul3A : vector<1x640xf32> to vector<1x640xf32>
    %broadcast_in_dim3A_69 = vector.broadcast %broadcast_in_dim3A_68 : vector<1x640xf32> to vector<128x640xf32>
    %broadcast_in_dim3A_70 = vector.broadcast %jit3A_67 : f32 to vector<128x640xf32>
    %select_n3A_71 = arith.select %eq3A_66, %broadcast_in_dim3A_69, %broadcast_in_dim3A_70 : vector<128x640xi1>, vector<128x640xf32>
    %eq3A_72 = vector.broadcast %floor3A_60 : vector<1x640xf32> to vector<80x640xf32>
    %eq3A_73 = arith.cmpf oeq, %convert_element_type3A_37, %eq3A_72 : vector<80x640xf32>
    %convert_element_type3A_74 = arith.extui %eq3A_73 : vector<80x640xi1> to vector<80x640xi32>
    %convert_element_type3A_75 = arith.sitofp %convert_element_type3A_74 : vector<80x640xi32> to vector<80x640xf32>
    %dot_general3A_76 = arith.constant dense<0.000000e+00> : vector<80x128xf32>
    %dot_general3A_77 = tpu.matmul %convert_element_type3A_75, %select_n3A_71, %dot_general3A_76 {dimension_numbers = #tpu.dot_dimension_numbers<[1], [1], [0], [0], [0, 0, 1, 0], [], []>, transpose_lhs_hint = false} : vector<80x640xf32>, vector<128x640xf32>, vector<80x128xf32> -> vector<80x128xf32>
    %add3A = arith.addf %dot_general3A_56, %dot_general3A_77 : vector<80x128xf32>
    %eq3A_78 = arith.constant 0 : i32
    %eq3A_79 = arith.cmpi eq, %arg0, %eq3A_78 : i32
    %convert_element_type3A_80 = arith.extui %eq3A_79 : i1 to i32
    %cond3A = arith.constant 0 : i32
    %cond3A_81 = arith.cmpi ne, %convert_element_type3A_80, %cond3A : i32
    scf.if %cond3A_81 {
      %broadcast_in_dim3A_89 = arith.constant 0.000000e+00 : f32
      %broadcast_in_dim3A_90 = vector.broadcast %broadcast_in_dim3A_89 : f32 to vector<80x128xf32>
      %swap3A_91 = arith.constant 0 : index
      %swap3A_92 = arith.constant 0 : index
      %swap3A_93 = vector.load %arg4[%swap3A_91, %swap3A_92] : memref<80x128xf32, #tpu.memory_space<vmem>>, vector<80x128xf32>
      tpu.vector_store %arg4[%swap3A_91, %swap3A_92], %broadcast_in_dim3A_90 {strides = array<i32>} : memref<80x128xf32, #tpu.memory_space<vmem>>, vector<80x128xf32>,
    } else {
    }
    %get3A_82 = arith.constant 0 : index
    %get3A_83 = arith.constant 0 : index
    %get3A_84 = vector.load %arg4[%get3A_82, %get3A_83] : memref<80x128xf32, #tpu.memory_space<vmem>>, vector<80x128xf32>
    %add3A_85 = arith.addf %get3A_84, %add3A : vector<80x128xf32>
    %swap3A_86 = arith.constant 0 : index
    %swap3A_87 = arith.constant 0 : index
    %swap3A_88 = vector.load %arg4[%swap3A_86, %swap3A_87] : memref<80x128xf32, #tpu.memory_space<vmem>>, vector<80x128xf32>
    tpu.vector_store %arg4[%swap3A_86, %swap3A_87], %add3A_85 {strides = array<i32>} : memref<80x128xf32, #tpu.memory_space<vmem>>, vector<80x128xf32>,
    return
  }
  func.func @transform_0(%arg0: i32) -> (i32, i32) {
    %add3A = arith.constant 0 : i32
    %add3A_0 = arith.addi %add3A, %arg0 : i32
    %c0_i32 = arith.constant 0 : i32
    %c0_i32_1 = arith.constant 0 : i32
    return %c0_i32, %add3A_0 : i32, i32
  }
  func.func @transform_1(%arg0: i32) -> (i32, i32) {
    %c0_i32 = arith.constant 0 : i32
    %c0_i32_0 = arith.constant 0 : i32
    %c0_i32_1 = arith.constant 0 : i32
    return %c0_i32, %c0_i32_0 : i32, i32
  }
  func.func @transform_2(%arg0: i32) -> (i32, i32) {
    %c0_i32 = arith.constant 0 : i32
    %c0_i32_0 = arith.constant 0 : i32
    return %c0_i32, %arg0 : i32, i32
  }
  func.func @transform_3(%arg0: i32) -> (i32, i32) {
    %c0_i32 = arith.constant 0 : i32
    %c0_i32_0 = arith.constant 0 : i32
    %c0_i32_1 = arith.constant 0 : i32
    return %c0_i32, %c0_i32_0 : i32, i32
  }
}

module attributes {stable_mosaic.version = 14 : i64} {
  func.func @_mlp_body(%arg0: i32, %arg1: memref<640x128xf32, #tpu.memory_space<vmem>>, %arg2: memref<640x128xf32, #tpu.memory_space<vmem>>, %arg3: memref<640x128xf32, #tpu.memory_space<vmem>>, %arg4: memref<2x640xf32, #tpu.memory_space<vmem>>, %arg5: memref<128x128xf32, #tpu.memory_space<vmem>>, %arg6: memref<128x128xf32, #tpu.memory_space<vmem>>, %arg7: memref<128x128xf32, #tpu.memory_space<vmem>>, %arg8: memref<1x128xf32, #tpu.memory_space<vmem>>, %arg9: memref<128x384xf32, #tpu.memory_space<vmem>>, %arg10: memref<1x384xf32, #tpu.memory_space<vmem>>, %arg11: memref<640x128xf32, #tpu.memory_space<vmem>>, %arg12: memref<640x128xf32, #tpu.memory_space<vmem>>, %arg13: memref<640x128xf32, #tpu.memory_space<vmem>>) attributes {dimension_semantics = [#tpu.dimension_semantics<arbitrary>], iteration_bounds = array<i64: 250>, scalar_prefetch = 0 : i64, scratch_operands = 0 : i64, tpu.core_type = #tpu.core_type<tc>, window_params = [{transform_indices = @transform_0, window_bounds = array<i64: 640, 128>}, {transform_indices = @transform_1, window_bounds = array<i64: 640, 128>}, {transform_indices = @transform_2, window_bounds = array<i64: 640, 128>}, {transform_indices = @transform_3, window_bounds = array<i64: 2, 640>}, {pipeline_mode = #tpu.pipeline_mode<synchronous>, transform_indices = @transform_4, window_bounds = array<i64: 128, 128>}, {pipeline_mode = #tpu.pipeline_mode<synchronous>, transform_indices = @transform_5, window_bounds = array<i64: 128, 128>}, {pipeline_mode = #tpu.pipeline_mode<synchronous>, transform_indices = @transform_6, window_bounds = array<i64: 128, 128>}, {pipeline_mode = #tpu.pipeline_mode<synchronous>, transform_indices = @transform_7, window_bounds = array<i64: 1, 128>}, {pipeline_mode = #tpu.pipeline_mode<synchronous>, transform_indices = @transform_8, window_bounds = array<i64: 128, 384>}, {pipeline_mode = #tpu.pipeline_mode<synchronous>, transform_indices = @transform_9, window_bounds = array<i64: 1, 384>}, {transform_indices = @transform_10, window_bounds = array<i64: 640, 128>}, {transform_indices = @transform_11, window_bounds = array<i64: 640, 128>}, {transform_indices = @transform_12, window_bounds = array<i64: 640, 128>}]} {
    %get3A = arith.constant 0 : index
    %get3A_0 = arith.constant 0 : index
    %get3A_1 = vector.load %arg1[%get3A, %get3A_0] : memref<640x128xf32, #tpu.memory_space<vmem>>, vector<640x128xf32>
    %get3A_2 = arith.constant 0 : index
    %get3A_3 = arith.constant 0 : index
    %get3A_4 = vector.load %arg2[%get3A_2, %get3A_3] : memref<640x128xf32, #tpu.memory_space<vmem>>, vector<640x128xf32>
    %get3A_5 = arith.constant 0 : index
    %get3A_6 = arith.constant 0 : index
    %get3A_7 = vector.load %arg3[%get3A_5, %get3A_6] : memref<640x128xf32, #tpu.memory_space<vmem>>, vector<640x128xf32>
    %iota3A = tpu.iota {dimensions = array<i32: 0>} : vector<2x2xi32>
    %iota3A_8 = tpu.iota {dimensions = array<i32: 1>} : vector<2x2xi32>
    %eq3A = arith.cmpi eq, %iota3A, %iota3A_8 : vector<2x2xi32>
    %convert_element_type3A = arith.extui %eq3A : vector<2x2xi1> to vector<2x2xi32>
    %convert_element_type3A_9 = arith.sitofp %convert_element_type3A : vector<2x2xi32> to vector<2x2xf32>
    %get3A_10 = arith.constant 0 : index
    %get3A_11 = arith.constant 0 : index
    %get3A_12 = vector.load %arg4[%get3A_10, %get3A_11] : memref<2x640xf32, #tpu.memory_space<vmem>>, vector<2x640xf32>
    %dot_general3A = arith.constant dense<0.000000e+00> : vector<640x2xf32>
    %dot_general3A_13 = tpu.matmul %get3A_12, %convert_element_type3A_9, %dot_general3A {dimension_numbers = #tpu.dot_dimension_numbers<[0], [0], [1], [1], [0, 1, 1, 1], [], []>, precision = #tpu.contract_precision<fp32>, transpose_lhs_hint = false} : vector<2x640xf32>, vector<2x2xf32>, vector<640x2xf32> -> vector<640x2xf32>
    %slice3A = vector.extract_strided_slice %dot_general3A_13 {offsets = [0, 0], sizes = [640, 1], strides = [1, 1]} : vector<640x2xf32> to vector<640x1xf32>
    %slice3A_14 = vector.extract_strided_slice %dot_general3A_13 {offsets = [0, 1], sizes = [640, 1], strides = [1, 1]} : vector<640x2xf32> to vector<640x1xf32>
    %get3A_15 = arith.constant 0 : index
    %get3A_16 = arith.constant 0 : index
    %get3A_17 = vector.load %arg5[%get3A_15, %get3A_16] : memref<128x128xf32, #tpu.memory_space<vmem>>, vector<128x128xf32>
    %dot_general3A_18 = arith.constant dense<0.000000e+00> : vector<640x128xf32>
    %dot_general3A_19 = tpu.matmul %get3A_1, %get3A_17, %dot_general3A_18 {dimension_numbers = #tpu.dot_dimension_numbers<[1], [0], [0], [1], [0, 0, 1, 1], [], []>, transpose_lhs_hint = false} : vector<640x128xf32>, vector<128x128xf32>, vector<640x128xf32> -> vector<640x128xf32>
    %get3A_20 = arith.constant 0 : index
    %get3A_21 = arith.constant 0 : index
    %get3A_22 = vector.load %arg6[%get3A_20, %get3A_21] : memref<128x128xf32, #tpu.memory_space<vmem>>, vector<128x128xf32>
    %dot_general3A_23 = arith.constant dense<0.000000e+00> : vector<640x128xf32>
    %dot_general3A_24 = tpu.matmul %get3A_4, %get3A_22, %dot_general3A_23 {dimension_numbers = #tpu.dot_dimension_numbers<[1], [0], [0], [1], [0, 0, 1, 1], [], []>, transpose_lhs_hint = false} : vector<640x128xf32>, vector<128x128xf32>, vector<640x128xf32> -> vector<640x128xf32>
    %add3A = arith.addf %dot_general3A_19, %dot_general3A_24 : vector<640x128xf32>
    %get3A_25 = arith.constant 0 : index
    %get3A_26 = arith.constant 0 : index
    %get3A_27 = vector.load %arg7[%get3A_25, %get3A_26] : memref<128x128xf32, #tpu.memory_space<vmem>>, vector<128x128xf32>
    %dot_general3A_28 = arith.constant dense<0.000000e+00> : vector<640x128xf32>
    %dot_general3A_29 = tpu.matmul %get3A_7, %get3A_27, %dot_general3A_28 {dimension_numbers = #tpu.dot_dimension_numbers<[1], [0], [0], [1], [0, 0, 1, 1], [], []>, transpose_lhs_hint = false} : vector<640x128xf32>, vector<128x128xf32>, vector<640x128xf32> -> vector<640x128xf32>
    %add3A_30 = arith.addf %add3A, %dot_general3A_29 : vector<640x128xf32>
    %get3A_31 = arith.constant 0 : index
    %get3A_32 = arith.constant 0 : index
    %get3A_33 = vector.load %arg8[%get3A_31, %get3A_32] : memref<1x128xf32, #tpu.memory_space<vmem>>, vector<1x128xf32>
    %add3A_34 = vector.broadcast %get3A_33 : vector<1x128xf32> to vector<640x128xf32>
    %add3A_35 = arith.addf %add3A_30, %add3A_34 : vector<640x128xf32>
    %max3A = arith.constant 0.000000e+00 : f32
    %max3A_36 = vector.broadcast %max3A : f32 to vector<640x128xf32>
    %max3A_37 = arith.maximumf %add3A_35, %max3A_36 : vector<640x128xf32>
    %get3A_38 = arith.constant 0 : index
    %get3A_39 = arith.constant 0 : index
    %get3A_40 = vector.load %arg9[%get3A_38, %get3A_39] : memref<128x384xf32, #tpu.memory_space<vmem>>, vector<128x384xf32>
    %dot_general3A_41 = arith.constant dense<0.000000e+00> : vector<640x384xf32>
    %dot_general3A_42 = tpu.matmul %max3A_37, %get3A_40, %dot_general3A_41 {dimension_numbers = #tpu.dot_dimension_numbers<[1], [0], [0], [1], [0, 0, 1, 1], [], []>, transpose_lhs_hint = false} : vector<640x128xf32>, vector<128x384xf32>, vector<640x384xf32> -> vector<640x384xf32>
    %get3A_43 = arith.constant 0 : index
    %get3A_44 = arith.constant 0 : index
    %get3A_45 = vector.load %arg10[%get3A_43, %get3A_44] : memref<1x384xf32, #tpu.memory_space<vmem>>, vector<1x384xf32>
    %add3A_46 = vector.broadcast %get3A_45 : vector<1x384xf32> to vector<640x384xf32>
    %add3A_47 = arith.addf %dot_general3A_42, %add3A_46 : vector<640x384xf32>
    %max3A_48 = arith.constant 0.000000e+00 : f32
    %max3A_49 = vector.broadcast %max3A_48 : f32 to vector<640x384xf32>
    %max3A_50 = arith.maximumf %add3A_47, %max3A_49 : vector<640x384xf32>
    %slice3A_51 = vector.extract_strided_slice %max3A_50 {offsets = [0, 128], sizes = [640, 128], strides = [1, 1]} : vector<640x384xf32> to vector<640x128xf32>
    %mul3A = vector.broadcast %slice3A : vector<640x1xf32> to vector<640x128xf32>
    %mul3A_52 = arith.mulf %slice3A_51, %mul3A : vector<640x128xf32>
    %swap3A = arith.constant 0 : index
    %swap3A_53 = arith.constant 0 : index
    %swap3A_54 = vector.load %arg11[%swap3A, %swap3A_53] : memref<640x128xf32, #tpu.memory_space<vmem>>, vector<640x128xf32>
    tpu.vector_store %arg11[%swap3A, %swap3A_53], %mul3A_52 {strides = array<i32>} : memref<640x128xf32, #tpu.memory_space<vmem>>, vector<640x128xf32>,
    %slice3A_55 = vector.extract_strided_slice %max3A_50 {offsets = [0, 0], sizes = [640, 128], strides = [1, 1]} : vector<640x384xf32> to vector<640x128xf32>
    %mul3A_56 = vector.broadcast %slice3A_14 : vector<640x1xf32> to vector<640x128xf32>
    %mul3A_57 = arith.mulf %slice3A_55, %mul3A_56 : vector<640x128xf32>
    %swap3A_58 = arith.constant 0 : index
    %swap3A_59 = arith.constant 0 : index
    %swap3A_60 = vector.load %arg12[%swap3A_58, %swap3A_59] : memref<640x128xf32, #tpu.memory_space<vmem>>, vector<640x128xf32>
    tpu.vector_store %arg12[%swap3A_58, %swap3A_59], %mul3A_57 {strides = array<i32>} : memref<640x128xf32, #tpu.memory_space<vmem>>, vector<640x128xf32>,
    %slice3A_61 = vector.extract_strided_slice %max3A_50 {offsets = [0, 256], sizes = [640, 128], strides = [1, 1]} : vector<640x384xf32> to vector<640x128xf32>
    %mul3A_62 = vector.broadcast %slice3A_14 : vector<640x1xf32> to vector<640x128xf32>
    %mul3A_63 = arith.mulf %slice3A_61, %mul3A_62 : vector<640x128xf32>
    %swap3A_64 = arith.constant 0 : index
    %swap3A_65 = arith.constant 0 : index
    %swap3A_66 = vector.load %arg13[%swap3A_64, %swap3A_65] : memref<640x128xf32, #tpu.memory_space<vmem>>, vector<640x128xf32>
    tpu.vector_store %arg13[%swap3A_64, %swap3A_65], %mul3A_63 {strides = array<i32>} : memref<640x128xf32, #tpu.memory_space<vmem>>, vector<640x128xf32>,
    return
  }
  func.func @transform_0(%arg0: i32) -> (i32, i32) {
    %c0_i32 = arith.constant 0 : i32
    %c0_i32_0 = arith.constant 0 : i32
    return %arg0, %c0_i32 : i32, i32
  }
  func.func @transform_1(%arg0: i32) -> (i32, i32) {
    %add3A = arith.constant 0 : i32
    %add3A_0 = arith.addi %add3A, %arg0 : i32
    %c0_i32 = arith.constant 0 : i32
    %c0_i32_1 = arith.constant 0 : i32
    return %add3A_0, %c0_i32 : i32, i32
  }
  func.func @transform_2(%arg0: i32) -> (i32, i32) {
    %c0_i32 = arith.constant 0 : i32
    %c0_i32_0 = arith.constant 0 : i32
    return %arg0, %c0_i32 : i32, i32
  }
  func.func @transform_3(%arg0: i32) -> (i32, i32) {
    %c0_i32 = arith.constant 0 : i32
    %c0_i32_0 = arith.constant 0 : i32
    return %c0_i32, %arg0 : i32, i32
  }
  func.func @transform_4(%arg0: i32) -> (i32, i32) {
    %c0_i32 = arith.constant 0 : i32
    %c0_i32_0 = arith.constant 0 : i32
    %c0_i32_1 = arith.constant 0 : i32
    return %c0_i32, %c0_i32_0 : i32, i32
  }
  func.func @transform_5(%arg0: i32) -> (i32, i32) {
    %c0_i32 = arith.constant 0 : i32
    %c0_i32_0 = arith.constant 0 : i32
    %c0_i32_1 = arith.constant 0 : i32
    return %c0_i32, %c0_i32_0 : i32, i32
  }
  func.func @transform_6(%arg0: i32) -> (i32, i32) {
    %c0_i32 = arith.constant 0 : i32
    %c0_i32_0 = arith.constant 0 : i32
    %c0_i32_1 = arith.constant 0 : i32
    return %c0_i32, %c0_i32_0 : i32, i32
  }
  func.func @transform_7(%arg0: i32) -> (i32, i32) {
    %c0_i32 = arith.constant 0 : i32
    %c0_i32_0 = arith.constant 0 : i32
    %c0_i32_1 = arith.constant 0 : i32
    return %c0_i32, %c0_i32_0 : i32, i32
  }
  func.func @transform_8(%arg0: i32) -> (i32, i32) {
    %c0_i32 = arith.constant 0 : i32
    %c0_i32_0 = arith.constant 0 : i32
    %c0_i32_1 = arith.constant 0 : i32
    return %c0_i32, %c0_i32_0 : i32, i32
  }
  func.func @transform_9(%arg0: i32) -> (i32, i32) {
    %c0_i32 = arith.constant 0 : i32
    %c0_i32_0 = arith.constant 0 : i32
    %c0_i32_1 = arith.constant 0 : i32
    return %c0_i32, %c0_i32_0 : i32, i32
  }
  func.func @transform_10(%arg0: i32) -> (i32, i32) {
    %c0_i32 = arith.constant 0 : i32
    %c0_i32_0 = arith.constant 0 : i32
    return %arg0, %c0_i32 : i32, i32
  }
  func.func @transform_11(%arg0: i32) -> (i32, i32) {
    %c0_i32 = arith.constant 0 : i32
    %c0_i32_0 = arith.constant 0 : i32
    return %arg0, %c0_i32 : i32, i32
  }
  func.func @transform_12(%arg0: i32) -> (i32, i32) {
    %c0_i32 = arith.constant 0 : i32
    %c0_i32_0 = arith.constant 0 : i32
    return %arg0, %c0_i32 : i32, i32
  }
}

module attributes {stable_mosaic.version = 14 : i64} {
  func.func @_prep_body(%arg0: i32, %arg1: memref<5x640xf32, #tpu.memory_space<vmem>>, %arg2: memref<1x64xf32, #tpu.memory_space<vmem>>, %arg3: memref<2x640xf32, #tpu.memory_space<vmem>>, %arg4: memref<80x128xf32, #tpu.memory_space<vmem>>) attributes {dimension_semantics = [#tpu.dimension_semantics<arbitrary>], iteration_bounds = array<i64: 250>, scalar_prefetch = 0 : i64, scratch_operands = 0 : i64, tpu.core_type = #tpu.core_type<tc>, window_params = [{transform_indices = @transform_0, window_bounds = array<i64: 5, 640>}, {pipeline_mode = #tpu.pipeline_mode<synchronous>, transform_indices = @transform_1, window_bounds = array<i64: 1, 64>}, {transform_indices = @transform_2, window_bounds = array<i64: 2, 640>}, {pipeline_mode = #tpu.pipeline_mode<synchronous>, transform_indices = @transform_3, window_bounds = array<i64: 80, 128>}]} {
    %get3A = arith.constant 0 : index
    %get3A_0 = arith.constant 0 : index
    %get3A_1 = vector.load %arg1[%get3A, %get3A_0] : memref<5x640xf32, #tpu.memory_space<vmem>>, vector<1x640xf32>
    %get3A_2 = arith.constant 1 : index
    %get3A_3 = arith.constant 0 : index
    %get3A_4 = vector.load %arg1[%get3A_2, %get3A_3] : memref<5x640xf32, #tpu.memory_space<vmem>>, vector<1x640xf32>
    %get3A_5 = arith.constant 2 : index
    %get3A_6 = arith.constant 0 : index
    %get3A_7 = vector.load %arg1[%get3A_5, %get3A_6] : memref<5x640xf32, #tpu.memory_space<vmem>>, vector<1x640xf32>
    %get3A_8 = arith.constant 3 : index
    %get3A_9 = arith.constant 0 : index
    %get3A_10 = vector.load %arg1[%get3A_8, %get3A_9] : memref<5x640xf32, #tpu.memory_space<vmem>>, vector<1x640xf32>
    %get3A_11 = arith.constant 4 : index
    %get3A_12 = arith.constant 0 : index
    %get3A_13 = vector.load %arg1[%get3A_11, %get3A_12] : memref<5x640xf32, #tpu.memory_space<vmem>>, vector<1x640xf32>
    %get3A_14 = arith.constant 0 : index
    %get3A_15 = arith.constant 0 : index
    %get3A_16 = vector.load %arg2[%get3A_14, %get3A_15] : memref<1x64xf32, #tpu.memory_space<vmem>>, vector<1x64xf32>
    %logistic3A = arith.negf %get3A_16 : vector<1x64xf32>
    %logistic3A_17 = math.exp %logistic3A : vector<1x64xf32>
    %logistic3A_18 = arith.constant 1.000000e+00 : f32
    %logistic3A_19 = vector.broadcast %logistic3A_18 : f32 to vector<1x64xf32>
    %logistic3A_20 = arith.addf %logistic3A_19, %logistic3A_17 : vector<1x64xf32>
    %logistic3A_21 = arith.divf %logistic3A_19, %logistic3A_20 : vector<1x64xf32>
    %iota3A = tpu.iota {dimensions = array<i32: 0>} : vector<64x640xi32>
    %convert_element_type3A = arith.sitofp %iota3A : vector<64x640xi32> to vector<64x640xf32>
    %eq3A = vector.broadcast %get3A_4 : vector<1x640xf32> to vector<64x640xf32>
    %eq3A_22 = arith.cmpf oeq, %convert_element_type3A, %eq3A : vector<64x640xf32>
    %convert_element_type3A_23 = arith.extui %eq3A_22 : vector<64x640xi1> to vector<64x640xi32>
    %convert_element_type3A_24 = arith.sitofp %convert_element_type3A_23 : vector<64x640xi32> to vector<64x640xf32>
    %dot_general3A = arith.constant dense<0.000000e+00> : vector<1x640xf32>
    %dot_general3A_25 = tpu.matmul %logistic3A_21, %convert_element_type3A_24, %dot_general3A {dimension_numbers = #tpu.dot_dimension_numbers<[1], [0], [0], [1], [0, 0, 1, 1], [], []>, transpose_lhs_hint = false} : vector<1x64xf32>, vector<64x640xf32>, vector<1x640xf32> -> vector<1x640xf32>
    %eq3A_26 = arith.constant 0.000000e+00 : f32
    %eq3A_27 = vector.broadcast %eq3A_26 : f32 to vector<1x640xf32>
    %eq3A_28 = arith.cmpf oeq, %get3A_1, %eq3A_27 : vector<1x640xf32>
    %jit3A = arith.constant 1.000000e+00 : f32
    %broadcast_in_dim3A = vector.broadcast %jit3A : f32 to vector<1x640xf32>
    %select_n3A = arith.select %eq3A_28, %broadcast_in_dim3A, %dot_general3A_25 : vector<1x640xi1>, vector<1x640xf32>
    %mul3A = arith.mulf %select_n3A, %get3A_7 : vector<1x640xf32>
    %swap3A = arith.constant 0 : index
    %swap3A_29 = arith.constant 0 : index
    %swap3A_30 = vector.load %arg3[%swap3A, %swap3A_29] : memref<2x640xf32, #tpu.memory_space<vmem>>, vector<1x640xf32>
    tpu.vector_store %arg3[%swap3A, %swap3A_29], %select_n3A {strides = array<i32>} : memref<2x640xf32, #tpu.memory_space<vmem>>, vector<1x640xf32>,
    %swap3A_31 = arith.constant 1 : index
    %swap3A_32 = arith.constant 0 : index
    %swap3A_33 = vector.load %arg3[%swap3A_31, %swap3A_32] : memref<2x640xf32, #tpu.memory_space<vmem>>, vector<1x640xf32>
    tpu.vector_store %arg3[%swap3A_31, %swap3A_32], %mul3A {strides = array<i32>} : memref<2x640xf32, #tpu.memory_space<vmem>>, vector<1x640xf32>,
    %iota3A_34 = tpu.iota {dimensions = array<i32: 0>} : vector<128x640xi32>
    %convert_element_type3A_35 = arith.sitofp %iota3A_34 : vector<128x640xi32> to vector<128x640xf32>
    %iota3A_36 = tpu.iota {dimensions = array<i32: 0>} : vector<80x640xi32>
    %convert_element_type3A_37 = arith.sitofp %iota3A_36 : vector<80x640xi32> to vector<80x640xf32>
    %mul3A_38 = arith.constant 7.812500e-03 : f32
    %mul3A_39 = vector.broadcast %mul3A_38 : f32 to vector<1x640xf32>
    %mul3A_40 = arith.mulf %get3A_10, %mul3A_39 : vector<1x640xf32>
    %floor3A = math.floor %mul3A_40 : vector<1x640xf32>
    %mul3A_41 = arith.constant 1.280000e+02 : f32
    %mul3A_42 = vector.broadcast %mul3A_41 : f32 to vector<1x640xf32>
    %mul3A_43 = arith.mulf %floor3A, %mul3A_42 : vector<1x640xf32>
    %sub3A = arith.subf %get3A_10, %mul3A_43 : vector<1x640xf32>
    %eq3A_44 = vector.broadcast %sub3A : vector<1x640xf32> to vector<128x640xf32>
    %eq3A_45 = arith.cmpf oeq, %convert_element_type3A_35, %eq3A_44 : vector<128x640xf32>
    %jit3A_46 = arith.constant 0.000000e+00 : f32
    %broadcast_in_dim3A_47 = vector.shape_cast %mul3A : vector<1x640xf32> to vector<1x640xf32>
    %broadcast_in_dim3A_48 = vector.broadcast %broadcast_in_dim3A_47 : vector<1x640xf32> to vector<128x640xf32>
    %broadcast_in_dim3A_49 = vector.broadcast %jit3A_46 : f32 to vector<128x640xf32>
    %select_n3A_50 = arith.select %eq3A_45, %broadcast_in_dim3A_48, %broadcast_in_dim3A_49 : vector<128x640xi1>, vector<128x640xf32>
    %eq3A_51 = vector.broadcast %floor3A : vector<1x640xf32> to vector<80x640xf32>
    %eq3A_52 = arith.cmpf oeq, %convert_element_type3A_37, %eq3A_51 : vector<80x640xf32>
    %convert_element_type3A_53 = arith.extui %eq3A_52 : vector<80x640xi1> to vector<80x640xi32>
    %convert_element_type3A_54 = arith.sitofp %convert_element_type3A_53 : vector<80x640xi32> to vector<80x640xf32>
    %dot_general3A_55 = arith.constant dense<0.000000e+00> : vector<80x128xf32>
    %dot_general3A_56 = tpu.matmul %convert_element_type3A_54, %select_n3A_50, %dot_general3A_55 {dimension_numbers = #tpu.dot_dimension_numbers<[1], [1], [0], [0], [0, 0, 1, 0], [], []>, transpose_lhs_hint = false} : vector<80x640xf32>, vector<128x640xf32>, vector<80x128xf32> -> vector<80x128xf32>
    %mul3A_57 = arith.constant 7.812500e-03 : f32
    %mul3A_58 = vector.broadcast %mul3A_57 : f32 to vector<1x640xf32>
    %mul3A_59 = arith.mulf %get3A_13, %mul3A_58 : vector<1x640xf32>
    %floor3A_60 = math.floor %mul3A_59 : vector<1x640xf32>
    %mul3A_61 = arith.constant 1.280000e+02 : f32
    %mul3A_62 = vector.broadcast %mul3A_61 : f32 to vector<1x640xf32>
    %mul3A_63 = arith.mulf %floor3A_60, %mul3A_62 : vector<1x640xf32>
    %sub3A_64 = arith.subf %get3A_13, %mul3A_63 : vector<1x640xf32>
    %eq3A_65 = vector.broadcast %sub3A_64 : vector<1x640xf32> to vector<128x640xf32>
    %eq3A_66 = arith.cmpf oeq, %convert_element_type3A_35, %eq3A_65 : vector<128x640xf32>
    %jit3A_67 = arith.constant 0.000000e+00 : f32
    %broadcast_in_dim3A_68 = vector.shape_cast %mul3A : vector<1x640xf32> to vector<1x640xf32>
    %broadcast_in_dim3A_69 = vector.broadcast %broadcast_in_dim3A_68 : vector<1x640xf32> to vector<128x640xf32>
    %broadcast_in_dim3A_70 = vector.broadcast %jit3A_67 : f32 to vector<128x640xf32>
    %select_n3A_71 = arith.select %eq3A_66, %broadcast_in_dim3A_69, %broadcast_in_dim3A_70 : vector<128x640xi1>, vector<128x640xf32>
    %eq3A_72 = vector.broadcast %floor3A_60 : vector<1x640xf32> to vector<80x640xf32>
    %eq3A_73 = arith.cmpf oeq, %convert_element_type3A_37, %eq3A_72 : vector<80x640xf32>
    %convert_element_type3A_74 = arith.extui %eq3A_73 : vector<80x640xi1> to vector<80x640xi32>
    %convert_element_type3A_75 = arith.sitofp %convert_element_type3A_74 : vector<80x640xi32> to vector<80x640xf32>
    %dot_general3A_76 = arith.constant dense<0.000000e+00> : vector<80x128xf32>
    %dot_general3A_77 = tpu.matmul %convert_element_type3A_75, %select_n3A_71, %dot_general3A_76 {dimension_numbers = #tpu.dot_dimension_numbers<[1], [1], [0], [0], [0, 0, 1, 0], [], []>, transpose_lhs_hint = false} : vector<80x640xf32>, vector<128x640xf32>, vector<80x128xf32> -> vector<80x128xf32>
    %add3A = arith.addf %dot_general3A_56, %dot_general3A_77 : vector<80x128xf32>
    %eq3A_78 = arith.constant 0 : i32
    %eq3A_79 = arith.cmpi eq, %arg0, %eq3A_78 : i32
    %convert_element_type3A_80 = arith.extui %eq3A_79 : i1 to i32
    %cond3A = arith.constant 0 : i32
    %cond3A_81 = arith.cmpi ne, %convert_element_type3A_80, %cond3A : i32
    scf.if %cond3A_81 {
      %broadcast_in_dim3A_89 = arith.constant 0.000000e+00 : f32
      %broadcast_in_dim3A_90 = vector.broadcast %broadcast_in_dim3A_89 : f32 to vector<80x128xf32>
      %swap3A_91 = arith.constant 0 : index
      %swap3A_92 = arith.constant 0 : index
      %swap3A_93 = vector.load %arg4[%swap3A_91, %swap3A_92] : memref<80x128xf32, #tpu.memory_space<vmem>>, vector<80x128xf32>
      tpu.vector_store %arg4[%swap3A_91, %swap3A_92], %broadcast_in_dim3A_90 {strides = array<i32>} : memref<80x128xf32, #tpu.memory_space<vmem>>, vector<80x128xf32>,
    } else {
    }
    %get3A_82 = arith.constant 0 : index
    %get3A_83 = arith.constant 0 : index
    %get3A_84 = vector.load %arg4[%get3A_82, %get3A_83] : memref<80x128xf32, #tpu.memory_space<vmem>>, vector<80x128xf32>
    %add3A_85 = arith.addf %get3A_84, %add3A : vector<80x128xf32>
    %swap3A_86 = arith.constant 0 : index
    %swap3A_87 = arith.constant 0 : index
    %swap3A_88 = vector.load %arg4[%swap3A_86, %swap3A_87] : memref<80x128xf32, #tpu.memory_space<vmem>>, vector<80x128xf32>
    tpu.vector_store %arg4[%swap3A_86, %swap3A_87], %add3A_85 {strides = array<i32>} : memref<80x128xf32, #tpu.memory_space<vmem>>, vector<80x128xf32>,
    return
  }
  func.func @transform_0(%arg0: i32) -> (i32, i32) {
    %add3A = arith.constant 250 : i32
    %add3A_0 = arith.addi %add3A, %arg0 : i32
    %c0_i32 = arith.constant 0 : i32
    %c0_i32_1 = arith.constant 0 : i32
    return %c0_i32, %add3A_0 : i32, i32
  }
  func.func @transform_1(%arg0: i32) -> (i32, i32) {
    %c0_i32 = arith.constant 0 : i32
    %c0_i32_0 = arith.constant 0 : i32
    %c0_i32_1 = arith.constant 0 : i32
    return %c0_i32, %c0_i32_0 : i32, i32
  }
  func.func @transform_2(%arg0: i32) -> (i32, i32) {
    %c0_i32 = arith.constant 0 : i32
    %c0_i32_0 = arith.constant 0 : i32
    return %c0_i32, %arg0 : i32, i32
  }
  func.func @transform_3(%arg0: i32) -> (i32, i32) {
    %c0_i32 = arith.constant 0 : i32
    %c0_i32_0 = arith.constant 0 : i32
    %c0_i32_1 = arith.constant 0 : i32
    return %c0_i32, %c0_i32_0 : i32, i32
  }
}

module attributes {stable_mosaic.version = 14 : i64} {
  func.func @_mlp_body(%arg0: i32, %arg1: memref<640x128xf32, #tpu.memory_space<vmem>>, %arg2: memref<640x128xf32, #tpu.memory_space<vmem>>, %arg3: memref<640x128xf32, #tpu.memory_space<vmem>>, %arg4: memref<2x640xf32, #tpu.memory_space<vmem>>, %arg5: memref<128x128xf32, #tpu.memory_space<vmem>>, %arg6: memref<128x128xf32, #tpu.memory_space<vmem>>, %arg7: memref<128x128xf32, #tpu.memory_space<vmem>>, %arg8: memref<1x128xf32, #tpu.memory_space<vmem>>, %arg9: memref<128x384xf32, #tpu.memory_space<vmem>>, %arg10: memref<1x384xf32, #tpu.memory_space<vmem>>, %arg11: memref<640x128xf32, #tpu.memory_space<vmem>>, %arg12: memref<640x128xf32, #tpu.memory_space<vmem>>, %arg13: memref<640x128xf32, #tpu.memory_space<vmem>>) attributes {dimension_semantics = [#tpu.dimension_semantics<arbitrary>], iteration_bounds = array<i64: 250>, scalar_prefetch = 0 : i64, scratch_operands = 0 : i64, tpu.core_type = #tpu.core_type<tc>, window_params = [{transform_indices = @transform_0, window_bounds = array<i64: 640, 128>}, {transform_indices = @transform_1, window_bounds = array<i64: 640, 128>}, {transform_indices = @transform_2, window_bounds = array<i64: 640, 128>}, {transform_indices = @transform_3, window_bounds = array<i64: 2, 640>}, {pipeline_mode = #tpu.pipeline_mode<synchronous>, transform_indices = @transform_4, window_bounds = array<i64: 128, 128>}, {pipeline_mode = #tpu.pipeline_mode<synchronous>, transform_indices = @transform_5, window_bounds = array<i64: 128, 128>}, {pipeline_mode = #tpu.pipeline_mode<synchronous>, transform_indices = @transform_6, window_bounds = array<i64: 128, 128>}, {pipeline_mode = #tpu.pipeline_mode<synchronous>, transform_indices = @transform_7, window_bounds = array<i64: 1, 128>}, {pipeline_mode = #tpu.pipeline_mode<synchronous>, transform_indices = @transform_8, window_bounds = array<i64: 128, 384>}, {pipeline_mode = #tpu.pipeline_mode<synchronous>, transform_indices = @transform_9, window_bounds = array<i64: 1, 384>}, {transform_indices = @transform_10, window_bounds = array<i64: 640, 128>}, {transform_indices = @transform_11, window_bounds = array<i64: 640, 128>}, {transform_indices = @transform_12, window_bounds = array<i64: 640, 128>}]} {
    %get3A = arith.constant 0 : index
    %get3A_0 = arith.constant 0 : index
    %get3A_1 = vector.load %arg1[%get3A, %get3A_0] : memref<640x128xf32, #tpu.memory_space<vmem>>, vector<640x128xf32>
    %get3A_2 = arith.constant 0 : index
    %get3A_3 = arith.constant 0 : index
    %get3A_4 = vector.load %arg2[%get3A_2, %get3A_3] : memref<640x128xf32, #tpu.memory_space<vmem>>, vector<640x128xf32>
    %get3A_5 = arith.constant 0 : index
    %get3A_6 = arith.constant 0 : index
    %get3A_7 = vector.load %arg3[%get3A_5, %get3A_6] : memref<640x128xf32, #tpu.memory_space<vmem>>, vector<640x128xf32>
    %iota3A = tpu.iota {dimensions = array<i32: 0>} : vector<2x2xi32>
    %iota3A_8 = tpu.iota {dimensions = array<i32: 1>} : vector<2x2xi32>
    %eq3A = arith.cmpi eq, %iota3A, %iota3A_8 : vector<2x2xi32>
    %convert_element_type3A = arith.extui %eq3A : vector<2x2xi1> to vector<2x2xi32>
    %convert_element_type3A_9 = arith.sitofp %convert_element_type3A : vector<2x2xi32> to vector<2x2xf32>
    %get3A_10 = arith.constant 0 : index
    %get3A_11 = arith.constant 0 : index
    %get3A_12 = vector.load %arg4[%get3A_10, %get3A_11] : memref<2x640xf32, #tpu.memory_space<vmem>>, vector<2x640xf32>
    %dot_general3A = arith.constant dense<0.000000e+00> : vector<640x2xf32>
    %dot_general3A_13 = tpu.matmul %get3A_12, %convert_element_type3A_9, %dot_general3A {dimension_numbers = #tpu.dot_dimension_numbers<[0], [0], [1], [1], [0, 1, 1, 1], [], []>, precision = #tpu.contract_precision<fp32>, transpose_lhs_hint = false} : vector<2x640xf32>, vector<2x2xf32>, vector<640x2xf32> -> vector<640x2xf32>
    %slice3A = vector.extract_strided_slice %dot_general3A_13 {offsets = [0, 0], sizes = [640, 1], strides = [1, 1]} : vector<640x2xf32> to vector<640x1xf32>
    %slice3A_14 = vector.extract_strided_slice %dot_general3A_13 {offsets = [0, 1], sizes = [640, 1], strides = [1, 1]} : vector<640x2xf32> to vector<640x1xf32>
    %get3A_15 = arith.constant 0 : index
    %get3A_16 = arith.constant 0 : index
    %get3A_17 = vector.load %arg5[%get3A_15, %get3A_16] : memref<128x128xf32, #tpu.memory_space<vmem>>, vector<128x128xf32>
    %dot_general3A_18 = arith.constant dense<0.000000e+00> : vector<640x128xf32>
    %dot_general3A_19 = tpu.matmul %get3A_1, %get3A_17, %dot_general3A_18 {dimension_numbers = #tpu.dot_dimension_numbers<[1], [0], [0], [1], [0, 0, 1, 1], [], []>, transpose_lhs_hint = false} : vector<640x128xf32>, vector<128x128xf32>, vector<640x128xf32> -> vector<640x128xf32>
    %get3A_20 = arith.constant 0 : index
    %get3A_21 = arith.constant 0 : index
    %get3A_22 = vector.load %arg6[%get3A_20, %get3A_21] : memref<128x128xf32, #tpu.memory_space<vmem>>, vector<128x128xf32>
    %dot_general3A_23 = arith.constant dense<0.000000e+00> : vector<640x128xf32>
    %dot_general3A_24 = tpu.matmul %get3A_4, %get3A_22, %dot_general3A_23 {dimension_numbers = #tpu.dot_dimension_numbers<[1], [0], [0], [1], [0, 0, 1, 1], [], []>, transpose_lhs_hint = false} : vector<640x128xf32>, vector<128x128xf32>, vector<640x128xf32> -> vector<640x128xf32>
    %add3A = arith.addf %dot_general3A_19, %dot_general3A_24 : vector<640x128xf32>
    %get3A_25 = arith.constant 0 : index
    %get3A_26 = arith.constant 0 : index
    %get3A_27 = vector.load %arg7[%get3A_25, %get3A_26] : memref<128x128xf32, #tpu.memory_space<vmem>>, vector<128x128xf32>
    %dot_general3A_28 = arith.constant dense<0.000000e+00> : vector<640x128xf32>
    %dot_general3A_29 = tpu.matmul %get3A_7, %get3A_27, %dot_general3A_28 {dimension_numbers = #tpu.dot_dimension_numbers<[1], [0], [0], [1], [0, 0, 1, 1], [], []>, transpose_lhs_hint = false} : vector<640x128xf32>, vector<128x128xf32>, vector<640x128xf32> -> vector<640x128xf32>
    %add3A_30 = arith.addf %add3A, %dot_general3A_29 : vector<640x128xf32>
    %get3A_31 = arith.constant 0 : index
    %get3A_32 = arith.constant 0 : index
    %get3A_33 = vector.load %arg8[%get3A_31, %get3A_32] : memref<1x128xf32, #tpu.memory_space<vmem>>, vector<1x128xf32>
    %add3A_34 = vector.broadcast %get3A_33 : vector<1x128xf32> to vector<640x128xf32>
    %add3A_35 = arith.addf %add3A_30, %add3A_34 : vector<640x128xf32>
    %max3A = arith.constant 0.000000e+00 : f32
    %max3A_36 = vector.broadcast %max3A : f32 to vector<640x128xf32>
    %max3A_37 = arith.maximumf %add3A_35, %max3A_36 : vector<640x128xf32>
    %get3A_38 = arith.constant 0 : index
    %get3A_39 = arith.constant 0 : index
    %get3A_40 = vector.load %arg9[%get3A_38, %get3A_39] : memref<128x384xf32, #tpu.memory_space<vmem>>, vector<128x384xf32>
    %dot_general3A_41 = arith.constant dense<0.000000e+00> : vector<640x384xf32>
    %dot_general3A_42 = tpu.matmul %max3A_37, %get3A_40, %dot_general3A_41 {dimension_numbers = #tpu.dot_dimension_numbers<[1], [0], [0], [1], [0, 0, 1, 1], [], []>, transpose_lhs_hint = false} : vector<640x128xf32>, vector<128x384xf32>, vector<640x384xf32> -> vector<640x384xf32>
    %get3A_43 = arith.constant 0 : index
    %get3A_44 = arith.constant 0 : index
    %get3A_45 = vector.load %arg10[%get3A_43, %get3A_44] : memref<1x384xf32, #tpu.memory_space<vmem>>, vector<1x384xf32>
    %add3A_46 = vector.broadcast %get3A_45 : vector<1x384xf32> to vector<640x384xf32>
    %add3A_47 = arith.addf %dot_general3A_42, %add3A_46 : vector<640x384xf32>
    %max3A_48 = arith.constant 0.000000e+00 : f32
    %max3A_49 = vector.broadcast %max3A_48 : f32 to vector<640x384xf32>
    %max3A_50 = arith.maximumf %add3A_47, %max3A_49 : vector<640x384xf32>
    %slice3A_51 = vector.extract_strided_slice %max3A_50 {offsets = [0, 128], sizes = [640, 128], strides = [1, 1]} : vector<640x384xf32> to vector<640x128xf32>
    %mul3A = vector.broadcast %slice3A : vector<640x1xf32> to vector<640x128xf32>
    %mul3A_52 = arith.mulf %slice3A_51, %mul3A : vector<640x128xf32>
    %swap3A = arith.constant 0 : index
    %swap3A_53 = arith.constant 0 : index
    %swap3A_54 = vector.load %arg11[%swap3A, %swap3A_53] : memref<640x128xf32, #tpu.memory_space<vmem>>, vector<640x128xf32>
    tpu.vector_store %arg11[%swap3A, %swap3A_53], %mul3A_52 {strides = array<i32>} : memref<640x128xf32, #tpu.memory_space<vmem>>, vector<640x128xf32>,
    %slice3A_55 = vector.extract_strided_slice %max3A_50 {offsets = [0, 0], sizes = [640, 128], strides = [1, 1]} : vector<640x384xf32> to vector<640x128xf32>
    %mul3A_56 = vector.broadcast %slice3A_14 : vector<640x1xf32> to vector<640x128xf32>
    %mul3A_57 = arith.mulf %slice3A_55, %mul3A_56 : vector<640x128xf32>
    %swap3A_58 = arith.constant 0 : index
    %swap3A_59 = arith.constant 0 : index
    %swap3A_60 = vector.load %arg12[%swap3A_58, %swap3A_59] : memref<640x128xf32, #tpu.memory_space<vmem>>, vector<640x128xf32>
    tpu.vector_store %arg12[%swap3A_58, %swap3A_59], %mul3A_57 {strides = array<i32>} : memref<640x128xf32, #tpu.memory_space<vmem>>, vector<640x128xf32>,
    %slice3A_61 = vector.extract_strided_slice %max3A_50 {offsets = [0, 256], sizes = [640, 128], strides = [1, 1]} : vector<640x384xf32> to vector<640x128xf32>
    %mul3A_62 = vector.broadcast %slice3A_14 : vector<640x1xf32> to vector<640x128xf32>
    %mul3A_63 = arith.mulf %slice3A_61, %mul3A_62 : vector<640x128xf32>
    %swap3A_64 = arith.constant 0 : index
    %swap3A_65 = arith.constant 0 : index
    %swap3A_66 = vector.load %arg13[%swap3A_64, %swap3A_65] : memref<640x128xf32, #tpu.memory_space<vmem>>, vector<640x128xf32>
    tpu.vector_store %arg13[%swap3A_64, %swap3A_65], %mul3A_63 {strides = array<i32>} : memref<640x128xf32, #tpu.memory_space<vmem>>, vector<640x128xf32>,
    return
  }
  func.func @transform_0(%arg0: i32) -> (i32, i32) {
    %c0_i32 = arith.constant 0 : i32
    %c0_i32_0 = arith.constant 0 : i32
    return %arg0, %c0_i32 : i32, i32
  }
  func.func @transform_1(%arg0: i32) -> (i32, i32) {
    %add3A = arith.constant 250 : i32
    %add3A_0 = arith.addi %add3A, %arg0 : i32
    %c0_i32 = arith.constant 0 : i32
    %c0_i32_1 = arith.constant 0 : i32
    return %add3A_0, %c0_i32 : i32, i32
  }
  func.func @transform_2(%arg0: i32) -> (i32, i32) {
    %c0_i32 = arith.constant 0 : i32
    %c0_i32_0 = arith.constant 0 : i32
    return %arg0, %c0_i32 : i32, i32
  }
  func.func @transform_3(%arg0: i32) -> (i32, i32) {
    %c0_i32 = arith.constant 0 : i32
    %c0_i32_0 = arith.constant 0 : i32
    return %c0_i32, %arg0 : i32, i32
  }
  func.func @transform_4(%arg0: i32) -> (i32, i32) {
    %c0_i32 = arith.constant 0 : i32
    %c0_i32_0 = arith.constant 0 : i32
    %c0_i32_1 = arith.constant 0 : i32
    return %c0_i32, %c0_i32_0 : i32, i32
  }
  func.func @transform_5(%arg0: i32) -> (i32, i32) {
    %c0_i32 = arith.constant 0 : i32
    %c0_i32_0 = arith.constant 0 : i32
    %c0_i32_1 = arith.constant 0 : i32
    return %c0_i32, %c0_i32_0 : i32, i32
  }
  func.func @transform_6(%arg0: i32) -> (i32, i32) {
    %c0_i32 = arith.constant 0 : i32
    %c0_i32_0 = arith.constant 0 : i32
    %c0_i32_1 = arith.constant 0 : i32
    return %c0_i32, %c0_i32_0 : i32, i32
  }
  func.func @transform_7(%arg0: i32) -> (i32, i32) {
    %c0_i32 = arith.constant 0 : i32
    %c0_i32_0 = arith.constant 0 : i32
    %c0_i32_1 = arith.constant 0 : i32
    return %c0_i32, %c0_i32_0 : i32, i32
  }
  func.func @transform_8(%arg0: i32) -> (i32, i32) {
    %c0_i32 = arith.constant 0 : i32
    %c0_i32_0 = arith.constant 0 : i32
    %c0_i32_1 = arith.constant 0 : i32
    return %c0_i32, %c0_i32_0 : i32, i32
  }
  func.func @transform_9(%arg0: i32) -> (i32, i32) {
    %c0_i32 = arith.constant 0 : i32
    %c0_i32_0 = arith.constant 0 : i32
    %c0_i32_1 = arith.constant 0 : i32
    return %c0_i32, %c0_i32_0 : i32, i32
  }
  func.func @transform_10(%arg0: i32) -> (i32, i32) {
    %c0_i32 = arith.constant 0 : i32
    %c0_i32_0 = arith.constant 0 : i32
    return %arg0, %c0_i32 : i32, i32
  }
  func.func @transform_11(%arg0: i32) -> (i32, i32) {
    %c0_i32 = arith.constant 0 : i32
    %c0_i32_0 = arith.constant 0 : i32
    return %arg0, %c0_i32 : i32, i32
  }
  func.func @transform_12(%arg0: i32) -> (i32, i32) {
    %c0_i32 = arith.constant 0 : i32
    %c0_i32_0 = arith.constant 0 : i32
    return %arg0, %c0_i32 : i32, i32
  }
}

module attributes {stable_mosaic.version = 14 : i64} {
  func.func @_out_body(%arg0: i32, %arg1: memref<2048x128xf32, #tpu.memory_space<vmem>>, %arg2: memref<2048x128xf32, #tpu.memory_space<vmem>>, %arg3: memref<2048x128xf32, #tpu.memory_space<vmem>>, %arg4: memref<2048x128xf32, #tpu.memory_space<vmem>>, %arg5: memref<2048x1xf32, #tpu.memory_space<vmem>>, %arg6: memref<128x128xf32, #tpu.memory_space<vmem>>, %arg7: memref<1x128xf32, #tpu.memory_space<vmem>>, %arg8: memref<128x128xf32, #tpu.memory_space<vmem>>, %arg9: memref<1x128xf32, #tpu.memory_space<vmem>>, %arg10: memref<2048x128xf32, #tpu.memory_space<vmem>>) attributes {dimension_semantics = [#tpu.dimension_semantics<arbitrary>], iteration_bounds = array<i64: 10>, scalar_prefetch = 0 : i64, scratch_operands = 0 : i64, tpu.core_type = #tpu.core_type<tc>, window_params = [{transform_indices = @transform_0, window_bounds = array<i64: 2048, 128>}, {transform_indices = @transform_1, window_bounds = array<i64: 2048, 128>}, {transform_indices = @transform_2, window_bounds = array<i64: 2048, 128>}, {transform_indices = @transform_3, window_bounds = array<i64: 2048, 128>}, {transform_indices = @transform_4, window_bounds = array<i64: 2048, 1>}, {pipeline_mode = #tpu.pipeline_mode<synchronous>, transform_indices = @transform_5, window_bounds = array<i64: 128, 128>}, {pipeline_mode = #tpu.pipeline_mode<synchronous>, transform_indices = @transform_6, window_bounds = array<i64: 1, 128>}, {pipeline_mode = #tpu.pipeline_mode<synchronous>, transform_indices = @transform_7, window_bounds = array<i64: 128, 128>}, {pipeline_mode = #tpu.pipeline_mode<synchronous>, transform_indices = @transform_8, window_bounds = array<i64: 1, 128>}, {transform_indices = @transform_9, window_bounds = array<i64: 2048, 128>}]} {
    %lt3A = arith.constant 5 : i32
    %lt3A_0 = arith.cmpi slt, %arg0, %lt3A : i32
    %jit3A = arith.constant 1.000000e+00 : f32
    %jit3A_1 = arith.constant 0.000000e+00 : f32
    %select_n3A = arith.select %lt3A_0, %jit3A, %jit3A_1 : f32
    %get3A = arith.constant 0 : index
    %get3A_2 = arith.constant 0 : index
    %get3A_3 = vector.load %arg1[%get3A, %get3A_2] : memref<2048x128xf32, #tpu.memory_space<vmem>>, vector<2048x128xf32>
    %get3A_4 = arith.constant 0 : index
    %get3A_5 = arith.constant 0 : index
    %get3A_6 = vector.load %arg2[%get3A_4, %get3A_5] : memref<2048x128xf32, #tpu.memory_space<vmem>>, vector<2048x128xf32>
    %add3A = arith.addf %get3A_3, %get3A_6 : vector<2048x128xf32>
    %mul3A = vector.broadcast %select_n3A : f32 to vector<2048x128xf32>
    %mul3A_7 = arith.mulf %add3A, %mul3A : vector<2048x128xf32>
    %get3A_8 = arith.constant 0 : index
    %get3A_9 = arith.constant 0 : index
    %get3A_10 = vector.load %arg3[%get3A_8, %get3A_9] : memref<2048x128xf32, #tpu.memory_space<vmem>>, vector<2048x128xf32>
    %get3A_11 = arith.constant 0 : index
    %get3A_12 = arith.constant 0 : index
    %get3A_13 = vector.load %arg4[%get3A_11, %get3A_12] : memref<2048x128xf32, #tpu.memory_space<vmem>>, vector<2048x128xf32>
    %add3A_14 = arith.addf %get3A_10, %get3A_13 : vector<2048x128xf32>
    %sub3A = arith.constant 1.000000e+00 : f32
    %sub3A_15 = arith.subf %sub3A, %select_n3A : f32
    %mul3A_16 = vector.broadcast %sub3A_15 : f32 to vector<2048x128xf32>
    %mul3A_17 = arith.mulf %add3A_14, %mul3A_16 : vector<2048x128xf32>
    %add3A_18 = arith.addf %mul3A_7, %mul3A_17 : vector<2048x128xf32>
    %get3A_19 = arith.constant 0 : index
    %get3A_20 = arith.constant 0 : index
    %get3A_21 = vector.load %arg5[%get3A_19, %get3A_20] : memref<2048x1xf32, #tpu.memory_space<vmem>>, vector<2048x1xf32>
    %gt3A = arith.constant 0.000000e+00 : f32
    %gt3A_22 = vector.broadcast %gt3A : f32 to vector<2048x1xf32>
    %gt3A_23 = arith.cmpf ogt, %get3A_21, %gt3A_22 : vector<2048x1xf32>
    %jit3A_24 = arith.constant 1.000000e+00 : f32
    %broadcast_in_dim3A = vector.broadcast %jit3A_24 : f32 to vector<2048x1xf32>
    %select_n3A_25 = arith.select %gt3A_23, %get3A_21, %broadcast_in_dim3A : vector<2048x1xi1>, vector<2048x1xf32>
    %div3A = vector.broadcast %select_n3A_25 : vector<2048x1xf32> to vector<2048x128xf32>
    %div3A_26 = arith.divf %add3A_18, %div3A : vector<2048x128xf32>
    %get3A_27 = arith.constant 0 : index
    %get3A_28 = arith.constant 0 : index
    %get3A_29 = vector.load %arg6[%get3A_27, %get3A_28] : memref<128x128xf32, #tpu.memory_space<vmem>>, vector<128x128xf32>
    %dot_general3A = arith.constant dense<0.000000e+00> : vector<2048x128xf32>
    %dot_general3A_30 = tpu.matmul %div3A_26, %get3A_29, %dot_general3A {dimension_numbers = #tpu.dot_dimension_numbers<[1], [0], [0], [1], [0, 0, 1, 1], [], []>, transpose_lhs_hint = false} : vector<2048x128xf32>, vector<128x128xf32>, vector<2048x128xf32> -> vector<2048x128xf32>
    %get3A_31 = arith.constant 0 : index
    %get3A_32 = arith.constant 0 : index
    %get3A_33 = vector.load %arg7[%get3A_31, %get3A_32] : memref<1x128xf32, #tpu.memory_space<vmem>>, vector<1x128xf32>
    %add3A_34 = vector.broadcast %get3A_33 : vector<1x128xf32> to vector<2048x128xf32>
    %add3A_35 = arith.addf %dot_general3A_30, %add3A_34 : vector<2048x128xf32>
    %max3A = arith.constant 0.000000e+00 : f32
    %max3A_36 = vector.broadcast %max3A : f32 to vector<2048x128xf32>
    %max3A_37 = arith.maximumf %add3A_35, %max3A_36 : vector<2048x128xf32>
    %get3A_38 = arith.constant 0 : index
    %get3A_39 = arith.constant 0 : index
    %get3A_40 = vector.load %arg8[%get3A_38, %get3A_39] : memref<128x128xf32, #tpu.memory_space<vmem>>, vector<128x128xf32>
    %dot_general3A_41 = arith.constant dense<0.000000e+00> : vector<2048x128xf32>
    %dot_general3A_42 = tpu.matmul %max3A_37, %get3A_40, %dot_general3A_41 {dimension_numbers = #tpu.dot_dimension_numbers<[1], [0], [0], [1], [0, 0, 1, 1], [], []>, transpose_lhs_hint = false} : vector<2048x128xf32>, vector<128x128xf32>, vector<2048x128xf32> -> vector<2048x128xf32>
    %get3A_43 = arith.constant 0 : index
    %get3A_44 = arith.constant 0 : index
    %get3A_45 = vector.load %arg9[%get3A_43, %get3A_44] : memref<1x128xf32, #tpu.memory_space<vmem>>, vector<1x128xf32>
    %add3A_46 = vector.broadcast %get3A_45 : vector<1x128xf32> to vector<2048x128xf32>
    %add3A_47 = arith.addf %dot_general3A_42, %add3A_46 : vector<2048x128xf32>
    %max3A_48 = arith.constant 0.000000e+00 : f32
    %max3A_49 = vector.broadcast %max3A_48 : f32 to vector<2048x128xf32>
    %max3A_50 = arith.maximumf %add3A_47, %max3A_49 : vector<2048x128xf32>
    %swap3A = arith.constant 0 : index
    %swap3A_51 = arith.constant 0 : index
    %swap3A_52 = vector.load %arg10[%swap3A, %swap3A_51] : memref<2048x128xf32, #tpu.memory_space<vmem>>, vector<2048x128xf32>
    tpu.vector_store %arg10[%swap3A, %swap3A_51], %max3A_50 {strides = array<i32>} : memref<2048x128xf32, #tpu.memory_space<vmem>>, vector<2048x128xf32>,
    return
  }
  func.func @transform_0(%arg0: i32) -> (i32, i32) {
    %jit3A = arith.constant 5 : i32
    %eq3A = arith.constant 0 : i32
    %eq3A_0 = arith.cmpi eq, %jit3A, %eq3A : i32
    %jit3A_1 = arith.constant 1 : i32
    %select_n3A = arith.select %eq3A_0, %jit3A_1, %jit3A : i32
    %rem3A = arith.remsi %arg0, %select_n3A : i32
    %ne3A = arith.constant 0 : i32
    %ne3A_2 = arith.cmpi ne, %rem3A, %ne3A : i32
    %lt3A = arith.constant 0 : i32
    %lt3A_3 = arith.cmpi slt, %rem3A, %lt3A : i32
    %lt3A_4 = arith.constant 0 : i32
    %lt3A_5 = arith.cmpi slt, %select_n3A, %lt3A_4 : i32
    %ne3A_6 = arith.xori %lt3A_3, %lt3A_5 : i1
    %and3A = arith.andi %ne3A_6, %ne3A_2 : i1
    %add3A = arith.addi %rem3A, %select_n3A : i32
    %select_n3A_7 = arith.select %and3A, %add3A, %rem3A : i32
    %c0_i32 = arith.constant 0 : i32
    %c0_i32_8 = arith.constant 0 : i32
    return %select_n3A_7, %c0_i32 : i32, i32
  }
  func.func @transform_1(%arg0: i32) -> (i32, i32) {
    %jit3A = arith.constant 5 : i32
    %eq3A = arith.constant 0 : i32
    %eq3A_0 = arith.cmpi eq, %jit3A, %eq3A : i32
    %jit3A_1 = arith.constant 1 : i32
    %select_n3A = arith.select %eq3A_0, %jit3A_1, %jit3A : i32
    %rem3A = arith.remsi %arg0, %select_n3A : i32
    %ne3A = arith.constant 0 : i32
    %ne3A_2 = arith.cmpi ne, %rem3A, %ne3A : i32
    %lt3A = arith.constant 0 : i32
    %lt3A_3 = arith.cmpi slt, %rem3A, %lt3A : i32
    %lt3A_4 = arith.constant 0 : i32
    %lt3A_5 = arith.cmpi slt, %select_n3A, %lt3A_4 : i32
    %ne3A_6 = arith.xori %lt3A_3, %lt3A_5 : i1
    %and3A = arith.andi %ne3A_6, %ne3A_2 : i1
    %add3A = arith.addi %rem3A, %select_n3A : i32
    %select_n3A_7 = arith.select %and3A, %add3A, %rem3A : i32
    %add3A_8 = arith.constant 5 : i32
    %add3A_9 = arith.addi %add3A_8, %select_n3A_7 : i32
    %c0_i32 = arith.constant 0 : i32
    %c0_i32_10 = arith.constant 0 : i32
    return %add3A_9, %c0_i32 : i32, i32
  }
  func.func @transform_2(%arg0: i32) -> (i32, i32) {
    %jit3A = arith.constant 5 : i32
    %eq3A = arith.constant 0 : i32
    %eq3A_0 = arith.cmpi eq, %jit3A, %eq3A : i32
    %jit3A_1 = arith.constant 1 : i32
    %select_n3A = arith.select %eq3A_0, %jit3A_1, %jit3A : i32
    %rem3A = arith.remsi %arg0, %select_n3A : i32
    %ne3A = arith.constant 0 : i32
    %ne3A_2 = arith.cmpi ne, %rem3A, %ne3A : i32
    %lt3A = arith.constant 0 : i32
    %lt3A_3 = arith.cmpi slt, %rem3A, %lt3A : i32
    %lt3A_4 = arith.constant 0 : i32
    %lt3A_5 = arith.cmpi slt, %select_n3A, %lt3A_4 : i32
    %ne3A_6 = arith.xori %lt3A_3, %lt3A_5 : i1
    %and3A = arith.andi %ne3A_6, %ne3A_2 : i1
    %add3A = arith.addi %rem3A, %select_n3A : i32
    %select_n3A_7 = arith.select %and3A, %add3A, %rem3A : i32
    %c0_i32 = arith.constant 0 : i32
    %c0_i32_8 = arith.constant 0 : i32
    return %select_n3A_7, %c0_i32 : i32, i32
  }
  func.func @transform_3(%arg0: i32) -> (i32, i32) {
    %jit3A = arith.constant 5 : i32
    %eq3A = arith.constant 0 : i32
    %eq3A_0 = arith.cmpi eq, %jit3A, %eq3A : i32
    %jit3A_1 = arith.constant 1 : i32
    %select_n3A = arith.select %eq3A_0, %jit3A_1, %jit3A : i32
    %rem3A = arith.remsi %arg0, %select_n3A : i32
    %ne3A = arith.constant 0 : i32
    %ne3A_2 = arith.cmpi ne, %rem3A, %ne3A : i32
    %lt3A = arith.constant 0 : i32
    %lt3A_3 = arith.cmpi slt, %rem3A, %lt3A : i32
    %lt3A_4 = arith.constant 0 : i32
    %lt3A_5 = arith.cmpi slt, %select_n3A, %lt3A_4 : i32
    %ne3A_6 = arith.xori %lt3A_3, %lt3A_5 : i1
    %and3A = arith.andi %ne3A_6, %ne3A_2 : i1
    %add3A = arith.addi %rem3A, %select_n3A : i32
    %select_n3A_7 = arith.select %and3A, %add3A, %rem3A : i32
    %add3A_8 = arith.constant 5 : i32
    %add3A_9 = arith.addi %add3A_8, %select_n3A_7 : i32
    %c0_i32 = arith.constant 0 : i32
    %c0_i32_10 = arith.constant 0 : i32
    return %add3A_9, %c0_i32 : i32, i32
  }
  func.func @transform_4(%arg0: i32) -> (i32, i32) {
    %c0_i32 = arith.constant 0 : i32
    %c0_i32_0 = arith.constant 0 : i32
    return %arg0, %c0_i32 : i32, i32
  }
  func.func @transform_5(%arg0: i32) -> (i32, i32) {
    %c0_i32 = arith.constant 0 : i32
    %c0_i32_0 = arith.constant 0 : i32
    %c0_i32_1 = arith.constant 0 : i32
    return %c0_i32, %c0_i32_0 : i32, i32
  }
  func.func @transform_6(%arg0: i32) -> (i32, i32) {
    %c0_i32 = arith.constant 0 : i32
    %c0_i32_0 = arith.constant 0 : i32
    %c0_i32_1 = arith.constant 0 : i32
    return %c0_i32, %c0_i32_0 : i32, i32
  }
  func.func @transform_7(%arg0: i32) -> (i32, i32) {
    %c0_i32 = arith.constant 0 : i32
    %c0_i32_0 = arith.constant 0 : i32
    %c0_i32_1 = arith.constant 0 : i32
    return %c0_i32, %c0_i32_0 : i32, i32
  }
  func.func @transform_8(%arg0: i32) -> (i32, i32) {
    %c0_i32 = arith.constant 0 : i32
    %c0_i32_0 = arith.constant 0 : i32
    %c0_i32_1 = arith.constant 0 : i32
    return %c0_i32, %c0_i32_0 : i32, i32
  }
  func.func @transform_9(%arg0: i32) -> (i32, i32) {
    %c0_i32 = arith.constant 0 : i32
    %c0_i32_0 = arith.constant 0 : i32
    return %arg0, %c0_i32 : i32, i32
  }
}

</mosaic_0001>

<sc_bundles>
// kernel: kernel.11.cloned.1.call-start
scs
__scs_entry_jumppad:
0x0: {  	(pc) =	sbr.rel $0x88, $3  }
0x1: {  	(tag) =	ssettag $0x0;
	lr =	simm.s32 $0x1  }
0x2: {  	[smem:$0x3F92] =	sst lr;
	_ =	strace $0xD0000000  }
0x3: {  	_ = 	snop  }
0x4: {  	_ = 	snop  }
0x5: {  	_ = 	snop  }
0x6: {  	_ = 	snop  }
0x7: {  	_ = 	snop  }
__scs_overlays_trampoline_lowered:
0x8: {  	[smem:$0x3FA1] =	sst s0  }
0x9: {  	[smem:$0x3FA2] =	sst s1  }
0xa: {  	[smem:$0x3FA3] =	sst s2  }
0xb: {  	[smem:$0x3FA4] =	sst s3  }
0xc: {  	[smem:$0x3FA5] =	sst s4  }
0xd: {  	[smem:$0x3FA6] =	sst s5  }
0xe: {  	[smem:$0x3FA7] =	sst s6  }
0xf: {  	[smem:$0x3FA8] =	sst s7  }
0x10: {  	[smem:$0x3FA9] =	sst s8  }
0x11: {  	[smem:$0x3FAA] =	sst s9;
	s0 =	simm.s32 @!p0 $0x0  }
0x12: {  	s1 =	sld [smem:$0x3F90];
	s0 =	simm.s32 @p0 $0x1  }
0x13: {  	[smem:$0x3FAB] =	sst s0;
	s0 =	simm.s32 @!p1 $0x0  }
0x14: {  	s2 =	sld [smem:$0x3F8F];
	s0 =	simm.s32 @p1 $0x1  }
0x15: {  	[smem:$0x3FAC] =	sst s0;
	s0 =	simm.s32 @!p2 $0x0  }
0x16: {  	s3 =	sld [smem:$0x3FDB];
	s0 =	simm.s32 @p2 $0x1  }
0x17: {  	s4 =	simm.s32 $0x1BF5;
	[smem:$0x3FAE] =	sst s0  }
0x18: {  	s0 =	sld [smem:$0x3F91];
	_ =	swait.ge [sflag:s4], $0x0  }
0x19: {  	s7 =	sld [smem:$0x3F92]  }
0x1a: {  	s8 =	sadd.s32 $0xFFFFE003, lr  }
0x1b: {  	s9 =	sadd.s32 $0xFFFFFEF7, lr;
	s5 =	simm.s32 $0xFFFFFFFF;
	p2 =	slt.u32 s8, $0xFFFFF086  }
0x1c: {  	p1 =	slt.u32 s9, $0xF7A;
	s5 =	simm.s32 @!p2 $0x0  }
0x1d: {  	s5 =	simm.s32 @p1 $0x1;
	p0 =	seq.s32 s7, s2  }
0x1e: {  	s7 =	smul.u32 @!p0 $0xF7A, s2;
	p2 =	seq.s32 @!p0 s5, $0x0  }
0x1f: {  	s9 =	smul.u32 $0xF7A, s1;
	s8 =	simm.s32 @!p0 $0x1BF5;
	p2 =	por !p2, p0  }
0x20: {  	[sflag:s8] =	ssyncset.s32 @!p0 $0xFFFFF086;
	s6 =	sadd.s32 @!p0 s3, s7;
	s7 =	simm.s32 @!p0 $0x108  }
0x21: {  	s3 =	sadd.s32 s3, s9;
	s6 =	sadd.s32 @!p0 $0x88, s6;
	s7 =	simm.s32 @p2 $0x1082  }
0x22: {  	[simem:s7], [sflag:s8] =	dma.local @!p0 [hbm:s6], $0xF7A  }
0x23: {  	s9 =	sor.u32 $0xD0000000, s2;
	s6 =	simm.s32 $0x108;
	_ =	swait.ge @!p0 [sflag:s8], $0x0  }
0x24: {  	s3 =	sadd.s32 $0x88, s3;
	s6 =	simm.s32 @!p1 $0x1082;
	[sflag:s4] =	ssyncset.s32 $0xFFFFF086  }
0x25: {  	[simem:s6], [sflag:s4] =	dma.local [hbm:s3], $0xF7A  }
0x26: {  	[smem:$0x3F92] =	sst s1;
	(tag) =	ssettag s2;
	_ =	strace s9  }
0x27: {  	s1 =	sld [smem:$0x3FA2]  }
0x28: {  	s2 =	sld [smem:$0x3FA3]  }
0x29: {  	s4 =	sld [smem:$0x3FA5]  }
0x2a: {  	p0 =	seq.s32 s5, $0x0;
	s5 =	sld [smem:$0x3FA6]  }
0x2b: {  	s6 =	sld [smem:$0x3FA7]  }
0x2c: {  	s7 =	sld [smem:$0x3FA8]  }
0x2d: {  	s3 =	simm.s32 $0x108;
	s8 =	sld [smem:$0x3FA9]  }
0x2e: {  	s3 =	simm.s32 @!p0 $0x1082;
	s9 =	sld [smem:$0x3FAA]  }
0x2f: {  	lr =	sadd.s32 s0, s3;
	s0 =	sld [smem:$0x3FA1]  }
0x30: {  	s3 =	sld [smem:$0x3FA4]  }
0x31: {  	[smem:$0x3FAD] =	sst s10  }
0x32: {  	s10 =	sld [smem:$0x3FAB];
	_ =	sdelay $0x3  }
0x33: {  	p0 =	seq.s32 s10, $0x1;
	s10 =	sld [smem:$0x3FAD];
	_ =	sdelay $0x3  }
0x34: {  	[smem:$0x3FAD] =	sst s10  }
0x35: {  	s10 =	sld [smem:$0x3FAC];
	_ =	sdelay $0x3  }
0x36: {  	p1 =	seq.s32 s10, $0x1;
	s10 =	sld [smem:$0x3FAD];
	_ =	sdelay $0x3  }
0x37: {  	[smem:$0x3FAD] =	sst s10  }
0x38: {  	s10 =	sld [smem:$0x3FAE]  }
0x39: {  	_ = 	snop;
	(pc) =	sbr.ind lr, $3  }
0x3a: {  	_ = 	snop  }
0x3b: {  	_ = 	snop  }
0x3c: {  	p2 =	seq.s32 s10, $0x1;
	s10 =	sld [smem:$0x3FAD]  }
0x3d: {  	_ =	shalt  }
0x3e: {  	_ =	shalt  }
0x3f: {  	_ =	shalt  }
0x40: {  	_ =	shalt  }
0x41: {  	_ =	shalt  }
0x42: {  	_ =	shalt  }
0x43: {  	_ =	shalt  }
0x44: {  	_ =	shalt  }
0x45: {  	_ =	shalt  }
0x46: {  	_ =	shalt  }
0x47: {  	_ =	shalt  }
0x48: {  	_ =	shalt  }
0x49: {  	_ =	shalt  }
0x4a: {  	_ =	shalt  }
0x4b: {  	_ =	shalt  }
0x4c: {  	_ =	shalt  }
0x4d: {  	_ =	shalt  }
0x4e: {  	_ =	shalt  }
0x4f: {  	_ =	shalt  }
0x50: {  	_ =	shalt  }
0x51: {  	_ =	shalt  }
0x52: {  	_ =	shalt  }
0x53: {  	_ =	shalt  }
0x54: {  	_ =	shalt  }
0x55: {  	_ =	shalt  }
0x56: {  	_ =	shalt  }
0x57: {  	_ =	shalt  }
0x58: {  	_ =	shalt  }
0x59: {  	_ =	shalt  }
0x5a: {  	_ =	shalt  }
0x5b: {  	_ =	shalt  }
0x5c: {  	_ =	shalt  }
0x5d: {  	_ =	shalt  }
0x5e: {  	_ =	shalt  }
0x5f: {  	_ =	shalt  }
0x60: {  	_ =	shalt  }
0x61: {  	_ =	shalt  }
0x62: {  	_ =	shalt  }
0x63: {  	_ =	shalt  }
0x64: {  	_ =	shalt  }
0x65: {  	_ =	shalt  }
0x66: {  	_ =	shalt  }
0x67: {  	_ =	shalt  }
0x68: {  	_ =	shalt  }
0x69: {  	_ =	shalt  }
0x6a: {  	_ =	shalt  }
0x6b: {  	_ =	shalt  }
0x6c: {  	_ =	shalt  }
0x6d: {  	_ =	shalt  }
0x6e: {  	_ =	shalt  }
0x6f: {  	_ =	shalt  }
0x70: {  	_ =	shalt  }
0x71: {  	_ =	shalt  }
0x72: {  	_ =	shalt  }
0x73: {  	_ =	shalt  }
0x74: {  	_ =	shalt  }
0x75: {  	_ =	shalt  }
0x76: {  	_ =	shalt  }
0x77: {  	_ =	shalt  }
0x78: {  	_ =	shalt  }
0x79: {  	_ =	shalt  }
0x7a: {  	_ =	shalt  }
0x7b: {  	_ =	shalt  }
0x7c: {  	_ =	shalt  }
0x7d: {  	_ =	shalt  }
0x7e: {  	_ =	shalt  }
0x7f: {  	_ =	shalt  }
0x80: {  	_ =	shalt  }
0x81: {  	_ =	shalt  }
0x82: {  	_ =	shalt  }
0x83: {  	_ =	shalt  }
0x84: {  	_ =	shalt  }
0x85: {  	_ =	shalt  }
0x86: {  	_ =	shalt  }
0x87: {  	_ =	shalt  }
.Lfunc_end0:
.L_simem_size_0:
called_computation_lowered:
.L_overlay_start_0:
0x88: {  	s2 =	sld [smem:$0x3FD9]  }
0x89: {  	s3 =	sld [smem:$0x3FFE];
	_ =	sdelay $0x1  }
0x8a: {  	s1 =	srdreg.scid  }
0x8b: {  	s0 =	sand.u32 $0x1, s1  }
0x8c: {  	s17 =	sshll.u32 s0, $0xA;
	s2 =	sadd.s32 s3, s2  }
0x8d: {  	s2 =	sadd.s32 s2, s17  }
0x8e: {  	[smem:$0x3FB9] =	sst s2  }
0x8f: {  	_ = 	snop  }
0x90: {  	s2 =	sld [smem:$0x3FC9];
	(tm) =	ssettm $0x1  }
0x91: {  	s18 =	sld [smem:$0x3FFB];
	_ =	sdelay $0x3  }
0x92: {  	_ =	strace s18  }
0x93: {  	s3 =	sld [smem:$0x3FFC];
	_ =	sdelay $0x3  }
0x94: {  	_ =	strace s3  }
0x95: {  	s3 =	sld [smem:$0x3FFD];
	_ =	sdelay $0x3  }
0x96: {  	_ =	strace s3  }
0x97: {  	_ =	strace $0x8FFFFFFF  }
0x98: {  	s19 =	sld [smem:$0x3FDB];
	_ =	sdelay $0x1  }
0x99: {  	s4 =	simm.s32 $_scs_section_size  }
0x9a: {  	s5 =	simm.s32 $_size__tile_overlayer_lowered;
	s6 =	simm.s32 $_tile_overlayer_lowered  }
0x9b: {  	s22 =	simm.s32 $0x1BFF;
	s21 =	sshll.u32 s6, $0x1;
	s3 =	sadd.s32 s4, s19  }
0x9c: {  	s7 =	simm.s32 $0x0;
	s20 =	sshll.u32 s5, $0x1;
	s5 =	sadd.s32 s21, s3  }
0x9d: {  	[timem:s7], [sflag:s22] =	dma.local [hbm:s5], s20  }
0x9e: {  	_ =	swait.ge [sflag:s22], s20  }
0x9f: {  	s4 =	ssub.s32 $0x0, s20;
	[sflag:s22] =	ssyncset.done $0x0  }
0xa0: {  	[sflag:s22] =	ssyncadd.s32 s4;
	_ =	sdelay $0x1  }
0xa1: {  	s23 =	simm.s32 $0x1B8B  }
0xa2: {  	_ =	swait.ge [sflag:s23], $0x1  }
0xa3: {  	[sflag:s23] =	ssyncset.done $0x0  }
0xa4: {  	s25 =	simm.s32 $0x1B8E;
	s24 =	sld [smem:$0x3FFE];
	[sflag:s23] =	ssyncadd.s32 $0xFFFFFFFF  }
0xa5: {  	s26 =	simm.s32 $execute0_lowered;
	[smem:$0x3FD2] =	sst s25  }
0xa6: {  	s5 =	sshll.u32 s26, $0x1;
	_ =	strace $0x80000046;
	[dreg:$0x1] =	wrdreg $0xFFFFFFFF  }
0xa7: {  	s28 =	simm.s32 $_size_execute0_lowered;
	s3 =	sadd.s32 s3, s5;
	[dreg:$0x0] =	wrdreg $0x0  }
0xa8: {  	s5 =	sshll.u32 s28, $0x1;
	[dreg:$0x2] =	wrdreg s3  }
0xa9: {  	[dreg:$0x3] =	wrdreg s5  }
0xaa: {  	[dreg:$0x4] =	wrdreg $0xC0  }
0xab: {  	_ =	task [dreg:s7], $0x5FFFF  }
0xac: {  	[dreg:$0x1] =	wrdreg $0xFFFFFFFF  }
0xad: {  	[dreg:$0x0] =	wrdreg $0x60  }
0xae: {  	[dreg:$0x2] =	wrdreg s2  }
0xaf: {  	[dreg:$0x3] =	wrdreg s24  }
0xb0: {  	[dreg:$0x4] =	wrdreg $0x9  }
0xb1: {  	_ =	task.clear_ibuf [dreg:s7], $0x5FFFF;
	_ =	strace $0x90000046  }
0xb2: {  	s29 =	simm.s32 $0x9;
	_ =	strace $0x80000048  }
0xb3: {  	_ =	swait.ge [sflag:s29], $0x1  }
0xb4: {  	[sflag:s29] =	ssyncadd.s32 $0xFFFFFFFF  }
0xb5: {  	_ =	strace $0x90000048  }
0xb6: {  	_ =	sfence  }
0xb7: {  	s30 =	sld [smem:$0x0];
	_ =	sdelay $0x2  }
0xb8: {  	s31 =	sshll.u32 s1, $0xD;
	s1 =	sshrl.u32 s1, $0x2  }
0xb9: {  	s3 =	sand.u32 $0x4000, s31;
	s1 =	sadd.s32 s1, s30  }
0xba: {  	s0 =	sor.u32 s3, s0;
	s1 =	sshll.u32 s1, $0x11  }
0xbb: {  	s0 =	sor.u32 s1, s0  }
0xbc: {  	s0 =	sadd.s32 $0x8F2B, s0  }
0xbd: {  	[sflag:s0] =	ssyncadd.remote.s32 $0x1  }
0xbe: {  	_ =	sfence.sel $0xFFFF  }
0xbf: {  	[dreg:$0x0] =	wrdreg $0xFFFFFFFF;
	(pc) =	sbr.abs _section_cstart, $3  }
0xc0: {  	[dreg:$0x1] =	wrdreg $0xFFFFFFFF  }
0xc1: {  	_ =	task.clear_ibuf [dreg:s7], $0x2FFFF;
	_ =	strace $0x9FFFFFFF  }
0xc2: {  	(tm) =	ssettm $0x7FFFFFFF  }
0xc3: {  	_ =	shalt  }
tec
execute0_lowered:
.L_overlay_start_1:
0x0: {  	(tag) =	ssettag $0x1  }
0x1: {  	s2 =	rddreg [dreg:$0x0]  }
0x2: {  	s4 =	rddreg [dreg:$0x1];
	s5 =	srdreg.scid  }
0x3: {  	s0 =	stileid.u32;
	s3 =	simm.s32 $0x0;
	s18 =	simm.s32 $0x1  }
0x4: {  	s19 =	simm.s32 $0x2;
	s20 =	simm.s32 $0x5100;
	s21 =	simm.s32 $0x6580  }
0x5: {  	s22 =	simm.s32 $0x28;
	s23 =	simm.s32 $0x5180;
	s24 =	simm.s32 $0x6600  }
0x6: {  	s9 =	sand.u32 $0x1, s5;
	s25 =	sshll.u32 s0, $0x1;
	[smem:$0x7FF] =	sst s3  }
0x7: {  	s12 =	sadd.s32 $0x9000, s4;
	s11 =	sadd.s32 $0x4000, s4;
	s14 =	smul.u32 $0x27100, s0  }
0x8: {  	s10 =	sadd.s32 $0x18000, s4;
	s13 =	sadd.s32 $0x289000, s4;
	s15 =	smul.u32 $0x2710, s0  }
0x9: {  	s5 =	sor.u32 s9, s25;
	_ =	strace $0x80000047;
	s16 =	smul.u32 $0x1388, s9  }
0xa: {  	s6 =	ssub.s32 $0x2, s9;
	s17 =	smul.u32 $0x13880, s9;
	s25 =	simm.s32 $0x0  }
0xb: {  	s5 =	smul.u32 $0x1388, s5;
	s26 =	sshrl.u32 s6, $0x1;
	s29 =	sadd.s32 s14, s10  }
0xc: {  	s30 =	sadd.s32 s14, s13;
	s14 =	simm.s32 $0x2880;
	s8 =	ssub.s32 s6, s26  }
0xd: {  	s31 =	sadd.s32 s16, s15;
	s9 =	sadd.s32 s17, s29;
	s5 =	sadd.s32 $0x1360, s5  }
0xe: {  	s15 =	simm.s32 $0x50;
	s16 =	simm.s32 $0x80;
	s28 =	sshrl.u32 s5, $0x3  }
0xf: {  	s8 =	smax.u32 s8, $0x1;
	s7 =	sshll.u32 s5, $0x4;
	s4 =	sadd.s32 s12, s28  }
0x10: {  	s5 =	sadd.s32 s11, s28;
	s6 =	sadd.s32 s10, s7;
	s7 =	sadd.s32 s13, s7  }
0x11: {  	s10 =	sadd.s32 s17, s30;
	s13 =	sshrl.u32 s31, $0x3;
	s17 =	simm.s32 $0x2900  }
0x12: {  	s11 =	sadd.s32 s13, s11;
	s12 =	sadd.s32 s13, s12;
	s13 =	simm.s32 $0x3  }
.LBB2_1:
0x13: {  	s26 =	sadd.s32 $0x0, s12  }
0x14: {  	[tilespmem:s3], [sflag:$0x3] =	stream.linear.gather [hbm4b:s26+s3], $0x50, $0x38;
	[tilespmem:$0x7A00] =	vst v63  }
0x15: {  	_ =	swait.ge [sflag:s13], $0x50  }
0x16: {  	[sflag:s13] =	ssyncset.done $0x0  }
0x17: {  	s31 =	sadd.s32 $0x0, s11;
	[sflag:s13] =	ssyncadd.s32 $0xFFFFFFB0  }
0x18: {  	[tilespmem:s14], [sflag:$0x3] =	stream.linear.gather [hbm4b:s31+s3], $0x50, $0x38;
	[tilespmem:$0x7A00] =	vst v63  }
0x19: {  	_ =	swait.ge [sflag:s13], $0x50  }
0x1a: {  	[sflag:s13] =	ssyncset.done $0x0  }
0x1b: {  	[sflag:s13] =	ssyncadd.s32 $0xFFFFFFB0  }
0x1c: {  	[tilespmem:s16], [sflag:$0x1] =	stream.indirect.gather [hbm4b:s2+s15], $0x80, s3, s15, $0xb8;
	[tilespmem:$0x7A00] =	vst v63  }
0x1d: {  	_ = 	snop  }
0x1e: {  	[tilespmem:s17], [sflag:$0x2] =	stream.indirect.gather [hbm4b:s2+s15], $0x80, s14, s15, $0xb8;
	[tilespmem:$0x7A00] =	vst v63  }
0x1f: {  	_ =	swait.ge [sflag:s18], $0x2800  }
0x20: {  	[sflag:s18] =	ssyncset.done $0x0  }
0x21: {  	[sflag:s18] =	ssyncadd.s32 $0xFFFFD800  }
0x22: {  	_ =	swait.ge [sflag:s19], $0x2800  }
0x23: {  	[sflag:s19] =	ssyncset.done $0x0  }
0x24: {  	[sflag:s19] =	ssyncadd.s32 $0xFFFFD800  }
0x25: {  	[hbm4b:s9+s3] =	stream.linear.scatter [tilespmem:s16], [sflag:$0x3], $0x2800, $0x38;
	[tilespmem:$0x7A00] =	vst v63  }
0x26: {  	_ =	swait.ge [sflag:s13], $0x2800  }
0x27: {  	[sflag:s13] =	ssyncset.done $0x0  }
0x28: {  	[sflag:s13] =	ssyncadd.s32 $0xFFFFD800  }
0x29: {  	[hbm4b:s10+s3] =	stream.linear.scatter [tilespmem:s17], [sflag:$0x3], $0x2800, $0x38;
	[tilespmem:$0x7A00] =	vst v63  }
0x2a: {  	s29 =	simm.s32 $0xA;
	s30 =	simm.s32 $0x14;
	_ =	swait.ge [sflag:s13], $0x2800  }
0x2b: {  	s28 =	sadd.s32 $0x500, s9;
	s26 =	sadd.s32 $0x500, s10;
	[sflag:s13] =	ssyncset.done $0x0  }
.LBB2_2:
0x2c: {  	s31 =	sadd.s32 s29, s12  }
0x2d: {  	[sflag:s13] =	ssyncadd.s32 $0xFFFFD800;
	s0 =	smov.u32 s30;
	s1 =	sadd.s32 $0xA, s30  }
0x2e: {  	[tilespmem:s3], [sflag:$0x3] =	stream.linear.gather [hbm4b:s31+s3], $0x50, $0x38;
	[tilespmem:$0x7A00] =	vst v63  }
0x2f: {  	p0 =	sne.s32 s30, $0x262;
	_ =	swait.ge [sflag:s13], $0x50  }
0x30: {  	[sflag:s13] =	ssyncset.done $0x0  }
0x31: {  	s30 =	sadd.s32 s29, s11;
	s29 =	smov.u32 s0;
	[sflag:s13] =	ssyncadd.s32 $0xFFFFFFB0  }
0x32: {  	[tilespmem:s14], [sflag:$0x3] =	stream.linear.gather [hbm4b:s30+s3], $0x50, $0x38;
	[tilespmem:$0x7A00] =	vst v63  }
0x33: {  	_ =	swait.ge [sflag:s13], $0x50  }
0x34: {  	[sflag:s13] =	ssyncset.done $0x0  }
0x35: {  	[sflag:s13] =	ssyncadd.s32 $0xFFFFFFB0  }
0x36: {  	[tilespmem:s16], [sflag:$0x1] =	stream.indirect.gather [hbm4b:s2+s15], $0x80, s3, s15, $0xb8;
	[tilespmem:$0x7A00] =	vst v63  }
0x37: {  	_ = 	snop  }
0x38: {  	[tilespmem:s17], [sflag:$0x2] =	stream.indirect.gather [hbm4b:s2+s15], $0x80, s14, s15, $0xb8;
	[tilespmem:$0x7A00] =	vst v63  }
0x39: {  	_ =	swait.ge [sflag:s18], $0x2800  }
0x3a: {  	[sflag:s18] =	ssyncset.done $0x0  }
0x3b: {  	[sflag:s18] =	ssyncadd.s32 $0xFFFFD800  }
0x3c: {  	_ =	swait.ge [sflag:s19], $0x2800  }
0x3d: {  	[sflag:s19] =	ssyncset.done $0x0  }
0x3e: {  	[sflag:s19] =	ssyncadd.s32 $0xFFFFD800  }
0x3f: {  	[hbm4b:s28+s3] =	stream.linear.scatter [tilespmem:s16], [sflag:$0x3], $0x2800, $0x38;
	[tilespmem:$0x7A00] =	vst v63  }
0x40: {  	_ =	swait.ge [sflag:s13], $0x2800  }
.Ltmp0:
0x41: {  	[sflag:s13] =	ssyncset.done $0x0;
	(pc) =	sbr.rel @p0 .LBB2_2-.Ltmp0, $4  }
0x42: {  	[sflag:s13] =	ssyncadd.s32 $0xFFFFD800  }
0x43: {  	[hbm4b:s26+s3] =	stream.linear.scatter [tilespmem:s17], [sflag:$0x3], $0x2800, $0x38;
	[tilespmem:$0x7A00] =	vst v63  }
0x44: {  	s30 =	smov.u32 s1;
	_ =	swait.ge [sflag:s13], $0x2800  }
0x45: {  	s28 =	sadd.s32 $0x500, s28;
	s26 =	sadd.s32 $0x500, s26;
	[sflag:s13] =	ssyncset.done $0x0  }
0x46: {  	s0 =	sadd.s32 s29, s12;
	[sflag:s13] =	ssyncadd.s32 $0xFFFFD800  }
0x47: {  	[tilespmem:s3], [sflag:$0x3] =	stream.linear.gather [hbm4b:s0+s3], $0x50, $0x38;
	[tilespmem:$0x7A00] =	vst v63  }
0x48: {  	_ =	swait.ge [sflag:s13], $0x50  }
0x49: {  	[sflag:s13] =	ssyncset.done $0x0  }
0x4a: {  	s31 =	sadd.s32 s29, s11;
	[sflag:s13] =	ssyncadd.s32 $0xFFFFFFB0  }
0x4b: {  	[tilespmem:s14], [sflag:$0x3] =	stream.linear.gather [hbm4b:s31+s3], $0x50, $0x38;
	[tilespmem:$0x7A00] =	vst v63  }
0x4c: {  	_ =	swait.ge [sflag:s13], $0x50  }
0x4d: {  	[sflag:s13] =	ssyncset.done $0x0  }
0x4e: {  	[sflag:s13] =	ssyncadd.s32 $0xFFFFFFB0  }
0x4f: {  	[tilespmem:s16], [sflag:$0x1] =	stream.indirect.gather [hbm4b:s2+s15], $0x80, s3, s15, $0xb8;
	[tilespmem:$0x7A00] =	vst v63  }
0x50: {  	_ = 	snop  }
0x51: {  	[tilespmem:s17], [sflag:$0x2] =	stream.indirect.gather [hbm4b:s2+s15], $0x80, s14, s15, $0xb8;
	[tilespmem:$0x7A00] =	vst v63  }
0x52: {  	_ =	swait.ge [sflag:s18], $0x2800  }
0x53: {  	[sflag:s18] =	ssyncset.done $0x0  }
0x54: {  	[sflag:s18] =	ssyncadd.s32 $0xFFFFD800  }
0x55: {  	_ =	swait.ge [sflag:s19], $0x2800  }
0x56: {  	[sflag:s19] =	ssyncset.done $0x0  }
0x57: {  	[sflag:s19] =	ssyncadd.s32 $0xFFFFD800  }
0x58: {  	[hbm4b:s28+s3] =	stream.linear.scatter [tilespmem:s16], [sflag:$0x3], $0x2800, $0x38;
	[tilespmem:$0x7A00] =	vst v63  }
0x59: {  	_ =	swait.ge [sflag:s13], $0x2800  }
0x5a: {  	[sflag:s13] =	ssyncset.done $0x0  }
0x5b: {  	[sflag:s13] =	ssyncadd.s32 $0xFFFFD800  }
0x5c: {  	[hbm4b:s26+s3] =	stream.linear.scatter [tilespmem:s17], [sflag:$0x3], $0x2800, $0x38;
	[tilespmem:$0x7A00] =	vst v63  }
0x5d: {  	_ =	swait.ge [sflag:s13], $0x2800  }
0x5e: {  	[sflag:s13] =	ssyncset.done $0x0  }
0x5f: {  	[sflag:s13] =	ssyncadd.s32 $0xFFFFD800  }
0x60: {  	[tilespmem:s20], [sflag:$0x3] =	stream.linear.gather [hbm4b:s4+s3], $0x28, $0x38;
	[tilespmem:$0x7A00] =	vst v63  }
0x61: {  	_ =	swait.ge [sflag:s13], $0x28  }
0x62: {  	[sflag:s13] =	ssyncset.done $0x0  }
0x63: {  	[sflag:s13] =	ssyncadd.s32 $0xFFFFFFD8  }
0x64: {  	[tilespmem:s21], [sflag:$0x3] =	stream.linear.gather [hbm4b:s5+s3], $0x28, $0x38;
	[tilespmem:$0x7A00] =	vst v63  }
0x65: {  	_ =	swait.ge [sflag:s13], $0x28  }
0x66: {  	[sflag:s13] =	ssyncset.done $0x0  }
0x67: {  	[sflag:s13] =	ssyncadd.s32 $0xFFFFFFD8  }
0x68: {  	[tilespmem:s23], [sflag:$0x1] =	stream.indirect.gather [hbm4b:s2+s22], $0x80, s20, s22, $0xb8;
	[tilespmem:$0x7A00] =	vst v63  }
0x69: {  	_ = 	snop  }
0x6a: {  	[tilespmem:s24], [sflag:$0x2] =	stream.indirect.gather [hbm4b:s2+s22], $0x80, s21, s22, $0xb8;
	[tilespmem:$0x7A00] =	vst v63  }
0x6b: {  	_ =	swait.ge [sflag:s18], $0x1400  }
0x6c: {  	[sflag:s18] =	ssyncset.done $0x0  }
0x6d: {  	[sflag:s18] =	ssyncadd.s32 $0xFFFFEC00  }
0x6e: {  	_ =	swait.ge [sflag:s19], $0x1400  }
0x6f: {  	[sflag:s19] =	ssyncset.done $0x0  }
0x70: {  	[sflag:s19] =	ssyncadd.s32 $0xFFFFEC00  }
0x71: {  	[hbm4b:s6+s3] =	stream.linear.scatter [tilespmem:s23], [sflag:$0x3], $0x1400, $0x38;
	[tilespmem:$0x7A00] =	vst v63  }
0x72: {  	s25 =	sadd.s32 $0x1, s25;
	_ =	swait.ge [sflag:s13], $0x1400  }
0x73: {  	p0 =	sne.s32 s25, s8;
	[sflag:s13] =	ssyncset.done $0x0  }
.Ltmp1:
0x74: {  	[sflag:s13] =	ssyncadd.s32 $0xFFFFEC00;
	(pc) =	sbr.rel @p0 .LBB2_1-.Ltmp1, $4  }
0x75: {  	[hbm4b:s7+s3] =	stream.linear.scatter [tilespmem:s24], [sflag:$0x3], $0x1400, $0x38;
	[tilespmem:$0x7A00] =	vst v63  }
0x76: {  	_ =	swait.ge [sflag:s13], $0x1400  }
0x77: {  	[sflag:s13] =	ssyncset.done $0x0  }
0x78: {  	[sflag:s13] =	ssyncadd.s32 $0xFFFFEC00  }
0x79: {  	_ =	sfence.sel $0x180000  }
0x7a: {  	[bflag:$0x0] =	sbarrier.arrive $0xFFFF  }
0x7b: {  	_ =	strace $0x90000047  }
0x7c: {  	s0 =	stileid.u32;
	[bflag:$0x2] =	sbarrier.arrive $0xFFFF  }
0x7d: {  	p0 =	sne.s32 s0, $0x0;
	s0 =	rddreg [dreg:$0x2]  }
0x7e: {  	s0 =	sadd.s32 @!p0 $0x100000, s0  }
0x7f: {  	[sflag:s0] =	ssyncadd.tile.s32 @!p0 $0x1;
	_ =	shalt  }
.Lfunc_end2:
_tile_overlayer_lowered:
.L_overlay_start_2:
0x80: {  	(tag) =	ssettag $0x2  }
0x81: {  	s0 =	rddreg [dreg:$0x0];
	s2 =	stileid.u32  }
0x82: {  	s1 =	rddreg [dreg:$0x1];
	p0 =	sne.s32 s2, $0x0  }
0x83: {  	s3 =	rddreg [dreg:$0x2];
	[bflag:$0x3] =	sbarrier.arrive $0xFFFF;
	s2 =	simm.s32 @!p0 $0x1C03  }
0x84: {  	[timem:s3], [sflag:s2] =	dma.local @!p0 [hbm:s0], s1  }
0x85: {  	s0 =	simm.s32 @!p0 $0x3  }
0x86: {  	_ =	swait.ge @!p0 [sflag:s0], s1  }
0x87: {  	s1 =	ssub.s32 @!p0 $0x0, s1;
	[sflag:s0] =	ssyncset.done @!p0 $0x0  }
0x88: {  	[sflag:s0] =	ssyncadd.s32 @!p0 s1  }
0x89: {  	[bflag:$0x3] =	sbarrier.arrive $0xFFFF  }
0x8a: {  	_ =	shalt  }

// kernel: kernel.14.cloned.1.call-start
scs
__scs_entry_jumppad:
0x0: {  	(pc) =	sbr.rel $0x88, $3  }
0x1: {  	(tag) =	ssettag $0x0;
	lr =	simm.s32 $0x1  }
0x2: {  	[smem:$0x3F92] =	sst lr;
	_ =	strace $0xD0000000  }
0x3: {  	_ = 	snop  }
0x4: {  	_ = 	snop  }
0x5: {  	_ = 	snop  }
0x6: {  	_ = 	snop  }
0x7: {  	_ = 	snop  }
__scs_overlays_trampoline_lowered:
0x8: {  	[smem:$0x3FA1] =	sst s0  }
0x9: {  	[smem:$0x3FA2] =	sst s1  }
0xa: {  	[smem:$0x3FA3] =	sst s2  }
0xb: {  	[smem:$0x3FA4] =	sst s3  }
0xc: {  	[smem:$0x3FA5] =	sst s4  }
0xd: {  	[smem:$0x3FA6] =	sst s5  }
0xe: {  	[smem:$0x3FA7] =	sst s6  }
0xf: {  	[smem:$0x3FA8] =	sst s7  }
0x10: {  	[smem:$0x3FA9] =	sst s8  }
0x11: {  	[smem:$0x3FAA] =	sst s9;
	s0 =	simm.s32 @!p0 $0x0  }
0x12: {  	s1 =	sld [smem:$0x3F90];
	s0 =	simm.s32 @p0 $0x1  }
0x13: {  	[smem:$0x3FAB] =	sst s0;
	s0 =	simm.s32 @!p1 $0x0  }
0x14: {  	s2 =	sld [smem:$0x3F8F];
	s0 =	simm.s32 @p1 $0x1  }
0x15: {  	[smem:$0x3FAC] =	sst s0;
	s0 =	simm.s32 @!p2 $0x0  }
0x16: {  	s3 =	sld [smem:$0x3FDB];
	s0 =	simm.s32 @p2 $0x1  }
0x17: {  	s4 =	simm.s32 $0x1BF5;
	[smem:$0x3FAE] =	sst s0  }
0x18: {  	s0 =	sld [smem:$0x3F91];
	_ =	swait.ge [sflag:s4], $0x0  }
0x19: {  	s7 =	sld [smem:$0x3F92]  }
0x1a: {  	s8 =	sadd.s32 $0xFFFFE003, lr  }
0x1b: {  	s9 =	sadd.s32 $0xFFFFFEF7, lr;
	s5 =	simm.s32 $0xFFFFFFFF;
	p2 =	slt.u32 s8, $0xFFFFF086  }
0x1c: {  	p1 =	slt.u32 s9, $0xF7A;
	s5 =	simm.s32 @!p2 $0x0  }
0x1d: {  	s5 =	simm.s32 @p1 $0x1;
	p0 =	seq.s32 s7, s2  }
0x1e: {  	s7 =	smul.u32 @!p0 $0xF7A, s2;
	p2 =	seq.s32 @!p0 s5, $0x0  }
0x1f: {  	s9 =	smul.u32 $0xF7A, s1;
	s8 =	simm.s32 @!p0 $0x1BF5;
	p2 =	por !p2, p0  }
0x20: {  	[sflag:s8] =	ssyncset.s32 @!p0 $0xFFFFF086;
	s6 =	sadd.s32 @!p0 s3, s7;
	s7 =	simm.s32 @!p0 $0x108  }
0x21: {  	s3 =	sadd.s32 s3, s9;
	s6 =	sadd.s32 @!p0 $0x88, s6;
	s7 =	simm.s32 @p2 $0x1082  }
0x22: {  	[simem:s7], [sflag:s8] =	dma.local @!p0 [hbm:s6], $0xF7A  }
0x23: {  	s9 =	sor.u32 $0xD0000000, s2;
	s6 =	simm.s32 $0x108;
	_ =	swait.ge @!p0 [sflag:s8], $0x0  }
0x24: {  	s3 =	sadd.s32 $0x88, s3;
	s6 =	simm.s32 @!p1 $0x1082;
	[sflag:s4] =	ssyncset.s32 $0xFFFFF086  }
0x25: {  	[simem:s6], [sflag:s4] =	dma.local [hbm:s3], $0xF7A  }
0x26: {  	[smem:$0x3F92] =	sst s1;
	(tag) =	ssettag s2;
	_ =	strace s9  }
0x27: {  	s1 =	sld [smem:$0x3FA2]  }
0x28: {  	s2 =	sld [smem:$0x3FA3]  }
0x29: {  	s4 =	sld [smem:$0x3FA5]  }
0x2a: {  	p0 =	seq.s32 s5, $0x0;
	s5 =	sld [smem:$0x3FA6]  }
0x2b: {  	s6 =	sld [smem:$0x3FA7]  }
0x2c: {  	s7 =	sld [smem:$0x3FA8]  }
0x2d: {  	s3 =	simm.s32 $0x108;
	s8 =	sld [smem:$0x3FA9]  }
0x2e: {  	s3 =	simm.s32 @!p0 $0x1082;
	s9 =	sld [smem:$0x3FAA]  }
0x2f: {  	lr =	sadd.s32 s0, s3;
	s0 =	sld [smem:$0x3FA1]  }
0x30: {  	s3 =	sld [smem:$0x3FA4]  }
0x31: {  	[smem:$0x3FAD] =	sst s10  }
0x32: {  	s10 =	sld [smem:$0x3FAB];
	_ =	sdelay $0x3  }
0x33: {  	p0 =	seq.s32 s10, $0x1;
	s10 =	sld [smem:$0x3FAD];
	_ =	sdelay $0x3  }
0x34: {  	[smem:$0x3FAD] =	sst s10  }
0x35: {  	s10 =	sld [smem:$0x3FAC];
	_ =	sdelay $0x3  }
0x36: {  	p1 =	seq.s32 s10, $0x1;
	s10 =	sld [smem:$0x3FAD];
	_ =	sdelay $0x3  }
0x37: {  	[smem:$0x3FAD] =	sst s10  }
0x38: {  	s10 =	sld [smem:$0x3FAE]  }
0x39: {  	_ = 	snop;
	(pc) =	sbr.ind lr, $3  }
0x3a: {  	_ = 	snop  }
0x3b: {  	_ = 	snop  }
0x3c: {  	p2 =	seq.s32 s10, $0x1;
	s10 =	sld [smem:$0x3FAD]  }
0x3d: {  	_ =	shalt  }
0x3e: {  	_ =	shalt  }
0x3f: {  	_ =	shalt  }
0x40: {  	_ =	shalt  }
0x41: {  	_ =	shalt  }
0x42: {  	_ =	shalt  }
0x43: {  	_ =	shalt  }
0x44: {  	_ =	shalt  }
0x45: {  	_ =	shalt  }
0x46: {  	_ =	shalt  }
0x47: {  	_ =	shalt  }
0x48: {  	_ =	shalt  }
0x49: {  	_ =	shalt  }
0x4a: {  	_ =	shalt  }
0x4b: {  	_ =	shalt  }
0x4c: {  	_ =	shalt  }
0x4d: {  	_ =	shalt  }
0x4e: {  	_ =	shalt  }
0x4f: {  	_ =	shalt  }
0x50: {  	_ =	shalt  }
0x51: {  	_ =	shalt  }
0x52: {  	_ =	shalt  }
0x53: {  	_ =	shalt  }
0x54: {  	_ =	shalt  }
0x55: {  	_ =	shalt  }
0x56: {  	_ =	shalt  }
0x57: {  	_ =	shalt  }
0x58: {  	_ =	shalt  }
0x59: {  	_ =	shalt  }
0x5a: {  	_ =	shalt  }
0x5b: {  	_ =	shalt  }
0x5c: {  	_ =	shalt  }
0x5d: {  	_ =	shalt  }
0x5e: {  	_ =	shalt  }
0x5f: {  	_ =	shalt  }
0x60: {  	_ =	shalt  }
0x61: {  	_ =	shalt  }
0x62: {  	_ =	shalt  }
0x63: {  	_ =	shalt  }
0x64: {  	_ =	shalt  }
0x65: {  	_ =	shalt  }
0x66: {  	_ =	shalt  }
0x67: {  	_ =	shalt  }
0x68: {  	_ =	shalt  }
0x69: {  	_ =	shalt  }
0x6a: {  	_ =	shalt  }
0x6b: {  	_ =	shalt  }
0x6c: {  	_ =	shalt  }
0x6d: {  	_ =	shalt  }
0x6e: {  	_ =	shalt  }
0x6f: {  	_ =	shalt  }
0x70: {  	_ =	shalt  }
0x71: {  	_ =	shalt  }
0x72: {  	_ =	shalt  }
0x73: {  	_ =	shalt  }
0x74: {  	_ =	shalt  }
0x75: {  	_ =	shalt  }
0x76: {  	_ =	shalt  }
0x77: {  	_ =	shalt  }
0x78: {  	_ =	shalt  }
0x79: {  	_ =	shalt  }
0x7a: {  	_ =	shalt  }
0x7b: {  	_ =	shalt  }
0x7c: {  	_ =	shalt  }
0x7d: {  	_ =	shalt  }
0x7e: {  	_ =	shalt  }
0x7f: {  	_ =	shalt  }
0x80: {  	_ =	shalt  }
0x81: {  	_ =	shalt  }
0x82: {  	_ =	shalt  }
0x83: {  	_ =	shalt  }
0x84: {  	_ =	shalt  }
0x85: {  	_ =	shalt  }
0x86: {  	_ =	shalt  }
0x87: {  	_ =	shalt  }
.Lfunc_end0:
.L_simem_size_0:
called_computation.1_lowered:
.L_overlay_start_0:
0x88: {  	s2 =	sld [smem:$0x3FD9]  }
0x89: {  	s3 =	sld [smem:$0x3FFE];
	_ =	sdelay $0x1  }
0x8a: {  	s1 =	srdreg.scid  }
0x8b: {  	s0 =	sand.u32 $0x1, s1  }
0x8c: {  	s17 =	sshll.u32 s0, $0xA;
	s2 =	sadd.s32 s3, s2  }
0x8d: {  	s2 =	sadd.s32 s2, s17  }
0x8e: {  	[smem:$0x3FB9] =	sst s2  }
0x8f: {  	_ = 	snop  }
0x90: {  	(tm) =	ssettm $0x1  }
0x91: {  	s18 =	sld [smem:$0x3FFB];
	_ =	sdelay $0x3  }
0x92: {  	_ =	strace s18  }
0x93: {  	s2 =	sld [smem:$0x3FFC];
	_ =	sdelay $0x3  }
0x94: {  	_ =	strace s2  }
0x95: {  	s2 =	sld [smem:$0x3FFD];
	_ =	sdelay $0x3  }
0x96: {  	_ =	strace s2  }
0x97: {  	_ =	strace $0x8FFFFFFF  }
0x98: {  	s19 =	sld [smem:$0x3FDB];
	_ =	sdelay $0x1  }
0x99: {  	s20 =	simm.s32 $_scs_section_size  }
0x9a: {  	s4 =	simm.s32 $_size__tile_overlayer_lowered;
	s5 =	simm.s32 $_tile_overlayer_lowered  }
0x9b: {  	s6 =	simm.s32 $0x1BFF;
	s21 =	sshll.u32 s5, $0x1;
	s3 =	sadd.s32 s20, s19  }
0x9c: {  	s22 =	simm.s32 $0x0;
	s4 =	sshll.u32 s4, $0x1;
	s5 =	sadd.s32 s21, s3  }
0x9d: {  	[timem:s22], [sflag:s6] =	dma.local [hbm:s5], s4  }
0x9e: {  	_ =	swait.ge [sflag:s6], s4  }
0x9f: {  	s4 =	ssub.s32 $0x0, s4;
	[sflag:s6] =	ssyncset.done $0x0  }
0xa0: {  	[sflag:s6] =	ssyncadd.s32 s4;
	_ =	sdelay $0x1  }
0xa1: {  	s23 =	simm.s32 $0x1B8B  }
0xa2: {  	_ =	swait.ge [sflag:s23], $0x1  }
0xa3: {  	[sflag:s23] =	ssyncset.done $0x0  }
0xa4: {  	[sflag:s23] =	ssyncadd.s32 $0xFFFFFFFF  }
0xa5: {  	s4 =	sld [smem:$0x0]  }
0xa6: {  	s5 =	sand.u32 $0xFFFFFFFE, s1  }
0xa7: {  	p0 =	sne.s32 s1, s5  }
0xa8: {  	s5 =	sshll.u32 @p0 s5, $0xE  }
0xa9: {  	s5 =	sadd.s32 @p0 $0x11B8D, s5;
	s6 =	sshll.u32 @p0 s4, $0x11  }
0xaa: {  	s5 =	sor.u32 @p0 s6, s5  }
0xab: {  	[sflag:s5] =	ssyncadd.remote.s32 @p0 $0x1;
	_ =	sdelay $0x1  }
0xac: {  	s5 =	simm.s32 @p0 $0x1B8D  }
0xad: {  	_ =	swait.eq @p0 [sflag:s5], $0x1  }
0xae: {  	[sflag:s5] =	ssyncadd.s32 @p0 $0xFFFFFFFF  }
0xaf: {  	s6 =	sshll.u32 @!p0 s1, $0xE  }
0xb0: {  	s6 =	sor.u32 @!p0 $0x4000, s6;
	s5 =	simm.s32 @!p0 $0x1B8D  }
0xb1: {  	s4 =	sshll.u32 @!p0 s4, $0x11;
	s6 =	sadd.s32 @!p0 $0x11B8D, s6;
	_ =	swait.eq @!p0 [sflag:s5], $0x1  }
0xb2: {  	s4 =	sor.u32 @!p0 s4, s6;
	[sflag:s5] =	ssyncadd.s32 @!p0 $0xFFFFFFFF  }
0xb3: {  	s25 =	simm.s32 $0x1B8E;
	s24 =	sld [smem:$0x3FFE];
	[sflag:s4] =	ssyncadd.remote.s32 @!p0 $0x1  }
0xb4: {  	s26 =	simm.s32 $execute0_lowered;
	[smem:$0x3FD2] =	sst s25  }
0xb5: {  	s5 =	sshll.u32 s26, $0x1;
	_ =	strace $0x8000004C;
	[dreg:$0x1] =	wrdreg $0xFFFFFFFF  }
0xb6: {  	s28 =	simm.s32 $_size_execute0_lowered;
	s3 =	sadd.s32 s3, s5;
	[dreg:$0x0] =	wrdreg $0x0  }
0xb7: {  	s5 =	sshll.u32 s28, $0x1;
	[dreg:$0x2] =	wrdreg s3  }
0xb8: {  	[dreg:$0x3] =	wrdreg s5  }
0xb9: {  	[dreg:$0x4] =	wrdreg $0xC0  }
0xba: {  	_ =	task [dreg:s22], $0x5FFFF  }
0xbb: {  	[dreg:$0x1] =	wrdreg $0xFFFFFFFF  }
0xbc: {  	[dreg:$0x0] =	wrdreg $0x60  }
0xbd: {  	[dreg:$0x2] =	wrdreg s24  }
0xbe: {  	[dreg:$0x3] =	wrdreg $0x0  }
0xbf: {  	[dreg:$0x4] =	wrdreg $0x9  }
0xc0: {  	_ =	task.clear_ibuf [dreg:s22], $0x5FFFF;
	_ =	strace $0x9000004C  }
0xc1: {  	s29 =	simm.s32 $0x9;
	_ =	strace $0x8000004E  }
0xc2: {  	_ =	swait.ge [sflag:s29], $0x1  }
0xc3: {  	[sflag:s29] =	ssyncadd.s32 $0xFFFFFFFF  }
0xc4: {  	_ =	strace $0x9000004E  }
0xc5: {  	_ =	sfence  }
0xc6: {  	s30 =	sld [smem:$0x0];
	_ =	sdelay $0x2  }
0xc7: {  	s31 =	sshll.u32 s1, $0xD;
	s1 =	sshrl.u32 s1, $0x2  }
0xc8: {  	s4 =	sand.u32 $0x4000, s31;
	s1 =	sadd.s32 s1, s30  }
0xc9: {  	s0 =	sor.u32 s4, s0;
	s1 =	sshll.u32 s1, $0x11  }
0xca: {  	s0 =	sor.u32 s1, s0  }
0xcb: {  	s0 =	sadd.s32 $0x8F2B, s0  }
0xcc: {  	[sflag:s0] =	ssyncadd.remote.s32 $0x1  }
0xcd: {  	_ =	sfence.sel $0xFFFF  }
0xce: {  	[dreg:$0x0] =	wrdreg $0xFFFFFFFF;
	(pc) =	sbr.abs _section_cstart, $3  }
0xcf: {  	[dreg:$0x1] =	wrdreg $0xFFFFFFFF  }
0xd0: {  	_ =	task.clear_ibuf [dreg:s22], $0x2FFFF;
	_ =	strace $0x9FFFFFFF  }
0xd1: {  	(tm) =	ssettm $0x7FFFFFFF  }
tec
execute0_lowered:
.L_overlay_start_1:
0x0: {  	(tag) =	ssettag $0x1  }
0x1: {  	s0 =	rddreg [dreg:$0x0]  }
0x2: {  	s1 =	rddreg [dreg:$0x1]  }
0x3: {  	s3 =	simm.s32 $0x0;
	s2 =	srdreg.scid;
	s4 =	stileid.u32  }
0x4: {  	s28 =	simm.s32 $0x1A600;
	s15 =	sadd.s32 $0x785C00, s0;
	s5 =	smul.u32 $0x2800, s4  }
0x5: {  	s29 =	simm.s32 $0x0;
	s14 =	sadd.s32 $0x780C00, s0;
	s8 =	smul.u32 $0x50000, s4  }
0x6: {  	[smem:$0x7FF] =	sst s3;
	s12 =	sadd.s32 $0x9FBC00, s0;
	s18 =	smul.u32 $0x1388, s4  }
0x7: {  	s2 =	sand.u32 $0x1, s2;
	s13 =	sadd.s32 $0xC6CC00, s0;
	s30 =	smul.u32 $0x13880, s4  }
0x8: {  	s7 =	sadd.s32 $0x4000, s0;
	s23 =	sshll.u32 s4, $0x6;
	s6 =	smul.u32 $0x28000, s2  }
0x9: {  	_ =	strace $0x8000004D;
	[dreg:$0x3] =	wrdreg s7;
	s17 =	smul.u32 $0x138800, s2  }
0xa: {  	s19 =	sshll.u32 s2, $0x4;
	s20 =	ssub.s32 $0x2, s2;
	s2 =	smul.u32 $0x13880, s2  }
0xb: {  	s21 =	sshrl.u32 s20, $0x1;
	s22 =	sshrl.u32 s8, $0x2;
	s5 =	sadd.s32 s5, s6  }
0xc: {  	s6 =	sor.u32 s4, s19;
	s11 =	ssub.s32 s20, s21;
	s16 =	sadd.s32 s22, s1  }
0xd: {  	s2 =	sadd.s32 s18, s2;
	s18 =	simm.s32 $0x14000;
	s19 =	simm.s32 $0x14080  }
0xe: {  	s20 =	simm.s32 $0x50;
	s21 =	simm.s32 $0x16880;
	s6 =	smul.u32 $0x1388, s6  }
0xf: {  	s22 =	simm.s32 $0x16900;
	s0 =	sadd.s32 s5, s0;
	s5 =	sor.u32 $0x1C01, s23  }
0x10: {  	s11 =	smax.u32 s11, $0x1;
	s31 =	sshrl.u32 s2, $0x3;
	s6 =	sadd.s32 $0x1360, s6  }
0x11: {  	s16 =	sshrl.u32 s16, $0x3;
	s23 =	simm.s32 $0x19100;
	s24 =	sshrl.u32 s6, $0x3  }
0x12: {  	s10 =	sadd.s32 $0x18000, s0;
	s9 =	sshll.u32 s6, $0x4;
	s25 =	sadd.s32 s15, s24  }
0x13: {  	s26 =	sadd.s32 s12, s9;
	s8 =	sadd.s32 s14, s24;
	s9 =	sadd.s32 s13, s9  }
0x14: {  	s12 =	sadd.s32 s17, s12;
	s13 =	sadd.s32 s17, s13;
	s14 =	sadd.s32 s31, s14  }
0x15: {  	s15 =	sadd.s32 s31, s15;
	s17 =	simm.s32 $0x1;
	[dreg:$0x4] =	wrdreg s25  }
0x16: {  	s24 =	simm.s32 $0x19180;
	[dreg:$0x5] =	wrdreg s26;
	s12 =	sadd.s32 s30, s12  }
0x17: {  	s13 =	sadd.s32 s30, s13;
	s25 =	simm.s32 $0x28;
	s26 =	simm.s32 $0x1A580  }
.LBB2_1:
0x18: {  	s0 =	rddreg [dreg:$0x3]  }
0x19: {  	[spmem:s16], [sflag:s5] =	dma.local [hbm:s0], $0x2800  }
0x1a: {  	_ =	swait.ge [sflag:s17], $0x2800  }
0x1b: {  	[sflag:s17] =	ssyncset.done $0x0  }
0x1c: {  	[sflag:s17] =	ssyncadd.s32 $0xFFFFD800  }
0x1d: {  	s6 =	sadd.s32 $0x0, s15;
	[bflag:$0x0] =	sbarrier.arrive $0xFFFF  }
0x1e: {  	[tilespmem:s18], [sflag:$0x1] =	stream.linear.gather [hbm4b:s6+s3], $0x50, $0x38;
	[tilespmem:$0x1BA00] =	vst v63  }
0x1f: {  	_ =	swait.ge [sflag:s17], $0x50  }
0x20: {  	[sflag:s17] =	ssyncset.done $0x0  }
0x21: {  	[sflag:s17] =	ssyncadd.s32 $0xFFFFFFB0  }
0x22: {  	[tilespmem:s19], [sflag:$0x1] =	stream.linear.gather [hbm4b:s12+s3], $0x2800, $0x38;
	[tilespmem:$0x1BA00] =	vst v63  }
0x23: {  	_ =	swait.ge [sflag:s17], $0x2800  }
0x24: {  	[sflag:s17] =	ssyncset.done $0x0  }
0x25: {  	[sflag:s17] =	ssyncadd.s32 $0xFFFFD800  }
0x26: {  	[spmem:s1] =	stream.indirect.scatter.add.f32 [tilespmem:s19], [sflag:$0x1], $0x80, s18, s20, $0xb8;
	[tilespmem:$0x1BA00] =	vst v63  }
0x27: {  	_ =	swait.ge [sflag:s17], $0x2800  }
0x28: {  	[sflag:s17] =	ssyncset.done $0x0  }
0x29: {  	s7 =	sadd.s32 $0x0, s14;
	[sflag:s17] =	ssyncadd.s32 $0xFFFFD800  }
0x2a: {  	[tilespmem:s21], [sflag:$0x1] =	stream.linear.gather [hbm4b:s7+s3], $0x50, $0x38;
	[tilespmem:$0x1BA00] =	vst v63  }
0x2b: {  	_ =	swait.ge [sflag:s17], $0x50  }
0x2c: {  	[sflag:s17] =	ssyncset.done $0x0  }
0x2d: {  	[sflag:s17] =	ssyncadd.s32 $0xFFFFFFB0  }
0x2e: {  	[tilespmem:s22], [sflag:$0x1] =	stream.linear.gather [hbm4b:s13+s3], $0x2800, $0x38;
	[tilespmem:$0x1BA00] =	vst v63  }
0x2f: {  	_ =	swait.ge [sflag:s17], $0x2800  }
0x30: {  	[sflag:s17] =	ssyncset.done $0x0  }
0x31: {  	[sflag:s17] =	ssyncadd.s32 $0xFFFFD800  }
0x32: {  	[spmem:s1] =	stream.indirect.scatter.add.f32 [tilespmem:s22], [sflag:$0x1], $0x80, s21, s20, $0xb8;
	[tilespmem:$0x1BA00] =	vst v63  }
0x33: {  	s31 =	simm.s32 $0xA;
	s2 =	simm.s32 $0x14;
	_ =	swait.ge [sflag:s17], $0x2800  }
0x34: {  	s30 =	sadd.s32 $0x500, s13;
	s0 =	sadd.s32 $0x500, s12;
	[sflag:s17] =	ssyncset.done $0x0  }
.LBB2_2:
0x35: {  	s4 =	sadd.s32 s31, s15  }
0x36: {  	[sflag:s17] =	ssyncadd.s32 $0xFFFFD800;
	s6 =	smov.u32 s2;
	s7 =	sadd.s32 $0xA, s2  }
0x37: {  	[tilespmem:s18], [sflag:$0x1] =	stream.linear.gather [hbm4b:s4+s3], $0x50, $0x38;
	[tilespmem:$0x1BA00] =	vst v63  }
0x38: {  	p0 =	sne.s32 s2, $0x262;
	_ =	swait.ge [sflag:s17], $0x50  }
0x39: {  	[sflag:s17] =	ssyncset.done $0x0  }
0x3a: {  	[sflag:s17] =	ssyncadd.s32 $0xFFFFFFB0  }
0x3b: {  	[tilespmem:s19], [sflag:$0x1] =	stream.linear.gather [hbm4b:s0+s3], $0x2800, $0x38;
	[tilespmem:$0x1BA00] =	vst v63  }
0x3c: {  	_ =	swait.ge [sflag:s17], $0x2800  }
0x3d: {  	[sflag:s17] =	ssyncset.done $0x0  }
0x3e: {  	[sflag:s17] =	ssyncadd.s32 $0xFFFFD800  }
0x3f: {  	[spmem:s1] =	stream.indirect.scatter.add.f32 [tilespmem:s19], [sflag:$0x1], $0x80, s18, s20, $0xb8;
	[tilespmem:$0x1BA00] =	vst v63  }
0x40: {  	_ =	swait.ge [sflag:s17], $0x2800  }
0x41: {  	[sflag:s17] =	ssyncset.done $0x0  }
0x42: {  	s2 =	sadd.s32 s31, s14;
	s31 =	smov.u32 s6;
	[sflag:s17] =	ssyncadd.s32 $0xFFFFD800  }
0x43: {  	[tilespmem:s21], [sflag:$0x1] =	stream.linear.gather [hbm4b:s2+s3], $0x50, $0x38;
	[tilespmem:$0x1BA00] =	vst v63  }
0x44: {  	_ =	swait.ge [sflag:s17], $0x50  }
0x45: {  	[sflag:s17] =	ssyncset.done $0x0  }
0x46: {  	[sflag:s17] =	ssyncadd.s32 $0xFFFFFFB0  }
0x47: {  	[tilespmem:s22], [sflag:$0x1] =	stream.linear.gather [hbm4b:s30+s3], $0x2800, $0x38;
	[tilespmem:$0x1BA00] =	vst v63  }
0x48: {  	_ =	swait.ge [sflag:s17], $0x2800  }
.Ltmp0:
0x49: {  	[sflag:s17] =	ssyncset.done $0x0;
	(pc) =	sbr.rel @p0 .LBB2_2-.Ltmp0, $4  }
0x4a: {  	[sflag:s17] =	ssyncadd.s32 $0xFFFFD800  }
0x4b: {  	[spmem:s1] =	stream.indirect.scatter.add.f32 [tilespmem:s22], [sflag:$0x1], $0x80, s21, s20, $0xb8;
	[tilespmem:$0x1BA00] =	vst v63  }
0x4c: {  	s0 =	sadd.s32 $0x500, s0;
	_ =	swait.ge [sflag:s17], $0x2800  }
0x4d: {  	s2 =	smov.u32 s7;
	s30 =	sadd.s32 $0x500, s30;
	[sflag:s17] =	ssyncset.done $0x0  }
0x4e: {  	s2 =	sadd.s32 s31, s15;
	[sflag:s17] =	ssyncadd.s32 $0xFFFFD800  }
0x4f: {  	[tilespmem:s18], [sflag:$0x1] =	stream.linear.gather [hbm4b:s2+s3], $0x50, $0x38;
	[tilespmem:$0x1BA00] =	vst v63  }
0x50: {  	_ =	swait.ge [sflag:s17], $0x50  }
0x51: {  	[sflag:s17] =	ssyncset.done $0x0  }
0x52: {  	[sflag:s17] =	ssyncadd.s32 $0xFFFFFFB0  }
0x53: {  	[tilespmem:s19], [sflag:$0x1] =	stream.linear.gather [hbm4b:s0+s3], $0x2800, $0x38;
	[tilespmem:$0x1BA00] =	vst v63  }
0x54: {  	_ =	swait.ge [sflag:s17], $0x2800  }
0x55: {  	[sflag:s17] =	ssyncset.done $0x0  }
0x56: {  	[sflag:s17] =	ssyncadd.s32 $0xFFFFD800  }
0x57: {  	[spmem:s1] =	stream.indirect.scatter.add.f32 [tilespmem:s19], [sflag:$0x1], $0x80, s18, s20, $0xb8;
	[tilespmem:$0x1BA00] =	vst v63  }
0x58: {  	_ =	swait.ge [sflag:s17], $0x2800  }
0x59: {  	[sflag:s17] =	ssyncset.done $0x0  }
0x5a: {  	s7 =	sadd.s32 s31, s14;
	[sflag:s17] =	ssyncadd.s32 $0xFFFFD800  }
0x5b: {  	[tilespmem:s21], [sflag:$0x1] =	stream.linear.gather [hbm4b:s7+s3], $0x50, $0x38;
	[tilespmem:$0x1BA00] =	vst v63  }
0x5c: {  	_ =	swait.ge [sflag:s17], $0x50  }
0x5d: {  	[sflag:s17] =	ssyncset.done $0x0  }
0x5e: {  	[sflag:s17] =	ssyncadd.s32 $0xFFFFFFB0  }
0x5f: {  	[tilespmem:s22], [sflag:$0x1] =	stream.linear.gather [hbm4b:s30+s3], $0x2800, $0x38;
	[tilespmem:$0x1BA00] =	vst v63  }
0x60: {  	_ =	swait.ge [sflag:s17], $0x2800  }
0x61: {  	[sflag:s17] =	ssyncset.done $0x0  }
0x62: {  	[sflag:s17] =	ssyncadd.s32 $0xFFFFD800  }
0x63: {  	[spmem:s1] =	stream.indirect.scatter.add.f32 [tilespmem:s22], [sflag:$0x1], $0x80, s21, s20, $0xb8;
	[tilespmem:$0x1BA00] =	vst v63  }
0x64: {  	_ =	swait.ge [sflag:s17], $0x2800  }
0x65: {  	[sflag:s17] =	ssyncset.done $0x0  }
0x66: {  	s30 =	rddreg [dreg:$0x4];
	[sflag:s17] =	ssyncadd.s32 $0xFFFFD800  }
0x67: {  	[tilespmem:s23], [sflag:$0x1] =	stream.linear.gather [hbm4b:s30+s3], $0x28, $0x38;
	[tilespmem:$0x1BA00] =	vst v63  }
0x68: {  	_ =	swait.ge [sflag:s17], $0x28  }
0x69: {  	[sflag:s17] =	ssyncset.done $0x0  }
0x6a: {  	s31 =	rddreg [dreg:$0x5];
	[sflag:s17] =	ssyncadd.s32 $0xFFFFFFD8  }
0x6b: {  	[tilespmem:s24], [sflag:$0x1] =	stream.linear.gather [hbm4b:s31+s3], $0x1400, $0x38;
	[tilespmem:$0x1BA00] =	vst v63  }
0x6c: {  	_ =	swait.ge [sflag:s17], $0x1400  }
0x6d: {  	[sflag:s17] =	ssyncset.done $0x0  }
0x6e: {  	[sflag:s17] =	ssyncadd.s32 $0xFFFFEC00  }
0x6f: {  	[spmem:s1] =	stream.indirect.scatter.add.f32 [tilespmem:s24], [sflag:$0x1], $0x80, s23, s25, $0xb8;
	[tilespmem:$0x1BA00] =	vst v63  }
0x70: {  	_ =	swait.ge [sflag:s17], $0x1400  }
0x71: {  	[sflag:s17] =	ssyncset.done $0x0  }
0x72: {  	[sflag:s17] =	ssyncadd.s32 $0xFFFFEC00  }
0x73: {  	[tilespmem:s26], [sflag:$0x1] =	stream.linear.gather [hbm4b:s8+s3], $0x28, $0x38;
	[tilespmem:$0x1BA00] =	vst v63  }
0x74: {  	_ =	swait.ge [sflag:s17], $0x28  }
0x75: {  	[sflag:s17] =	ssyncset.done $0x0  }
0x76: {  	[sflag:s17] =	ssyncadd.s32 $0xFFFFFFD8  }
0x77: {  	[tilespmem:s28], [sflag:$0x1] =	stream.linear.gather [hbm4b:s9+s3], $0x1400, $0x38;
	[tilespmem:$0x1BA00] =	vst v63  }
0x78: {  	_ =	swait.ge [sflag:s17], $0x1400  }
0x79: {  	[sflag:s17] =	ssyncset.done $0x0  }
0x7a: {  	[sflag:s17] =	ssyncadd.s32 $0xFFFFEC00  }
0x7b: {  	[spmem:s1] =	stream.indirect.scatter.add.f32 [tilespmem:s28], [sflag:$0x1], $0x80, s26, s25, $0xb8;
	[tilespmem:$0x1BA00] =	vst v63  }
0x7c: {  	_ =	swait.ge [sflag:s17], $0x1400  }
0x7d: {  	s29 =	sadd.s32 $0x1, s29;
	[sflag:s17] =	ssyncset.done $0x0  }
0x7e: {  	p0 =	sne.s32 s29, s11;
	[sflag:s17] =	ssyncadd.s32 $0xFFFFEC00  }
.Ltmp1:
0x7f: {  	[bflag:$0x0] =	sbarrier.arrive $0xFFFF;
	(pc) =	sbr.rel @p0 .LBB2_1-.Ltmp1, $4  }
0x80: {  	[hbm:s10], [sflag:s5] =	dma.local [spmem:s16], $0x2800  }
0x81: {  	_ =	swait.ge [sflag:s17], $0x2800  }
0x82: {  	[sflag:s17] =	ssyncset.done $0x0  }
0x83: {  	[sflag:s17] =	ssyncadd.s32 $0xFFFFD800  }
0x84: {  	_ =	sfence.sel $0x180000  }
0x85: {  	[bflag:$0x0] =	sbarrier.arrive $0xFFFF  }
0x86: {  	_ =	strace $0x9000004D  }
0x87: {  	s0 =	stileid.u32;
	[bflag:$0x2] =	sbarrier.arrive $0xFFFF  }
0x88: {  	p0 =	sne.s32 s0, $0x0;
	s0 =	rddreg [dreg:$0x2]  }
0x89: {  	s0 =	sadd.s32 @!p0 $0x100000, s0  }
0x8a: {  	[sflag:s0] =	ssyncadd.tile.s32 @!p0 $0x1;
	_ =	shalt  }
.Lfunc_end2:
_tile_overlayer_lowered:
.L_overlay_start_2:
0x8b: {  	(tag) =	ssettag $0x2  }
0x8c: {  	s0 =	rddreg [dreg:$0x0];
	s2 =	stileid.u32  }
0x8d: {  	s1 =	rddreg [dreg:$0x1];
	p0 =	sne.s32 s2, $0x0  }
0x8e: {  	s3 =	rddreg [dreg:$0x2];
	[bflag:$0x3] =	sbarrier.arrive $0xFFFF;
	s2 =	simm.s32 @!p0 $0x1C01  }
0x8f: {  	[timem:s3], [sflag:s2] =	dma.local @!p0 [hbm:s0], s1  }
0x90: {  	s0 =	simm.s32 @!p0 $0x1  }
0x91: {  	_ =	swait.ge @!p0 [sflag:s0], s1  }
0x92: {  	s1 =	ssub.s32 @!p0 $0x0, s1;
	[sflag:s0] =	ssyncset.done @!p0 $0x0  }
0x93: {  	[sflag:s0] =	ssyncadd.s32 @!p0 s1  }
0x94: {  	[bflag:$0x3] =	sbarrier.arrive $0xFFFF  }
0x95: {  	_ =	shalt  }

// kernel: kernel.17.cloned.1.call-start
scs
__scs_entry_jumppad:
0x0: {  	(pc) =	sbr.rel $0x88, $3  }
0x1: {  	(tag) =	ssettag $0x0;
	lr =	simm.s32 $0x1  }
0x2: {  	[smem:$0x3F92] =	sst lr;
	_ =	strace $0xD0000000  }
0x3: {  	_ = 	snop  }
0x4: {  	_ = 	snop  }
0x5: {  	_ = 	snop  }
0x6: {  	_ = 	snop  }
0x7: {  	_ = 	snop  }
__scs_overlays_trampoline_lowered:
0x8: {  	[smem:$0x3FA1] =	sst s0  }
0x9: {  	[smem:$0x3FA2] =	sst s1  }
0xa: {  	[smem:$0x3FA3] =	sst s2  }
0xb: {  	[smem:$0x3FA4] =	sst s3  }
0xc: {  	[smem:$0x3FA5] =	sst s4  }
0xd: {  	[smem:$0x3FA6] =	sst s5  }
0xe: {  	[smem:$0x3FA7] =	sst s6  }
0xf: {  	[smem:$0x3FA8] =	sst s7  }
0x10: {  	[smem:$0x3FA9] =	sst s8  }
0x11: {  	[smem:$0x3FAA] =	sst s9;
	s0 =	simm.s32 @!p0 $0x0  }
0x12: {  	s1 =	sld [smem:$0x3F90];
	s0 =	simm.s32 @p0 $0x1  }
0x13: {  	[smem:$0x3FAB] =	sst s0;
	s0 =	simm.s32 @!p1 $0x0  }
0x14: {  	s2 =	sld [smem:$0x3F8F];
	s0 =	simm.s32 @p1 $0x1  }
0x15: {  	[smem:$0x3FAC] =	sst s0;
	s0 =	simm.s32 @!p2 $0x0  }
0x16: {  	s3 =	sld [smem:$0x3FDB];
	s0 =	simm.s32 @p2 $0x1  }
0x17: {  	s4 =	simm.s32 $0x1BF5;
	[smem:$0x3FAE] =	sst s0  }
0x18: {  	s0 =	sld [smem:$0x3F91];
	_ =	swait.ge [sflag:s4], $0x0  }
0x19: {  	s7 =	sld [smem:$0x3F92]  }
0x1a: {  	s8 =	sadd.s32 $0xFFFFE003, lr  }
0x1b: {  	s9 =	sadd.s32 $0xFFFFFEF7, lr;
	s5 =	simm.s32 $0xFFFFFFFF;
	p2 =	slt.u32 s8, $0xFFFFF086  }
0x1c: {  	p1 =	slt.u32 s9, $0xF7A;
	s5 =	simm.s32 @!p2 $0x0  }
0x1d: {  	s5 =	simm.s32 @p1 $0x1;
	p0 =	seq.s32 s7, s2  }
0x1e: {  	s7 =	smul.u32 @!p0 $0xF7A, s2;
	p2 =	seq.s32 @!p0 s5, $0x0  }
0x1f: {  	s9 =	smul.u32 $0xF7A, s1;
	s8 =	simm.s32 @!p0 $0x1BF5;
	p2 =	por !p2, p0  }
0x20: {  	[sflag:s8] =	ssyncset.s32 @!p0 $0xFFFFF086;
	s6 =	sadd.s32 @!p0 s3, s7;
	s7 =	simm.s32 @!p0 $0x108  }
0x21: {  	s3 =	sadd.s32 s3, s9;
	s6 =	sadd.s32 @!p0 $0x88, s6;
	s7 =	simm.s32 @p2 $0x1082  }
0x22: {  	[simem:s7], [sflag:s8] =	dma.local @!p0 [hbm:s6], $0xF7A  }
0x23: {  	s9 =	sor.u32 $0xD0000000, s2;
	s6 =	simm.s32 $0x108;
	_ =	swait.ge @!p0 [sflag:s8], $0x0  }
0x24: {  	s3 =	sadd.s32 $0x88, s3;
	s6 =	simm.s32 @!p1 $0x1082;
	[sflag:s4] =	ssyncset.s32 $0xFFFFF086  }
0x25: {  	[simem:s6], [sflag:s4] =	dma.local [hbm:s3], $0xF7A  }
0x26: {  	[smem:$0x3F92] =	sst s1;
	(tag) =	ssettag s2;
	_ =	strace s9  }
0x27: {  	s1 =	sld [smem:$0x3FA2]  }
0x28: {  	s2 =	sld [smem:$0x3FA3]  }
0x29: {  	s4 =	sld [smem:$0x3FA5]  }
0x2a: {  	p0 =	seq.s32 s5, $0x0;
	s5 =	sld [smem:$0x3FA6]  }
0x2b: {  	s6 =	sld [smem:$0x3FA7]  }
0x2c: {  	s7 =	sld [smem:$0x3FA8]  }
0x2d: {  	s3 =	simm.s32 $0x108;
	s8 =	sld [smem:$0x3FA9]  }
0x2e: {  	s3 =	simm.s32 @!p0 $0x1082;
	s9 =	sld [smem:$0x3FAA]  }
0x2f: {  	lr =	sadd.s32 s0, s3;
	s0 =	sld [smem:$0x3FA1]  }
0x30: {  	s3 =	sld [smem:$0x3FA4]  }
0x31: {  	[smem:$0x3FAD] =	sst s10  }
0x32: {  	s10 =	sld [smem:$0x3FAB];
	_ =	sdelay $0x3  }
0x33: {  	p0 =	seq.s32 s10, $0x1;
	s10 =	sld [smem:$0x3FAD];
	_ =	sdelay $0x3  }
0x34: {  	[smem:$0x3FAD] =	sst s10  }
0x35: {  	s10 =	sld [smem:$0x3FAC];
	_ =	sdelay $0x3  }
0x36: {  	p1 =	seq.s32 s10, $0x1;
	s10 =	sld [smem:$0x3FAD];
	_ =	sdelay $0x3  }
0x37: {  	[smem:$0x3FAD] =	sst s10  }
0x38: {  	s10 =	sld [smem:$0x3FAE]  }
0x39: {  	_ = 	snop;
	(pc) =	sbr.ind lr, $3  }
0x3a: {  	_ = 	snop  }
0x3b: {  	_ = 	snop  }
0x3c: {  	p2 =	seq.s32 s10, $0x1;
	s10 =	sld [smem:$0x3FAD]  }
0x3d: {  	_ =	shalt  }
0x3e: {  	_ =	shalt  }
0x3f: {  	_ =	shalt  }
0x40: {  	_ =	shalt  }
0x41: {  	_ =	shalt  }
0x42: {  	_ =	shalt  }
0x43: {  	_ =	shalt  }
0x44: {  	_ =	shalt  }
0x45: {  	_ =	shalt  }
0x46: {  	_ =	shalt  }
0x47: {  	_ =	shalt  }
0x48: {  	_ =	shalt  }
0x49: {  	_ =	shalt  }
0x4a: {  	_ =	shalt  }
0x4b: {  	_ =	shalt  }
0x4c: {  	_ =	shalt  }
0x4d: {  	_ =	shalt  }
0x4e: {  	_ =	shalt  }
0x4f: {  	_ =	shalt  }
0x50: {  	_ =	shalt  }
0x51: {  	_ =	shalt  }
0x52: {  	_ =	shalt  }
0x53: {  	_ =	shalt  }
0x54: {  	_ =	shalt  }
0x55: {  	_ =	shalt  }
0x56: {  	_ =	shalt  }
0x57: {  	_ =	shalt  }
0x58: {  	_ =	shalt  }
0x59: {  	_ =	shalt  }
0x5a: {  	_ =	shalt  }
0x5b: {  	_ =	shalt  }
0x5c: {  	_ =	shalt  }
0x5d: {  	_ =	shalt  }
0x5e: {  	_ =	shalt  }
0x5f: {  	_ =	shalt  }
0x60: {  	_ =	shalt  }
0x61: {  	_ =	shalt  }
0x62: {  	_ =	shalt  }
0x63: {  	_ =	shalt  }
0x64: {  	_ =	shalt  }
0x65: {  	_ =	shalt  }
0x66: {  	_ =	shalt  }
0x67: {  	_ =	shalt  }
0x68: {  	_ =	shalt  }
0x69: {  	_ =	shalt  }
0x6a: {  	_ =	shalt  }
0x6b: {  	_ =	shalt  }
0x6c: {  	_ =	shalt  }
0x6d: {  	_ =	shalt  }
0x6e: {  	_ =	shalt  }
0x6f: {  	_ =	shalt  }
0x70: {  	_ =	shalt  }
0x71: {  	_ =	shalt  }
0x72: {  	_ =	shalt  }
0x73: {  	_ =	shalt  }
0x74: {  	_ =	shalt  }
0x75: {  	_ =	shalt  }
0x76: {  	_ =	shalt  }
0x77: {  	_ =	shalt  }
0x78: {  	_ =	shalt  }
0x79: {  	_ =	shalt  }
0x7a: {  	_ =	shalt  }
0x7b: {  	_ =	shalt  }
0x7c: {  	_ =	shalt  }
0x7d: {  	_ =	shalt  }
0x7e: {  	_ =	shalt  }
0x7f: {  	_ =	shalt  }
0x80: {  	_ =	shalt  }
0x81: {  	_ =	shalt  }
0x82: {  	_ =	shalt  }
0x83: {  	_ =	shalt  }
0x84: {  	_ =	shalt  }
0x85: {  	_ =	shalt  }
0x86: {  	_ =	shalt  }
0x87: {  	_ =	shalt  }
.Lfunc_end0:
.L_simem_size_0:
called_computation.2_lowered:
.L_overlay_start_0:
0x88: {  	s2 =	sld [smem:$0x3FD9]  }
0x89: {  	s3 =	sld [smem:$0x3FFE];
	_ =	sdelay $0x1  }
0x8a: {  	s1 =	srdreg.scid  }
0x8b: {  	s0 =	sand.u32 $0x1, s1  }
0x8c: {  	s15 =	sshll.u32 s0, $0xA;
	s2 =	sadd.s32 s3, s2  }
0x8d: {  	s2 =	sadd.s32 s2, s15  }
0x8e: {  	[smem:$0x3FB9] =	sst s2  }
0x8f: {  	_ = 	snop  }
0x90: {  	s16 =	sld [smem:$0x3FD0];
	_ =	sdelay $0x2  }
0x91: {  	s4 =	simm.s32 $0xB;
	s5 =	simm.s32 $0x10;
	s2 =	sld [smem:$0x3FC9]  }
0x92: {  	[smem:s5], [sflag:s4] =	dma.local [hbm:s16], $0x1  }
0x93: {  	_ =	swait.eq [sflag:s4], $0x1  }
0x94: {  	[sflag:s4] =	ssyncset.done $0x0  }
0x95: {  	[sflag:s4] =	ssyncadd.s32 $0xFFFFFFFF  }
0x96: {  	s17 =	sld [smem:$0x11];
	(tm) =	ssettm $0x1  }
0x97: {  	s18 =	sld [smem:$0x3FFB];
	_ =	sdelay $0x3  }
0x98: {  	_ =	strace s18  }
0x99: {  	s3 =	sld [smem:$0x3FFC];
	_ =	sdelay $0x3  }
0x9a: {  	_ =	strace s3  }
0x9b: {  	s3 =	sld [smem:$0x3FFD];
	_ =	sdelay $0x3  }
0x9c: {  	_ =	strace s3  }
0x9d: {  	_ =	strace $0x8FFFFFFF  }
0x9e: {  	s19 =	sld [smem:$0x3FDB];
	_ =	sdelay $0x1  }
0x9f: {  	s20 =	simm.s32 $_scs_section_size  }
0xa0: {  	s6 =	simm.s32 $_size__tile_overlayer_lowered;
	s7 =	simm.s32 $_tile_overlayer_lowered  }
0xa1: {  	s8 =	simm.s32 $0x1BFF;
	s21 =	sshll.u32 s7, $0x1;
	s5 =	sadd.s32 s20, s19  }
0xa2: {  	s22 =	simm.s32 $0x0;
	s6 =	sshll.u32 s6, $0x1;
	s7 =	sadd.s32 s21, s5  }
0xa3: {  	[timem:s22], [sflag:s8] =	dma.local [hbm:s7], s6  }
0xa4: {  	_ =	swait.ge [sflag:s8], s6  }
0xa5: {  	s6 =	ssub.s32 $0x0, s6;
	[sflag:s8] =	ssyncset.done $0x0  }
0xa6: {  	[sflag:s8] =	ssyncadd.s32 s6;
	_ =	sdelay $0x1  }
0xa7: {  	s23 =	simm.s32 $0x1B8B  }
0xa8: {  	_ =	swait.ge [sflag:s23], $0x1  }
0xa9: {  	[sflag:s23] =	ssyncset.done $0x0  }
0xaa: {  	[sflag:s23] =	ssyncadd.s32 $0xFFFFFFFF  }
0xab: {  	s6 =	sld [smem:$0x0]  }
0xac: {  	s7 =	sand.u32 $0xFFFFFFFE, s1  }
0xad: {  	p0 =	sne.s32 s1, s7  }
0xae: {  	s7 =	sshll.u32 @p0 s7, $0xE  }
0xaf: {  	s7 =	sadd.s32 @p0 $0x11B8D, s7;
	s8 =	sshll.u32 @p0 s6, $0x11  }
0xb0: {  	s7 =	sor.u32 @p0 s8, s7  }
0xb1: {  	[sflag:s7] =	ssyncadd.remote.s32 @p0 $0x1;
	_ =	sdelay $0x1  }
0xb2: {  	s7 =	simm.s32 @p0 $0x1B8D  }
0xb3: {  	_ =	swait.eq @p0 [sflag:s7], $0x1  }
0xb4: {  	[sflag:s7] =	ssyncadd.s32 @p0 $0xFFFFFFFF  }
0xb5: {  	s8 =	sshll.u32 @!p0 s1, $0xE  }
0xb6: {  	s8 =	sor.u32 @!p0 $0x4000, s8;
	s7 =	simm.s32 @!p0 $0x1B8D  }
0xb7: {  	s6 =	sshll.u32 @!p0 s6, $0x11;
	s8 =	sadd.s32 @!p0 $0x11B8D, s8;
	_ =	swait.eq @!p0 [sflag:s7], $0x1  }
0xb8: {  	s6 =	sor.u32 @!p0 s6, s8;
	[sflag:s7] =	ssyncadd.s32 @!p0 $0xFFFFFFFF  }
0xb9: {  	s25 =	simm.s32 $0x1B8E;
	s24 =	sld [smem:$0x3FFE];
	[sflag:s6] =	ssyncadd.remote.s32 @!p0 $0x1  }
0xba: {  	s26 =	simm.s32 $execute0_lowered;
	[smem:$0x3FD2] =	sst s25  }
0xbb: {  	s7 =	sshll.u32 s26, $0x1;
	_ =	strace $0x80000049;
	[dreg:$0x1] =	wrdreg $0xFFFFFFFF  }
0xbc: {  	s28 =	simm.s32 $_size_execute0_lowered;
	s5 =	sadd.s32 s5, s7;
	[dreg:$0x0] =	wrdreg $0x0  }
0xbd: {  	s7 =	sshll.u32 s28, $0x1;
	[dreg:$0x2] =	wrdreg s5  }
0xbe: {  	[dreg:$0x3] =	wrdreg s7  }
0xbf: {  	[dreg:$0x4] =	wrdreg $0xC0  }
0xc0: {  	_ =	task [dreg:s22], $0x5FFFF  }
0xc1: {  	[dreg:$0x1] =	wrdreg $0xFFFFFFFF  }
0xc2: {  	[dreg:$0x0] =	wrdreg $0x60  }
0xc3: {  	[dreg:$0x2] =	wrdreg s2  }
0xc4: {  	[dreg:$0x3] =	wrdreg s24  }
0xc5: {  	[dreg:$0x4] =	wrdreg s17  }
0xc6: {  	[dreg:$0x5] =	wrdreg $0xA  }
0xc7: {  	_ =	task.clear_ibuf [dreg:s22], $0x6FFFF;
	_ =	strace $0x90000049  }
0xc8: {  	s29 =	simm.s32 $0xA;
	_ =	strace $0x8000004B  }
0xc9: {  	_ =	swait.ge [sflag:s29], $0x1  }
0xca: {  	[sflag:s29] =	ssyncadd.s32 $0xFFFFFFFF  }
0xcb: {  	_ =	strace $0x9000004B  }
0xcc: {  	_ =	sfence  }
0xcd: {  	s30 =	sld [smem:$0x0];
	_ =	sdelay $0x2  }
0xce: {  	s31 =	sshll.u32 s1, $0xD;
	s1 =	sshrl.u32 s1, $0x2  }
0xcf: {  	s4 =	sand.u32 $0x4000, s31;
	s1 =	sadd.s32 s1, s30  }
0xd0: {  	s0 =	sor.u32 s4, s0;
	s1 =	sshll.u32 s1, $0x11  }
0xd1: {  	s0 =	sor.u32 s1, s0  }
0xd2: {  	s0 =	sadd.s32 $0x8F2B, s0  }
0xd3: {  	[sflag:s0] =	ssyncadd.remote.s32 $0x1  }
0xd4: {  	_ =	sfence.sel $0xFFFF  }
0xd5: {  	[dreg:$0x0] =	wrdreg $0xFFFFFFFF;
	(pc) =	sbr.abs _section_cstart, $3  }
0xd6: {  	[dreg:$0x1] =	wrdreg $0xFFFFFFFF  }
0xd7: {  	_ =	task.clear_ibuf [dreg:s22], $0x2FFFF;
	_ =	strace $0x9FFFFFFF  }
0xd8: {  	(tm) =	ssettm $0x7FFFFFFF  }
0xd9: {  	_ =	shalt  }
tec
execute0_lowered:
.L_overlay_start_1:
0x0: {  	(tag) =	ssettag $0x1  }
0x1: {  	s1 =	rddreg [dreg:$0x0]  }
0x2: {  	s4 =	rddreg [dreg:$0x1]  }
0x3: {  	s9 =	rddreg [dreg:$0x2]  }
0x4: {  	s5 =	srdreg.scid;
	s0 =	stileid.u32;
	s3 =	simm.s32 $0x0  }
0x5: {  	s17 =	simm.s32 $0x2900;
	s18 =	simm.s32 $0x1;
	s19 =	simm.s32 $0x2  }
0x6: {  	s20 =	simm.s32 $0x5100;
	s21 =	simm.s32 $0x6580;
	s22 =	simm.s32 $0x28  }
0x7: {  	s23 =	simm.s32 $0x5180;
	s24 =	simm.s32 $0x6600;
	s25 =	simm.s32 $0x0  }
0x8: {  	s10 =	sand.u32 $0x1, s5;
	s26 =	sshll.u32 s0, $0x1;
	s14 =	smul.u32 $0x27100, s0  }
0x9: {  	[smem:$0x7FF] =	sst s3;
	s12 =	sadd.s32 $0x13000, s4;
	s15 =	smul.u32 $0x2710, s0  }
0xa: {  	s11 =	sadd.s32 $0xE000, s4;
	s13 =	sadd.s32 $0x4FA000, s4;
	s16 =	smul.u32 $0x1388, s10  }
0xb: {  	s5 =	sor.u32 s10, s26;
	s6 =	ssub.s32 $0x2, s10;
	s10 =	smul.u32 $0x13880, s10  }
0xc: {  	_ =	strace $0x8000004A;
	s5 =	smul.u32 $0x1388, s5;
	s28 =	sshrl.u32 s6, $0x1  }
0xd: {  	s8 =	ssub.s32 s6, s28;
	s30 =	sadd.s32 s16, s15;
	s15 =	simm.s32 $0x50  }
0xe: {  	s16 =	simm.s32 $0x80;
	s5 =	sadd.s32 $0x1360, s5;
	s8 =	smax.u32 s8, $0x1  }
0xf: {  	s31 =	sshrl.u32 s30, $0x3;
	s29 =	sshrl.u32 s5, $0x3;
	s7 =	sshll.u32 s5, $0x4  }
0x10: {  	s4 =	sadd.s32 s12, s29;
	s5 =	sadd.s32 s11, s29;
	s6 =	sadd.s32 s9, s7  }
0x11: {  	s7 =	sadd.s32 s13, s7;
	s9 =	sadd.s32 s14, s9;
	s13 =	sadd.s32 s14, s13  }
0x12: {  	s11 =	sadd.s32 s31, s11;
	s12 =	sadd.s32 s31, s12;
	s14 =	simm.s32 $0x2880  }
0x13: {  	s9 =	sadd.s32 s10, s9;
	s10 =	sadd.s32 s10, s13;
	s13 =	simm.s32 $0x3  }
.LBB2_1:
0x14: {  	s26 =	sadd.s32 $0x0, s12  }
0x15: {  	[tilespmem:s3], [sflag:$0x3] =	stream.linear.gather [hbm4b:s26+s3], $0x50, $0x38;
	[tilespmem:$0x7A00] =	vst v63  }
0x16: {  	_ =	swait.ge [sflag:s13], $0x50  }
0x17: {  	[sflag:s13] =	ssyncset.done $0x0  }
0x18: {  	s31 =	sadd.s32 $0x0, s11;
	[sflag:s13] =	ssyncadd.s32 $0xFFFFFFB0  }
0x19: {  	[tilespmem:s14], [sflag:$0x3] =	stream.linear.gather [hbm4b:s31+s3], $0x50, $0x38;
	[tilespmem:$0x7A00] =	vst v63  }
0x1a: {  	_ =	swait.ge [sflag:s13], $0x50  }
0x1b: {  	[sflag:s13] =	ssyncset.done $0x0  }
0x1c: {  	[sflag:s13] =	ssyncadd.s32 $0xFFFFFFB0  }
0x1d: {  	[tilespmem:s16], [sflag:$0x1] =	stream.indirect.gather [hbm4b:s1+s15], $0x80, s3, s15, $0xb8;
	[tilespmem:$0x7A00] =	vst v63  }
0x1e: {  	_ = 	snop  }
0x1f: {  	[tilespmem:s17], [sflag:$0x2] =	stream.indirect.gather [hbm4b:s1+s15], $0x80, s14, s15, $0xb8;
	[tilespmem:$0x7A00] =	vst v63  }
0x20: {  	_ =	swait.ge [sflag:s18], $0x2800  }
0x21: {  	[sflag:s18] =	ssyncset.done $0x0  }
0x22: {  	[sflag:s18] =	ssyncadd.s32 $0xFFFFD800  }
0x23: {  	_ =	swait.ge [sflag:s19], $0x2800  }
0x24: {  	[sflag:s19] =	ssyncset.done $0x0  }
0x25: {  	[sflag:s19] =	ssyncadd.s32 $0xFFFFD800  }
0x26: {  	[hbm4b:s9+s3] =	stream.linear.scatter [tilespmem:s16], [sflag:$0x3], $0x2800, $0x38;
	[tilespmem:$0x7A00] =	vst v63  }
0x27: {  	_ =	swait.ge [sflag:s13], $0x2800  }
0x28: {  	[sflag:s13] =	ssyncset.done $0x0  }
0x29: {  	[sflag:s13] =	ssyncadd.s32 $0xFFFFD800  }
0x2a: {  	[hbm4b:s10+s3] =	stream.linear.scatter [tilespmem:s17], [sflag:$0x3], $0x2800, $0x38;
	[tilespmem:$0x7A00] =	vst v63  }
0x2b: {  	s29 =	simm.s32 $0xA;
	s30 =	simm.s32 $0x14;
	_ =	swait.ge [sflag:s13], $0x2800  }
0x2c: {  	s28 =	sadd.s32 $0x500, s9;
	s26 =	sadd.s32 $0x500, s10;
	[sflag:s13] =	ssyncset.done $0x0  }
.LBB2_2:
0x2d: {  	s31 =	sadd.s32 s29, s12  }
0x2e: {  	[sflag:s13] =	ssyncadd.s32 $0xFFFFD800;
	s0 =	smov.u32 s30;
	s2 =	sadd.s32 $0xA, s30  }
0x2f: {  	[tilespmem:s3], [sflag:$0x3] =	stream.linear.gather [hbm4b:s31+s3], $0x50, $0x38;
	[tilespmem:$0x7A00] =	vst v63  }
0x30: {  	p0 =	sne.s32 s30, $0x262;
	_ =	swait.ge [sflag:s13], $0x50  }
0x31: {  	[sflag:s13] =	ssyncset.done $0x0  }
0x32: {  	s30 =	sadd.s32 s29, s11;
	s29 =	smov.u32 s0;
	[sflag:s13] =	ssyncadd.s32 $0xFFFFFFB0  }
0x33: {  	[tilespmem:s14], [sflag:$0x3] =	stream.linear.gather [hbm4b:s30+s3], $0x50, $0x38;
	[tilespmem:$0x7A00] =	vst v63  }
0x34: {  	_ =	swait.ge [sflag:s13], $0x50  }
0x35: {  	[sflag:s13] =	ssyncset.done $0x0  }
0x36: {  	[sflag:s13] =	ssyncadd.s32 $0xFFFFFFB0  }
0x37: {  	[tilespmem:s16], [sflag:$0x1] =	stream.indirect.gather [hbm4b:s1+s15], $0x80, s3, s15, $0xb8;
	[tilespmem:$0x7A00] =	vst v63  }
0x38: {  	_ = 	snop  }
0x39: {  	[tilespmem:s17], [sflag:$0x2] =	stream.indirect.gather [hbm4b:s1+s15], $0x80, s14, s15, $0xb8;
	[tilespmem:$0x7A00] =	vst v63  }
0x3a: {  	_ =	swait.ge [sflag:s18], $0x2800  }
0x3b: {  	[sflag:s18] =	ssyncset.done $0x0  }
0x3c: {  	[sflag:s18] =	ssyncadd.s32 $0xFFFFD800  }
0x3d: {  	_ =	swait.ge [sflag:s19], $0x2800  }
0x3e: {  	[sflag:s19] =	ssyncset.done $0x0  }
0x3f: {  	[sflag:s19] =	ssyncadd.s32 $0xFFFFD800  }
0x40: {  	[hbm4b:s28+s3] =	stream.linear.scatter [tilespmem:s16], [sflag:$0x3], $0x2800, $0x38;
	[tilespmem:$0x7A00] =	vst v63  }
0x41: {  	_ =	swait.ge [sflag:s13], $0x2800  }
.Ltmp0:
0x42: {  	[sflag:s13] =	ssyncset.done $0x0;
	(pc) =	sbr.rel @p0 .LBB2_2-.Ltmp0, $4  }
0x43: {  	[sflag:s13] =	ssyncadd.s32 $0xFFFFD800  }
0x44: {  	[hbm4b:s26+s3] =	stream.linear.scatter [tilespmem:s17], [sflag:$0x3], $0x2800, $0x38;
	[tilespmem:$0x7A00] =	vst v63  }
0x45: {  	s30 =	smov.u32 s2;
	_ =	swait.ge [sflag:s13], $0x2800  }
0x46: {  	s28 =	sadd.s32 $0x500, s28;
	s26 =	sadd.s32 $0x500, s26;
	[sflag:s13] =	ssyncset.done $0x0  }
0x47: {  	s0 =	sadd.s32 s29, s12;
	[sflag:s13] =	ssyncadd.s32 $0xFFFFD800  }
0x48: {  	[tilespmem:s3], [sflag:$0x3] =	stream.linear.gather [hbm4b:s0+s3], $0x50, $0x38;
	[tilespmem:$0x7A00] =	vst v63  }
0x49: {  	_ =	swait.ge [sflag:s13], $0x50  }
0x4a: {  	[sflag:s13] =	ssyncset.done $0x0  }
0x4b: {  	s31 =	sadd.s32 s29, s11;
	[sflag:s13] =	ssyncadd.s32 $0xFFFFFFB0  }
0x4c: {  	[tilespmem:s14], [sflag:$0x3] =	stream.linear.gather [hbm4b:s31+s3], $0x50, $0x38;
	[tilespmem:$0x7A00] =	vst v63  }
0x4d: {  	_ =	swait.ge [sflag:s13], $0x50  }
0x4e: {  	[sflag:s13] =	ssyncset.done $0x0  }
0x4f: {  	[sflag:s13] =	ssyncadd.s32 $0xFFFFFFB0  }
0x50: {  	[tilespmem:s16], [sflag:$0x1] =	stream.indirect.gather [hbm4b:s1+s15], $0x80, s3, s15, $0xb8;
	[tilespmem:$0x7A00] =	vst v63  }
0x51: {  	_ = 	snop  }
0x52: {  	[tilespmem:s17], [sflag:$0x2] =	stream.indirect.gather [hbm4b:s1+s15], $0x80, s14, s15, $0xb8;
	[tilespmem:$0x7A00] =	vst v63  }
0x53: {  	_ =	swait.ge [sflag:s18], $0x2800  }
0x54: {  	[sflag:s18] =	ssyncset.done $0x0  }
0x55: {  	[sflag:s18] =	ssyncadd.s32 $0xFFFFD800  }
0x56: {  	_ =	swait.ge [sflag:s19], $0x2800  }
0x57: {  	[sflag:s19] =	ssyncset.done $0x0  }
0x58: {  	[sflag:s19] =	ssyncadd.s32 $0xFFFFD800  }
0x59: {  	[hbm4b:s28+s3] =	stream.linear.scatter [tilespmem:s16], [sflag:$0x3], $0x2800, $0x38;
	[tilespmem:$0x7A00] =	vst v63  }
0x5a: {  	_ =	swait.ge [sflag:s13], $0x2800  }
0x5b: {  	[sflag:s13] =	ssyncset.done $0x0  }
0x5c: {  	[sflag:s13] =	ssyncadd.s32 $0xFFFFD800  }
0x5d: {  	[hbm4b:s26+s3] =	stream.linear.scatter [tilespmem:s17], [sflag:$0x3], $0x2800, $0x38;
	[tilespmem:$0x7A00] =	vst v63  }
0x5e: {  	_ =	swait.ge [sflag:s13], $0x2800  }
0x5f: {  	[sflag:s13] =	ssyncset.done $0x0  }
0x60: {  	[sflag:s13] =	ssyncadd.s32 $0xFFFFD800  }
0x61: {  	[tilespmem:s20], [sflag:$0x3] =	stream.linear.gather [hbm4b:s4+s3], $0x28, $0x38;
	[tilespmem:$0x7A00] =	vst v63  }
0x62: {  	_ =	swait.ge [sflag:s13], $0x28  }
0x63: {  	[sflag:s13] =	ssyncset.done $0x0  }
0x64: {  	[sflag:s13] =	ssyncadd.s32 $0xFFFFFFD8  }
0x65: {  	[tilespmem:s21], [sflag:$0x3] =	stream.linear.gather [hbm4b:s5+s3], $0x28, $0x38;
	[tilespmem:$0x7A00] =	vst v63  }
0x66: {  	_ =	swait.ge [sflag:s13], $0x28  }
0x67: {  	[sflag:s13] =	ssyncset.done $0x0  }
0x68: {  	[sflag:s13] =	ssyncadd.s32 $0xFFFFFFD8  }
0x69: {  	[tilespmem:s23], [sflag:$0x1] =	stream.indirect.gather [hbm4b:s1+s22], $0x80, s20, s22, $0xb8;
	[tilespmem:$0x7A00] =	vst v63  }
0x6a: {  	_ = 	snop  }
0x6b: {  	[tilespmem:s24], [sflag:$0x2] =	stream.indirect.gather [hbm4b:s1+s22], $0x80, s21, s22, $0xb8;
	[tilespmem:$0x7A00] =	vst v63  }
0x6c: {  	_ =	swait.ge [sflag:s18], $0x1400  }
0x6d: {  	[sflag:s18] =	ssyncset.done $0x0  }
0x6e: {  	[sflag:s18] =	ssyncadd.s32 $0xFFFFEC00  }
0x6f: {  	_ =	swait.ge [sflag:s19], $0x1400  }
0x70: {  	[sflag:s19] =	ssyncset.done $0x0  }
0x71: {  	[sflag:s19] =	ssyncadd.s32 $0xFFFFEC00  }
0x72: {  	[hbm4b:s6+s3] =	stream.linear.scatter [tilespmem:s23], [sflag:$0x3], $0x1400, $0x38;
	[tilespmem:$0x7A00] =	vst v63  }
0x73: {  	s25 =	sadd.s32 $0x1, s25;
	_ =	swait.ge [sflag:s13], $0x1400  }
0x74: {  	p0 =	sne.s32 s25, s8;
	[sflag:s13] =	ssyncset.done $0x0  }
.Ltmp1:
0x75: {  	[sflag:s13] =	ssyncadd.s32 $0xFFFFEC00;
	(pc) =	sbr.rel @p0 .LBB2_1-.Ltmp1, $4  }
0x76: {  	[hbm4b:s7+s3] =	stream.linear.scatter [tilespmem:s24], [sflag:$0x3], $0x1400, $0x38;
	[tilespmem:$0x7A00] =	vst v63  }
0x77: {  	_ =	swait.ge [sflag:s13], $0x1400  }
0x78: {  	[sflag:s13] =	ssyncset.done $0x0  }
0x79: {  	[sflag:s13] =	ssyncadd.s32 $0xFFFFEC00  }
0x7a: {  	_ =	sfence.sel $0x180000  }
0x7b: {  	[bflag:$0x0] =	sbarrier.arrive $0xFFFF  }
0x7c: {  	_ =	strace $0x9000004A  }
0x7d: {  	s0 =	stileid.u32;
	[bflag:$0x2] =	sbarrier.arrive $0xFFFF  }
0x7e: {  	p0 =	sne.s32 s0, $0x0;
	s0 =	rddreg [dreg:$0x3]  }
0x7f: {  	s0 =	sadd.s32 @!p0 $0x100000, s0  }
0x80: {  	[sflag:s0] =	ssyncadd.tile.s32 @!p0 $0x1;
	_ =	shalt  }
.Lfunc_end2:
_tile_overlayer_lowered:
.L_overlay_start_2:
0x81: {  	(tag) =	ssettag $0x2  }
0x82: {  	s0 =	rddreg [dreg:$0x0];
	s2 =	stileid.u32  }
0x83: {  	s1 =	rddreg [dreg:$0x1];
	p0 =	sne.s32 s2, $0x0  }
0x84: {  	s3 =	rddreg [dreg:$0x2];
	[bflag:$0x3] =	sbarrier.arrive $0xFFFF;
	s2 =	simm.s32 @!p0 $0x1C03  }
0x85: {  	[timem:s3], [sflag:s2] =	dma.local @!p0 [hbm:s0], s1  }
0x86: {  	s0 =	simm.s32 @!p0 $0x3  }
0x87: {  	_ =	swait.ge @!p0 [sflag:s0], s1  }
0x88: {  	s1 =	ssub.s32 @!p0 $0x0, s1;
	[sflag:s0] =	ssyncset.done @!p0 $0x0  }
0x89: {  	[sflag:s0] =	ssyncadd.s32 @!p0 s1  }
0x8a: {  	[bflag:$0x3] =	sbarrier.arrive $0xFFFF  }
0x8b: {  	_ =	shalt  }

// kernel: kernel.20.cloned.1.call-start
scs
__scs_entry_jumppad:
0x0: {  	(pc) =	sbr.rel $0x88, $3  }
0x1: {  	(tag) =	ssettag $0x0;
	lr =	simm.s32 $0x1  }
0x2: {  	[smem:$0x3F92] =	sst lr;
	_ =	strace $0xD0000000  }
0x3: {  	_ = 	snop  }
0x4: {  	_ = 	snop  }
0x5: {  	_ = 	snop  }
0x6: {  	_ = 	snop  }
0x7: {  	_ = 	snop  }
__scs_overlays_trampoline_lowered:
0x8: {  	[smem:$0x3FA1] =	sst s0  }
0x9: {  	[smem:$0x3FA2] =	sst s1  }
0xa: {  	[smem:$0x3FA3] =	sst s2  }
0xb: {  	[smem:$0x3FA4] =	sst s3  }
0xc: {  	[smem:$0x3FA5] =	sst s4  }
0xd: {  	[smem:$0x3FA6] =	sst s5  }
0xe: {  	[smem:$0x3FA7] =	sst s6  }
0xf: {  	[smem:$0x3FA8] =	sst s7  }
0x10: {  	[smem:$0x3FA9] =	sst s8  }
0x11: {  	[smem:$0x3FAA] =	sst s9;
	s0 =	simm.s32 @!p0 $0x0  }
0x12: {  	s1 =	sld [smem:$0x3F90];
	s0 =	simm.s32 @p0 $0x1  }
0x13: {  	[smem:$0x3FAB] =	sst s0;
	s0 =	simm.s32 @!p1 $0x0  }
0x14: {  	s2 =	sld [smem:$0x3F8F];
	s0 =	simm.s32 @p1 $0x1  }
0x15: {  	[smem:$0x3FAC] =	sst s0;
	s0 =	simm.s32 @!p2 $0x0  }
0x16: {  	s3 =	sld [smem:$0x3FDB];
	s0 =	simm.s32 @p2 $0x1  }
0x17: {  	s4 =	simm.s32 $0x1BF5;
	[smem:$0x3FAE] =	sst s0  }
0x18: {  	s0 =	sld [smem:$0x3F91];
	_ =	swait.ge [sflag:s4], $0x0  }
0x19: {  	s7 =	sld [smem:$0x3F92]  }
0x1a: {  	s8 =	sadd.s32 $0xFFFFE003, lr  }
0x1b: {  	s9 =	sadd.s32 $0xFFFFFEF7, lr;
	s5 =	simm.s32 $0xFFFFFFFF;
	p2 =	slt.u32 s8, $0xFFFFF086  }
0x1c: {  	p1 =	slt.u32 s9, $0xF7A;
	s5 =	simm.s32 @!p2 $0x0  }
0x1d: {  	s5 =	simm.s32 @p1 $0x1;
	p0 =	seq.s32 s7, s2  }
0x1e: {  	s7 =	smul.u32 @!p0 $0xF7A, s2;
	p2 =	seq.s32 @!p0 s5, $0x0  }
0x1f: {  	s9 =	smul.u32 $0xF7A, s1;
	s8 =	simm.s32 @!p0 $0x1BF5;
	p2 =	por !p2, p0  }
0x20: {  	[sflag:s8] =	ssyncset.s32 @!p0 $0xFFFFF086;
	s6 =	sadd.s32 @!p0 s3, s7;
	s7 =	simm.s32 @!p0 $0x108  }
0x21: {  	s3 =	sadd.s32 s3, s9;
	s6 =	sadd.s32 @!p0 $0x88, s6;
	s7 =	simm.s32 @p2 $0x1082  }
0x22: {  	[simem:s7], [sflag:s8] =	dma.local @!p0 [hbm:s6], $0xF7A  }
0x23: {  	s9 =	sor.u32 $0xD0000000, s2;
	s6 =	simm.s32 $0x108;
	_ =	swait.ge @!p0 [sflag:s8], $0x0  }
0x24: {  	s3 =	sadd.s32 $0x88, s3;
	s6 =	simm.s32 @!p1 $0x1082;
	[sflag:s4] =	ssyncset.s32 $0xFFFFF086  }
0x25: {  	[simem:s6], [sflag:s4] =	dma.local [hbm:s3], $0xF7A  }
0x26: {  	[smem:$0x3F92] =	sst s1;
	(tag) =	ssettag s2;
	_ =	strace s9  }
0x27: {  	s1 =	sld [smem:$0x3FA2]  }
0x28: {  	s2 =	sld [smem:$0x3FA3]  }
0x29: {  	s4 =	sld [smem:$0x3FA5]  }
0x2a: {  	p0 =	seq.s32 s5, $0x0;
	s5 =	sld [smem:$0x3FA6]  }
0x2b: {  	s6 =	sld [smem:$0x3FA7]  }
0x2c: {  	s7 =	sld [smem:$0x3FA8]  }
0x2d: {  	s3 =	simm.s32 $0x108;
	s8 =	sld [smem:$0x3FA9]  }
0x2e: {  	s3 =	simm.s32 @!p0 $0x1082;
	s9 =	sld [smem:$0x3FAA]  }
0x2f: {  	lr =	sadd.s32 s0, s3;
	s0 =	sld [smem:$0x3FA1]  }
0x30: {  	s3 =	sld [smem:$0x3FA4]  }
0x31: {  	[smem:$0x3FAD] =	sst s10  }
0x32: {  	s10 =	sld [smem:$0x3FAB];
	_ =	sdelay $0x3  }
0x33: {  	p0 =	seq.s32 s10, $0x1;
	s10 =	sld [smem:$0x3FAD];
	_ =	sdelay $0x3  }
0x34: {  	[smem:$0x3FAD] =	sst s10  }
0x35: {  	s10 =	sld [smem:$0x3FAC];
	_ =	sdelay $0x3  }
0x36: {  	p1 =	seq.s32 s10, $0x1;
	s10 =	sld [smem:$0x3FAD];
	_ =	sdelay $0x3  }
0x37: {  	[smem:$0x3FAD] =	sst s10  }
0x38: {  	s10 =	sld [smem:$0x3FAE]  }
0x39: {  	_ = 	snop;
	(pc) =	sbr.ind lr, $3  }
0x3a: {  	_ = 	snop  }
0x3b: {  	_ = 	snop  }
0x3c: {  	p2 =	seq.s32 s10, $0x1;
	s10 =	sld [smem:$0x3FAD]  }
0x3d: {  	_ =	shalt  }
0x3e: {  	_ =	shalt  }
0x3f: {  	_ =	shalt  }
0x40: {  	_ =	shalt  }
0x41: {  	_ =	shalt  }
0x42: {  	_ =	shalt  }
0x43: {  	_ =	shalt  }
0x44: {  	_ =	shalt  }
0x45: {  	_ =	shalt  }
0x46: {  	_ =	shalt  }
0x47: {  	_ =	shalt  }
0x48: {  	_ =	shalt  }
0x49: {  	_ =	shalt  }
0x4a: {  	_ =	shalt  }
0x4b: {  	_ =	shalt  }
0x4c: {  	_ =	shalt  }
0x4d: {  	_ =	shalt  }
0x4e: {  	_ =	shalt  }
0x4f: {  	_ =	shalt  }
0x50: {  	_ =	shalt  }
0x51: {  	_ =	shalt  }
0x52: {  	_ =	shalt  }
0x53: {  	_ =	shalt  }
0x54: {  	_ =	shalt  }
0x55: {  	_ =	shalt  }
0x56: {  	_ =	shalt  }
0x57: {  	_ =	shalt  }
0x58: {  	_ =	shalt  }
0x59: {  	_ =	shalt  }
0x5a: {  	_ =	shalt  }
0x5b: {  	_ =	shalt  }
0x5c: {  	_ =	shalt  }
0x5d: {  	_ =	shalt  }
0x5e: {  	_ =	shalt  }
0x5f: {  	_ =	shalt  }
0x60: {  	_ =	shalt  }
0x61: {  	_ =	shalt  }
0x62: {  	_ =	shalt  }
0x63: {  	_ =	shalt  }
0x64: {  	_ =	shalt  }
0x65: {  	_ =	shalt  }
0x66: {  	_ =	shalt  }
0x67: {  	_ =	shalt  }
0x68: {  	_ =	shalt  }
0x69: {  	_ =	shalt  }
0x6a: {  	_ =	shalt  }
0x6b: {  	_ =	shalt  }
0x6c: {  	_ =	shalt  }
0x6d: {  	_ =	shalt  }
0x6e: {  	_ =	shalt  }
0x6f: {  	_ =	shalt  }
0x70: {  	_ =	shalt  }
0x71: {  	_ =	shalt  }
0x72: {  	_ =	shalt  }
0x73: {  	_ =	shalt  }
0x74: {  	_ =	shalt  }
0x75: {  	_ =	shalt  }
0x76: {  	_ =	shalt  }
0x77: {  	_ =	shalt  }
0x78: {  	_ =	shalt  }
0x79: {  	_ =	shalt  }
0x7a: {  	_ =	shalt  }
0x7b: {  	_ =	shalt  }
0x7c: {  	_ =	shalt  }
0x7d: {  	_ =	shalt  }
0x7e: {  	_ =	shalt  }
0x7f: {  	_ =	shalt  }
0x80: {  	_ =	shalt  }
0x81: {  	_ =	shalt  }
0x82: {  	_ =	shalt  }
0x83: {  	_ =	shalt  }
0x84: {  	_ =	shalt  }
0x85: {  	_ =	shalt  }
0x86: {  	_ =	shalt  }
0x87: {  	_ =	shalt  }
.Lfunc_end0:
.L_simem_size_0:
called_computation.3_lowered:
.L_overlay_start_0:
0x88: {  	s2 =	sld [smem:$0x3FD9]  }
0x89: {  	s3 =	sld [smem:$0x3FFE];
	_ =	sdelay $0x1  }
0x8a: {  	s1 =	srdreg.scid  }
0x8b: {  	s0 =	sand.u32 $0x1, s1  }
0x8c: {  	s15 =	sshll.u32 s0, $0xA;
	s2 =	sadd.s32 s3, s2  }
0x8d: {  	s2 =	sadd.s32 s2, s15  }
0x8e: {  	[smem:$0x3FB9] =	sst s2  }
0x8f: {  	_ = 	snop  }
0x90: {  	s2 =	sld [smem:$0x3FD0];
	_ =	sdelay $0x2  }
0x91: {  	s16 =	simm.s32 $0xB;
	s4 =	simm.s32 $0x10  }
0x92: {  	[smem:s4], [sflag:s16] =	dma.local [hbm:s2], $0x1  }
0x93: {  	_ =	swait.eq [sflag:s16], $0x1  }
0x94: {  	[sflag:s16] =	ssyncset.done $0x0  }
0x95: {  	[sflag:s16] =	ssyncadd.s32 $0xFFFFFFFF  }
0x96: {  	s17 =	sld [smem:$0x10];
	(tm) =	ssettm $0x1  }
0x97: {  	s18 =	sld [smem:$0x3FFB];
	_ =	sdelay $0x3  }
0x98: {  	_ =	strace s18  }
0x99: {  	s2 =	sld [smem:$0x3FFC];
	_ =	sdelay $0x3  }
0x9a: {  	_ =	strace s2  }
0x9b: {  	s2 =	sld [smem:$0x3FFD];
	_ =	sdelay $0x3  }
0x9c: {  	_ =	strace s2  }
0x9d: {  	_ =	strace $0x8FFFFFFF  }
0x9e: {  	s19 =	sld [smem:$0x3FDB];
	_ =	sdelay $0x1  }
0x9f: {  	s20 =	simm.s32 $_scs_section_size  }
0xa0: {  	s5 =	simm.s32 $_size__tile_overlayer_lowered;
	s6 =	simm.s32 $_tile_overlayer_lowered  }
0xa1: {  	s7 =	simm.s32 $0x1BFF;
	s21 =	sshll.u32 s6, $0x1;
	s4 =	sadd.s32 s20, s19  }
0xa2: {  	s22 =	simm.s32 $0x0;
	s5 =	sshll.u32 s5, $0x1;
	s6 =	sadd.s32 s21, s4  }
0xa3: {  	[timem:s22], [sflag:s7] =	dma.local [hbm:s6], s5  }
0xa4: {  	_ =	swait.ge [sflag:s7], s5  }
0xa5: {  	s5 =	ssub.s32 $0x0, s5;
	[sflag:s7] =	ssyncset.done $0x0  }
0xa6: {  	[sflag:s7] =	ssyncadd.s32 s5;
	_ =	sdelay $0x1  }
0xa7: {  	s23 =	simm.s32 $0x1B8B  }
0xa8: {  	_ =	swait.ge [sflag:s23], $0x1  }
0xa9: {  	[sflag:s23] =	ssyncset.done $0x0  }
0xaa: {  	[sflag:s23] =	ssyncadd.s32 $0xFFFFFFFF  }
0xab: {  	s5 =	sld [smem:$0x0]  }
0xac: {  	s6 =	sand.u32 $0xFFFFFFFE, s1  }
0xad: {  	p0 =	sne.s32 s1, s6  }
0xae: {  	s6 =	sshll.u32 @p0 s6, $0xE  }
0xaf: {  	s6 =	sadd.s32 @p0 $0x11B8D, s6;
	s7 =	sshll.u32 @p0 s5, $0x11  }
0xb0: {  	s6 =	sor.u32 @p0 s7, s6  }
0xb1: {  	[sflag:s6] =	ssyncadd.remote.s32 @p0 $0x1;
	_ =	sdelay $0x1  }
0xb2: {  	s6 =	simm.s32 @p0 $0x1B8D  }
0xb3: {  	_ =	swait.eq @p0 [sflag:s6], $0x1  }
0xb4: {  	[sflag:s6] =	ssyncadd.s32 @p0 $0xFFFFFFFF  }
0xb5: {  	s7 =	sshll.u32 @!p0 s1, $0xE  }
0xb6: {  	s7 =	sor.u32 @!p0 $0x4000, s7;
	s6 =	simm.s32 @!p0 $0x1B8D  }
0xb7: {  	s5 =	sshll.u32 @!p0 s5, $0x11;
	s7 =	sadd.s32 @!p0 $0x11B8D, s7;
	_ =	swait.eq @!p0 [sflag:s6], $0x1  }
0xb8: {  	s5 =	sor.u32 @!p0 s5, s7;
	[sflag:s6] =	ssyncadd.s32 @!p0 $0xFFFFFFFF  }
0xb9: {  	s25 =	simm.s32 $0x1B8E;
	s24 =	sld [smem:$0x3FFE];
	[sflag:s5] =	ssyncadd.remote.s32 @!p0 $0x1  }
0xba: {  	s26 =	simm.s32 $execute0_lowered;
	[smem:$0x3FD2] =	sst s25  }
0xbb: {  	s6 =	sshll.u32 s26, $0x1;
	_ =	strace $0x8000004F;
	[dreg:$0x1] =	wrdreg $0xFFFFFFFF  }
0xbc: {  	s28 =	simm.s32 $_size_execute0_lowered;
	s4 =	sadd.s32 s4, s6;
	[dreg:$0x0] =	wrdreg $0x0  }
0xbd: {  	s6 =	sshll.u32 s28, $0x1;
	[dreg:$0x2] =	wrdreg s4  }
0xbe: {  	[dreg:$0x3] =	wrdreg s6  }
0xbf: {  	[dreg:$0x4] =	wrdreg $0xC0  }
0xc0: {  	_ =	task [dreg:s22], $0x5FFFF  }
0xc1: {  	[dreg:$0x1] =	wrdreg $0xFFFFFFFF  }
0xc2: {  	[dreg:$0x0] =	wrdreg $0x60  }
0xc3: {  	[dreg:$0x2] =	wrdreg s17  }
0xc4: {  	[dreg:$0x3] =	wrdreg s24  }
0xc5: {  	[dreg:$0x4] =	wrdreg $0x0  }
0xc6: {  	[dreg:$0x5] =	wrdreg $0xA  }
0xc7: {  	_ =	task.clear_ibuf [dreg:s22], $0x6FFFF;
	_ =	strace $0x9000004F  }
0xc8: {  	s29 =	simm.s32 $0xA;
	_ =	strace $0x80000051  }
0xc9: {  	_ =	swait.ge [sflag:s29], $0x1  }
0xca: {  	[sflag:s29] =	ssyncadd.s32 $0xFFFFFFFF  }
0xcb: {  	_ =	strace $0x90000051  }
0xcc: {  	_ =	sfence  }
0xcd: {  	s30 =	sld [smem:$0x0];
	_ =	sdelay $0x2  }
0xce: {  	s31 =	sshll.u32 s1, $0xD;
	s1 =	sshrl.u32 s1, $0x2  }
0xcf: {  	s4 =	sand.u32 $0x4000, s31;
	s1 =	sadd.s32 s1, s30  }
0xd0: {  	s0 =	sor.u32 s4, s0;
	s1 =	sshll.u32 s1, $0x11  }
0xd1: {  	s0 =	sor.u32 s1, s0  }
0xd2: {  	s0 =	sadd.s32 $0x8F2B, s0  }
0xd3: {  	[sflag:s0] =	ssyncadd.remote.s32 $0x1  }
0xd4: {  	_ =	sfence.sel $0xFFFF  }
0xd5: {  	[dreg:$0x0] =	wrdreg $0xFFFFFFFF;
	(pc) =	sbr.abs _section_cstart, $3  }
0xd6: {  	[dreg:$0x1] =	wrdreg $0xFFFFFFFF  }
0xd7: {  	_ =	task.clear_ibuf [dreg:s22], $0x2FFFF;
	_ =	strace $0x9FFFFFFF  }
0xd8: {  	(tm) =	ssettm $0x7FFFFFFF  }
0xd9: {  	_ =	shalt  }
tec
execute0_lowered:
.L_overlay_start_1:
0x0: {  	(tag) =	ssettag $0x1  }
0x1: {  	s0 =	rddreg [dreg:$0x0]  }
0x2: {  	s1 =	rddreg [dreg:$0x1]  }
0x3: {  	s2 =	rddreg [dreg:$0x2];
	s3 =	simm.s32 $0x0;
	s4 =	srdreg.scid  }
0x4: {  	s19 =	stileid.u32;
	s28 =	simm.s32 $0x1A600;
	s29 =	simm.s32 $0x0  }
0x5: {  	[smem:$0x7FF] =	sst s3;
	s8 =	sand.u32 $0x1, s4;
	s5 =	smul.u32 $0x2800, s19  }
0x6: {  	s14 =	sadd.s32 $0x6E00, s1;
	s12 =	sadd.s32 $0xEDDC00, s1;
	s9 =	smul.u32 $0x50000, s19  }
0x7: {  	s13 =	sadd.s32 $0x114EC00, s1;
	s17 =	sadd.s32 $0x4000, s1;
	s26 =	smul.u32 $0x13880, s19  }
0x8: {  	s22 =	sshll.u32 s19, $0x6;
	_ =	strace $0x80000050;
	s6 =	smul.u32 $0x28000, s8  }
0x9: {  	[dreg:$0x4] =	wrdreg s17;
	s7 =	ssub.s32 $0x2, s8;
	s15 =	smul.u32 $0x138800, s8  }
0xa: {  	s18 =	sshll.u32 s8, $0x4;
	s17 =	smul.u32 $0x13880, s8;
	s20 =	sshrl.u32 s7, $0x1  }
0xb: {  	s21 =	sshrl.u32 s9, $0x2;
	s5 =	sadd.s32 s5, s6;
	s6 =	sor.u32 s19, s18  }
0xc: {  	s11 =	ssub.s32 s7, s20;
	s16 =	sadd.s32 s21, s2;
	s18 =	smul.u32 $0x1388, s19  }
0xd: {  	s19 =	simm.s32 $0x14080;
	s20 =	simm.s32 $0x50;
	s21 =	simm.s32 $0x16880  }
0xe: {  	s1 =	sadd.s32 s5, s1;
	s6 =	smul.u32 $0x1388, s6;
	s5 =	sor.u32 $0x1C01, s22  }
0xf: {  	s11 =	smax.u32 s11, $0x1;
	s16 =	sshrl.u32 s16, $0x3;
	s22 =	simm.s32 $0x16900  }
0x10: {  	s30 =	sadd.s32 s18, s17;
	s17 =	simm.s32 $0x1;
	s6 =	sadd.s32 $0x1360, s6  }
0x11: {  	s18 =	simm.s32 $0x14000;
	s23 =	sshrl.u32 s6, $0x3;
	s10 =	sshll.u32 s6, $0x4  }
0x12: {  	s31 =	sshrl.u32 s30, $0x3;
	s24 =	sadd.s32 s0, s23;
	s25 =	sadd.s32 s12, s10  }
0x13: {  	s8 =	sadd.s32 s14, s23;
	s9 =	sadd.s32 s13, s10;
	s10 =	sadd.s32 $0x2D9000, s1  }
0x14: {  	s12 =	sadd.s32 s15, s12;
	s13 =	sadd.s32 s15, s13;
	s14 =	sadd.s32 s31, s14  }
0x15: {  	s15 =	sadd.s32 s31, s0;
	s23 =	simm.s32 $0x19100;
	[dreg:$0x5] =	wrdreg s24  }
0x16: {  	[dreg:$0x6] =	wrdreg s25;
	s12 =	sadd.s32 s26, s12;
	s13 =	sadd.s32 s26, s13  }
0x17: {  	s24 =	simm.s32 $0x19180;
	s25 =	simm.s32 $0x28;
	s26 =	simm.s32 $0x1A580  }
.LBB2_1:
0x18: {  	s0 =	rddreg [dreg:$0x4]  }
0x19: {  	[spmem:s16], [sflag:s5] =	dma.local [hbm:s0], $0x2800  }
0x1a: {  	_ =	swait.ge [sflag:s17], $0x2800  }
0x1b: {  	[sflag:s17] =	ssyncset.done $0x0  }
0x1c: {  	[sflag:s17] =	ssyncadd.s32 $0xFFFFD800  }
0x1d: {  	s6 =	sadd.s32 $0x0, s15;
	[bflag:$0x0] =	sbarrier.arrive $0xFFFF  }
0x1e: {  	[tilespmem:s18], [sflag:$0x1] =	stream.linear.gather [hbm4b:s6+s3], $0x50, $0x38;
	[tilespmem:$0x1BA00] =	vst v63  }
0x1f: {  	_ =	swait.ge [sflag:s17], $0x50  }
0x20: {  	[sflag:s17] =	ssyncset.done $0x0  }
0x21: {  	[sflag:s17] =	ssyncadd.s32 $0xFFFFFFB0  }
0x22: {  	[tilespmem:s19], [sflag:$0x1] =	stream.linear.gather [hbm4b:s12+s3], $0x2800, $0x38;
	[tilespmem:$0x1BA00] =	vst v63  }
0x23: {  	_ =	swait.ge [sflag:s17], $0x2800  }
0x24: {  	[sflag:s17] =	ssyncset.done $0x0  }
0x25: {  	[sflag:s17] =	ssyncadd.s32 $0xFFFFD800  }
0x26: {  	[spmem:s2] =	stream.indirect.scatter.add.f32 [tilespmem:s19], [sflag:$0x1], $0x80, s18, s20, $0xb8;
	[tilespmem:$0x1BA00] =	vst v63  }
0x27: {  	_ =	swait.ge [sflag:s17], $0x2800  }
0x28: {  	[sflag:s17] =	ssyncset.done $0x0  }
0x29: {  	s7 =	sadd.s32 $0x0, s14;
	[sflag:s17] =	ssyncadd.s32 $0xFFFFD800  }
0x2a: {  	[tilespmem:s21], [sflag:$0x1] =	stream.linear.gather [hbm4b:s7+s3], $0x50, $0x38;
	[tilespmem:$0x1BA00] =	vst v63  }
0x2b: {  	_ =	swait.ge [sflag:s17], $0x50  }
0x2c: {  	[sflag:s17] =	ssyncset.done $0x0  }
0x2d: {  	[sflag:s17] =	ssyncadd.s32 $0xFFFFFFB0  }
0x2e: {  	[tilespmem:s22], [sflag:$0x1] =	stream.linear.gather [hbm4b:s13+s3], $0x2800, $0x38;
	[tilespmem:$0x1BA00] =	vst v63  }
0x2f: {  	_ =	swait.ge [sflag:s17], $0x2800  }
0x30: {  	[sflag:s17] =	ssyncset.done $0x0  }
0x31: {  	[sflag:s17] =	ssyncadd.s32 $0xFFFFD800  }
0x32: {  	[spmem:s2] =	stream.indirect.scatter.add.f32 [tilespmem:s22], [sflag:$0x1], $0x80, s21, s20, $0xb8;
	[tilespmem:$0x1BA00] =	vst v63  }
0x33: {  	s31 =	simm.s32 $0xA;
	s1 =	simm.s32 $0x14;
	_ =	swait.ge [sflag:s17], $0x2800  }
0x34: {  	s30 =	sadd.s32 $0x500, s13;
	s0 =	sadd.s32 $0x500, s12;
	[sflag:s17] =	ssyncset.done $0x0  }
.LBB2_2:
0x35: {  	s4 =	sadd.s32 s31, s15  }
0x36: {  	[sflag:s17] =	ssyncadd.s32 $0xFFFFD800;
	s6 =	smov.u32 s1;
	s7 =	sadd.s32 $0xA, s1  }
0x37: {  	[tilespmem:s18], [sflag:$0x1] =	stream.linear.gather [hbm4b:s4+s3], $0x50, $0x38;
	[tilespmem:$0x1BA00] =	vst v63  }
0x38: {  	p0 =	sne.s32 s1, $0x262;
	_ =	swait.ge [sflag:s17], $0x50  }
0x39: {  	[sflag:s17] =	ssyncset.done $0x0  }
0x3a: {  	[sflag:s17] =	ssyncadd.s32 $0xFFFFFFB0  }
0x3b: {  	[tilespmem:s19], [sflag:$0x1] =	stream.linear.gather [hbm4b:s0+s3], $0x2800, $0x38;
	[tilespmem:$0x1BA00] =	vst v63  }
0x3c: {  	_ =	swait.ge [sflag:s17], $0x2800  }
0x3d: {  	[sflag:s17] =	ssyncset.done $0x0  }
0x3e: {  	[sflag:s17] =	ssyncadd.s32 $0xFFFFD800  }
0x3f: {  	[spmem:s2] =	stream.indirect.scatter.add.f32 [tilespmem:s19], [sflag:$0x1], $0x80, s18, s20, $0xb8;
	[tilespmem:$0x1BA00] =	vst v63  }
0x40: {  	_ =	swait.ge [sflag:s17], $0x2800  }
0x41: {  	[sflag:s17] =	ssyncset.done $0x0  }
0x42: {  	s1 =	sadd.s32 s31, s14;
	s31 =	smov.u32 s6;
	[sflag:s17] =	ssyncadd.s32 $0xFFFFD800  }
0x43: {  	[tilespmem:s21], [sflag:$0x1] =	stream.linear.gather [hbm4b:s1+s3], $0x50, $0x38;
	[tilespmem:$0x1BA00] =	vst v63  }
0x44: {  	_ =	swait.ge [sflag:s17], $0x50  }
0x45: {  	[sflag:s17] =	ssyncset.done $0x0  }
0x46: {  	[sflag:s17] =	ssyncadd.s32 $0xFFFFFFB0  }
0x47: {  	[tilespmem:s22], [sflag:$0x1] =	stream.linear.gather [hbm4b:s30+s3], $0x2800, $0x38;
	[tilespmem:$0x1BA00] =	vst v63  }
0x48: {  	_ =	swait.ge [sflag:s17], $0x2800  }
.Ltmp0:
0x49: {  	[sflag:s17] =	ssyncset.done $0x0;
	(pc) =	sbr.rel @p0 .LBB2_2-.Ltmp0, $4  }
0x4a: {  	[sflag:s17] =	ssyncadd.s32 $0xFFFFD800  }
0x4b: {  	[spmem:s2] =	stream.indirect.scatter.add.f32 [tilespmem:s22], [sflag:$0x1], $0x80, s21, s20, $0xb8;
	[tilespmem:$0x1BA00] =	vst v63  }
0x4c: {  	s0 =	sadd.s32 $0x500, s0;
	_ =	swait.ge [sflag:s17], $0x2800  }
0x4d: {  	s1 =	smov.u32 s7;
	s30 =	sadd.s32 $0x500, s30;
	[sflag:s17] =	ssyncset.done $0x0  }
0x4e: {  	s1 =	sadd.s32 s31, s15;
	[sflag:s17] =	ssyncadd.s32 $0xFFFFD800  }
0x4f: {  	[tilespmem:s18], [sflag:$0x1] =	stream.linear.gather [hbm4b:s1+s3], $0x50, $0x38;
	[tilespmem:$0x1BA00] =	vst v63  }
0x50: {  	_ =	swait.ge [sflag:s17], $0x50  }
0x51: {  	[sflag:s17] =	ssyncset.done $0x0  }
0x52: {  	[sflag:s17] =	ssyncadd.s32 $0xFFFFFFB0  }
0x53: {  	[tilespmem:s19], [sflag:$0x1] =	stream.linear.gather [hbm4b:s0+s3], $0x2800, $0x38;
	[tilespmem:$0x1BA00] =	vst v63  }
0x54: {  	_ =	swait.ge [sflag:s17], $0x2800  }
0x55: {  	[sflag:s17] =	ssyncset.done $0x0  }
0x56: {  	[sflag:s17] =	ssyncadd.s32 $0xFFFFD800  }
0x57: {  	[spmem:s2] =	stream.indirect.scatter.add.f32 [tilespmem:s19], [sflag:$0x1], $0x80, s18, s20, $0xb8;
	[tilespmem:$0x1BA00] =	vst v63  }
0x58: {  	_ =	swait.ge [sflag:s17], $0x2800  }
0x59: {  	[sflag:s17] =	ssyncset.done $0x0  }
0x5a: {  	s7 =	sadd.s32 s31, s14;
	[sflag:s17] =	ssyncadd.s32 $0xFFFFD800  }
0x5b: {  	[tilespmem:s21], [sflag:$0x1] =	stream.linear.gather [hbm4b:s7+s3], $0x50, $0x38;
	[tilespmem:$0x1BA00] =	vst v63  }
0x5c: {  	_ =	swait.ge [sflag:s17], $0x50  }
0x5d: {  	[sflag:s17] =	ssyncset.done $0x0  }
0x5e: {  	[sflag:s17] =	ssyncadd.s32 $0xFFFFFFB0  }
0x5f: {  	[tilespmem:s22], [sflag:$0x1] =	stream.linear.gather [hbm4b:s30+s3], $0x2800, $0x38;
	[tilespmem:$0x1BA00] =	vst v63  }
0x60: {  	_ =	swait.ge [sflag:s17], $0x2800  }
0x61: {  	[sflag:s17] =	ssyncset.done $0x0  }
0x62: {  	[sflag:s17] =	ssyncadd.s32 $0xFFFFD800  }
0x63: {  	[spmem:s2] =	stream.indirect.scatter.add.f32 [tilespmem:s22], [sflag:$0x1], $0x80, s21, s20, $0xb8;
	[tilespmem:$0x1BA00] =	vst v63  }
0x64: {  	_ =	swait.ge [sflag:s17], $0x2800  }
0x65: {  	[sflag:s17] =	ssyncset.done $0x0  }
0x66: {  	s30 =	rddreg [dreg:$0x5];
	[sflag:s17] =	ssyncadd.s32 $0xFFFFD800  }
0x67: {  	[tilespmem:s23], [sflag:$0x1] =	stream.linear.gather [hbm4b:s30+s3], $0x28, $0x38;
	[tilespmem:$0x1BA00] =	vst v63  }
0x68: {  	_ =	swait.ge [sflag:s17], $0x28  }
0x69: {  	[sflag:s17] =	ssyncset.done $0x0  }
0x6a: {  	s31 =	rddreg [dreg:$0x6];
	[sflag:s17] =	ssyncadd.s32 $0xFFFFFFD8  }
0x6b: {  	[tilespmem:s24], [sflag:$0x1] =	stream.linear.gather [hbm4b:s31+s3], $0x1400, $0x38;
	[tilespmem:$0x1BA00] =	vst v63  }
0x6c: {  	_ =	swait.ge [sflag:s17], $0x1400  }
0x6d: {  	[sflag:s17] =	ssyncset.done $0x0  }
0x6e: {  	[sflag:s17] =	ssyncadd.s32 $0xFFFFEC00  }
0x6f: {  	[spmem:s2] =	stream.indirect.scatter.add.f32 [tilespmem:s24], [sflag:$0x1], $0x80, s23, s25, $0xb8;
	[tilespmem:$0x1BA00] =	vst v63  }
0x70: {  	_ =	swait.ge [sflag:s17], $0x1400  }
0x71: {  	[sflag:s17] =	ssyncset.done $0x0  }
0x72: {  	[sflag:s17] =	ssyncadd.s32 $0xFFFFEC00  }
0x73: {  	[tilespmem:s26], [sflag:$0x1] =	stream.linear.gather [hbm4b:s8+s3], $0x28, $0x38;
	[tilespmem:$0x1BA00] =	vst v63  }
0x74: {  	_ =	swait.ge [sflag:s17], $0x28  }
0x75: {  	[sflag:s17] =	ssyncset.done $0x0  }
0x76: {  	[sflag:s17] =	ssyncadd.s32 $0xFFFFFFD8  }
0x77: {  	[tilespmem:s28], [sflag:$0x1] =	stream.linear.gather [hbm4b:s9+s3], $0x1400, $0x38;
	[tilespmem:$0x1BA00] =	vst v63  }
0x78: {  	_ =	swait.ge [sflag:s17], $0x1400  }
0x79: {  	[sflag:s17] =	ssyncset.done $0x0  }
0x7a: {  	[sflag:s17] =	ssyncadd.s32 $0xFFFFEC00  }
0x7b: {  	[spmem:s2] =	stream.indirect.scatter.add.f32 [tilespmem:s28], [sflag:$0x1], $0x80, s26, s25, $0xb8;
	[tilespmem:$0x1BA00] =	vst v63  }
0x7c: {  	_ =	swait.ge [sflag:s17], $0x1400  }
0x7d: {  	s29 =	sadd.s32 $0x1, s29;
	[sflag:s17] =	ssyncset.done $0x0  }
0x7e: {  	p0 =	sne.s32 s29, s11;
	[sflag:s17] =	ssyncadd.s32 $0xFFFFEC00  }
.Ltmp1:
0x7f: {  	[bflag:$0x0] =	sbarrier.arrive $0xFFFF;
	(pc) =	sbr.rel @p0 .LBB2_1-.Ltmp1, $4  }
0x80: {  	[hbm:s10], [sflag:s5] =	dma.local [spmem:s16], $0x2800  }
0x81: {  	_ =	swait.ge [sflag:s17], $0x2800  }
0x82: {  	[sflag:s17] =	ssyncset.done $0x0  }
0x83: {  	[sflag:s17] =	ssyncadd.s32 $0xFFFFD800  }
0x84: {  	_ =	sfence.sel $0x180000  }
0x85: {  	[bflag:$0x0] =	sbarrier.arrive $0xFFFF  }
0x86: {  	_ =	strace $0x90000050  }
0x87: {  	s0 =	stileid.u32;
	[bflag:$0x2] =	sbarrier.arrive $0xFFFF  }
0x88: {  	p0 =	sne.s32 s0, $0x0;
	s0 =	rddreg [dreg:$0x3]  }
0x89: {  	s0 =	sadd.s32 @!p0 $0x100000, s0  }
0x8a: {  	[sflag:s0] =	ssyncadd.tile.s32 @!p0 $0x1;
	_ =	shalt  }
.Lfunc_end2:
_tile_overlayer_lowered:
.L_overlay_start_2:
0x8b: {  	(tag) =	ssettag $0x2  }
0x8c: {  	s0 =	rddreg [dreg:$0x0];
	s2 =	stileid.u32  }
0x8d: {  	s1 =	rddreg [dreg:$0x1];
	p0 =	sne.s32 s2, $0x0  }
0x8e: {  	s3 =	rddreg [dreg:$0x2];
	[bflag:$0x3] =	sbarrier.arrive $0xFFFF;
	s2 =	simm.s32 @!p0 $0x1C01  }
0x8f: {  	[timem:s3], [sflag:s2] =	dma.local @!p0 [hbm:s0], s1  }
0x90: {  	s0 =	simm.s32 @!p0 $0x1  }
0x91: {  	_ =	swait.ge @!p0 [sflag:s0], s1  }
0x92: {  	s1 =	ssub.s32 @!p0 $0x0, s1;
	[sflag:s0] =	ssyncset.done @!p0 $0x0  }
0x93: {  	[sflag:s0] =	ssyncadd.s32 @!p0 s1  }
0x94: {  	[bflag:$0x3] =	sbarrier.arrive $0xFFFF  }
0x95: {  	_ =	shalt  }

</sc_bundles>
